<compile_context>
chip_gen: v7x
topology: tpu7x:2x2x1
jax: 0.10.2.dev20260603
libtpu: 0.0.44.dev20260713+nightly
codegen_flags: <defaults>
</compile_context>

<pallas_src>
import functools

import jax
import jax.numpy as jnp
import numpy as np
from jax import lax
from jax.experimental import pallas as pl
from jax.experimental.pallas import tpu as pltpu
from jax.experimental.pallas import tpu_sc as plsc

N = 10000
E = 320000
D_NODE = 128
D_EDGE = 16
H1 = 128
H2 = 128
OUT = 1

NC = 2
NS = 16
NW = NC * NS
CH = 128
K_CHUNKS = 79
E_PAD = NW * CH * K_CHUNKS
NPAD = 10112
RPT = NPAD // NS

_f32 = jnp.float32


def _sc_mesh():
    return plsc.VectorSubcoreMesh(core_axis_name="c", subcore_axis_name="s")


def _zero_acc_rows(srcbuf, acc, r0, nrows):
    done = 0
    while done < nrows:
        step = min(CH, nrows - done)
        pltpu.sync_copy(srcbuf.at[pl.ds(0, step)],
                        acc.at[pl.ds(r0 + done, step)])
        done += step


def _fill_128(buf, vec16):
    def fill(i, _):
        for j in range(8):
            buf[i, pl.ds(j * 16, 16)] = vec16
        return 0
    lax.fori_loop(0, CH, fill, 0)


@functools.partial(
    pl.kernel,
    out_type=jax.ShapeDtypeStruct((NC, NPAD, 128), _f32),
    mesh=_sc_mesh(),
    scratch_types=[
        pltpu.VMEM((CH,), jnp.int32),
        pltpu.VMEM((CH, 128), _f32),
        pltpu.VMEM_SHARED((NPAD, 128), _f32),
    ],
)
def _sc_rowscatter(rows_h, idx_h, out_o, idxv, rows, acc):
    c = lax.axis_index("c")
    s = lax.axis_index("s")
    wid = s * NC + c

    _fill_128(rows, jnp.zeros((16,), _f32))
    r0 = s * RPT
    _zero_acc_rows(rows, acc, r0, RPT)
    plsc.subcore_barrier()

    def step(k, _):
        base = (wid * K_CHUNKS + k) * CH
        pltpu.sync_copy(idx_h.at[pl.ds(base, CH)], idxv)
        pltpu.sync_copy(rows_h.at[pl.ds(base, CH)], rows)
        pltpu.sync_copy(rows, acc.at[idxv], add=True)
        return 0

    lax.fori_loop(0, K_CHUNKS, step, 0)
    plsc.subcore_barrier()
    pltpu.sync_copy(acc.at[pl.ds(r0, RPT)], out_o.at[c, pl.ds(r0, RPT)])


@functools.partial(
    pl.kernel,
    out_type=jax.ShapeDtypeStruct((NC, NPAD, 128), _f32),
    mesh=_sc_mesh(),
    scratch_types=[
        pltpu.VMEM((CH,), jnp.int32),
        pltpu.VMEM((CH, 128), _f32),
        pltpu.VMEM((CH, 128), _f32),
        pltpu.VMEM_SHARED((NPAD, 128), _f32),
    ],
)
def _sc_histogram(idx_h, out_o, idxv, zrows, ones, acc):
    c = lax.axis_index("c")
    s = lax.axis_index("s")
    wid = s * NC + c

    _fill_128(zrows, jnp.zeros((16,), _f32))
    _fill_128(ones, jnp.ones((16,), _f32))
    r0 = s * RPT
    _zero_acc_rows(zrows, acc, r0, RPT)
    plsc.subcore_barrier()

    def step(k, _):
        base = (wid * K_CHUNKS + k) * CH
        pltpu.sync_copy(idx_h.at[pl.ds(base, CH)], idxv)
        pltpu.sync_copy(ones, acc.at[idxv], add=True)
        return 0

    lax.fori_loop(0, K_CHUNKS, step, 0)
    plsc.subcore_barrier()
    pltpu.sync_copy(acc.at[pl.ds(r0, RPT)], out_o.at[c, pl.ds(r0, RPT)])


@functools.partial(
    pl.kernel,
    out_type=jax.ShapeDtypeStruct((NC, NPAD, H1), _f32),
    mesh=_sc_mesh(),
    scratch_types=[
        pltpu.VMEM((CH,), jnp.int32),
        pltpu.VMEM((CH,), jnp.int32),
        pltpu.VMEM((CH, H1), _f32),
        pltpu.VMEM_SHARED((NPAD, H1), _f32),
        pltpu.SemaphoreType.DMA,
    ],
)
def _sc_segsum(tab_h, src_h, dst_h, out_o, sidx, didx, rows, acc, sem):
    c = lax.axis_index("c")
    s = lax.axis_index("s")
    wid = s * NC + c

    _fill_128(rows, jnp.zeros((16,), _f32))
    r0 = s * RPT
    _zero_acc_rows(rows, acc, r0, RPT)
    plsc.subcore_barrier()

    def step(k, _):
        base = (wid * K_CHUNKS + k) * CH
        pltpu.sync_copy(src_h.at[pl.ds(base, CH)], sidx)
        pltpu.sync_copy(dst_h.at[pl.ds(base, CH)], didx)
        pltpu.async_copy(tab_h.at[sidx], rows, sem).wait()
        pltpu.sync_copy(rows, acc.at[didx], add=True)
        return 0

    lax.fori_loop(0, K_CHUNKS, step, 0)
    plsc.subcore_barrier()
    pltpu.sync_copy(acc.at[pl.ds(r0, RPT)], out_o.at[c, pl.ds(r0, RPT)])


_BT = 632
_GT = NPAD // _BT


def _k1_body(x_ref, w_ref, o_ref):
    o_ref[...] = jnp.dot(x_ref[...], w_ref[...], preferred_element_type=_f32)


def _tc_k1(x_pad, W1n):
    return pl.pallas_call(
        _k1_body,
        grid=(_GT,),
        in_specs=[
            pl.BlockSpec((_BT, D_NODE), lambda i: (i, 0)),
            pl.BlockSpec((D_NODE, H1), lambda i: (0, 0)),
        ],
        out_specs=pl.BlockSpec((_BT, H1), lambda i: (i, 0)),
        out_shape=jax.ShapeDtypeStruct((NPAD, H1), _f32),
    )(x_pad, W1n)


def _k2_body(agg_ref, ed_ref, do_ref, w1e_ref, b1_ref, w2_ref, o_ref):
    a = agg_ref[0] + agg_ref[1]
    se = ed_ref[0, :, :D_EDGE] + ed_ref[1, :, :D_EDGE]
    h = jnp.maximum(
        a + jnp.dot(se, w1e_ref[...], preferred_element_type=_f32) + b1_ref[...],
        0.0)
    od = do_ref[0, :, :1] + do_ref[1, :, :1]
    sn = lax.rsqrt(jnp.maximum(od, 1.0))
    o_ref[...] = jnp.dot(h, w2_ref[...], preferred_element_type=_f32) * sn


def _tc_k2(agg, ed, do, W1e, b1r, W2):
    return pl.pallas_call(
        _k2_body,
        grid=(_GT,),
        in_specs=[
            pl.BlockSpec((NC, _BT, H1), lambda i: (0, i, 0)),
            pl.BlockSpec((NC, _BT, 128), lambda i: (0, i, 0)),
            pl.BlockSpec((NC, _BT, 128), lambda i: (0, i, 0)),
            pl.BlockSpec((D_EDGE, H1), lambda i: (0, 0)),
            pl.BlockSpec((1, H1), lambda i: (0, 0)),
            pl.BlockSpec((H1, H2), lambda i: (0, 0)),
        ],
        out_specs=pl.BlockSpec((_BT, H2), lambda i: (i, 0)),
        out_shape=jax.ShapeDtypeStruct((NPAD, H2), _f32),
    )(agg, ed, do, W1e, b1r, W2)


_BM = 1000
_GM = N // _BM


def _k3_body(a2_ref, ed_ref, b2_ref, wp_ref, bp_ref, o_ref, accs):
    i = pl.program_id(0)

    @pl.when(i == 0)
    def _():
        accs[...] = jnp.zeros_like(accs)

    a = a2_ref[0] + a2_ref[1]
    din = ed_ref[0, :, D_EDGE:D_EDGE + 1] + ed_ref[1, :, D_EDGE:D_EDGE + 1]
    dn = lax.rsqrt(jnp.maximum(din, 1.0))
    h2 = jnp.maximum(a * dn + b2_ref[...], 0.0)
    accs[...] += jnp.sum(h2, axis=0, keepdims=True)

    @pl.when(i == _GM - 1)
    def _():
        hg = accs[...] * np.float32(1.0 / N)
        o_ref[...] = jnp.sum(hg * wp_ref[...], axis=1, keepdims=True) + bp_ref[...]


def _tc_k3(a2, ed, b2r, wpr, bpr):
    return pl.pallas_call(
        _k3_body,
        grid=(_GM,),
        in_specs=[
            pl.BlockSpec((NC, _BM, H2), lambda i: (0, i, 0)),
            pl.BlockSpec((NC, _BM, 128), lambda i: (0, i, 0)),
            pl.BlockSpec((1, H2), lambda i: (0, 0)),
            pl.BlockSpec((1, H2), lambda i: (0, 0)),
            pl.BlockSpec((1, 1), lambda i: (0, 0)),
        ],
        out_specs=pl.BlockSpec((1, 1), lambda i: (0, 0)),
        out_shape=jax.ShapeDtypeStruct((1, 1), _f32),
        scratch_shapes=[pltpu.VMEM((1, H2), _f32)],
    )(a2, ed, b2r, wpr, bpr)


@jax.jit
def kernel(node_features, edge_index, edge_features, W1n, W1e, b1, W2, b2, Wp, bp):
    src = edge_index[0]
    dst = edge_index[1]
    npad_rows = NPAD - N
    epad = E_PAD - E
    srcp = jnp.concatenate([src, jnp.full((epad,), N, jnp.int32)])
    dstp = jnp.concatenate([dst, jnp.full((epad,), N, jnp.int32)])
    x_pad = jnp.concatenate([node_features, jnp.zeros((npad_rows, D_NODE), _f32)])
    eatw = jnp.zeros((E_PAD, 128), _f32)
    eatw = eatw.at[:E, :D_EDGE].set(edge_features)
    eatw = eatw.at[:E, D_EDGE].set(1.0)

    xw = _tc_k1(x_pad, W1n)
    ed = _sc_rowscatter(eatw, dstp)
    do = _sc_histogram(srcp)
    agg = _sc_segsum(xw, srcp, dstp)
    v = _tc_k2(agg, ed, do, W1e, b1.reshape(1, H1), W2)
    a2 = _sc_segsum(v, srcp, dstp)
    out = _tc_k3(a2, ed, b2.reshape(1, H2), Wp.reshape(1, H2), bp.reshape(1, 1))
    return out.reshape(OUT)

# --- scband reference (transcript-rebuilt; emitter-appended) ---
"""Pipeline reference for scband-gnnmodel-18657337934374 (READ-ONLY COPY).

The authoritative reference and input builder live on the scoring server;
editing this copy changes nothing except your own understanding.
"""

import jax, jax.numpy as jnp
import numpy as np

N = 10000
E = 320000
D_NODE = 128
D_EDGE = 16
H1 = 128
H2 = 128
OUT = 1


def setup_inputs(seed: int = 0) -> dict:
    key = jax.random.key(seed)
    ks = jax.random.split(key, 12)
    x = jax.random.normal(ks[0], (N, D_NODE), dtype=jnp.float32)
    edge_index = jax.random.randint(ks[1], (2, E), 0, N, dtype=jnp.int32)
    edge_attr = jax.random.normal(ks[2], (E, D_EDGE), dtype=jnp.float32)
    # GNNLayer params (edge-aware message passing layer)
    W1n = jax.random.normal(ks[3], (D_NODE, H1), dtype=jnp.float32) / np.sqrt(D_NODE)
    W1e = jax.random.normal(ks[4], (D_EDGE, H1), dtype=jnp.float32) / np.sqrt(D_EDGE)
    b1 = jnp.zeros((H1,), dtype=jnp.float32)
    # GraphConv (DGL, norm='both') params
    W2 = jax.random.normal(ks[5], (H1, H2), dtype=jnp.float32) / np.sqrt(H1)
    b2 = jnp.zeros((H2,), dtype=jnp.float32)
    # predict layer
    Wp = jax.random.normal(ks[6], (H2, OUT), dtype=jnp.float32) / np.sqrt(H2)
    bp = jnp.zeros((OUT,), dtype=jnp.float32)
    return {"node_features": x, "edge_index": edge_index, "edge_features": edge_attr,
            "W1n": W1n, "W1e": W1e, "b1": b1, "W2": W2, "b2": b2, "Wp": Wp, "bp": bp}


def reference(node_features, edge_index, edge_features, W1n, W1e, b1, W2, b2, Wp, bp):
    src = edge_index[0]
    dst = edge_index[1]
    # --- GNNLayer: edge-conditioned message passing, sum aggregation, ReLU ---
    msg = node_features[src] @ W1n + edge_features @ W1e          # [E, H1] gather
    agg = jax.ops.segment_sum(msg, dst, num_segments=N)           # [N, H1] scatter-add
    h = jax.nn.relu(agg + b1)
    # --- GraphConv (DGL default norm='both'): D^{-1/2} A D^{-1/2} H W ---
    ones_e = jnp.ones((E,), dtype=jnp.float32)
    out_deg = jax.ops.segment_sum(ones_e, src, num_segments=N)
    in_deg = jax.ops.segment_sum(ones_e, dst, num_segments=N)
    src_norm = jax.lax.rsqrt(jnp.clip(out_deg, 1.0, None))
    dst_norm = jax.lax.rsqrt(jnp.clip(in_deg, 1.0, None))
    hW = h @ W2                                                    # [N, H2]
    m2 = (hW * src_norm[:, None])[src]                             # [E, H2] gather
    a2 = jax.ops.segment_sum(m2, dst, num_segments=N)              # [N, H2] scatter-add
    h2 = jax.nn.relu(a2 * dst_norm[:, None] + b2)
    # --- dgl.mean_nodes readout (single graph) + predict layer ---
    hg = jnp.mean(h2, axis=0)                                      # [H2]
    return hg @ Wp + bp                                            # [OUT]

if __name__ == "__main__":
    import jax
    _d = setup_inputs()
    print(jax.jit(kernel)(*tuple(_d.values())))

</pallas_src>

<mosaic_0001>
#map = affine_map<(d0, d1) -> (0, 0)>
#map1 = affine_map<(d0, d1) -> (0)>
#map2 = affine_map<(d0, d1) -> (0, 0, 0)>
module attributes {stable_mosaic.version = 14 : i64} {
  func.func @_sc_segsum(%arg0: i32, %arg1: i32, %arg2: memref<10112x128xf32, #tpu.memory_space<hbm>>, %arg3: memref<323584xi32, #tpu.memory_space<hbm>>, %arg4: memref<323584xi32, #tpu.memory_space<hbm>>, %arg5: memref<2x10112x128xf32, #tpu.memory_space<hbm>>, %arg6: memref<128xi32, #tpu.memory_space<vmem>>, %arg7: memref<128xi32, #tpu.memory_space<vmem>>, %arg8: memref<128x128xf32, #tpu.memory_space<vmem>>, %arg9: memref<10112x128xf32, #tpu.memory_space<vmem_shared>>, %arg10: memref<!tpu.dma_semaphore, #tpu.memory_space<semaphore_mem>>) attributes {dimension_semantics = [#tpu.dimension_semantics<core_parallel>, #tpu.dimension_semantics<subcore_parallel>], iteration_bounds = array<i64: 2, 16>, scalar_prefetch = 0 : i64, scratch_operands = 5 : i64, tpu.core_type = #tpu.core_type<sc_vector_subcore>, window_params = [{transform_indices = #map}, {transform_indices = #map1}, {transform_indices = #map1}, {transform_indices = #map2}]} {
    %mul3A = arith.constant 2 : i32
    %mul3A_0 = arith.muli %arg1, %mul3A : i32
    %add3A = arith.addi %mul3A_0, %arg0 : i32
    %broadcast_in_dim3A = arith.constant 0.000000e+00 : f32
    %broadcast_in_dim3A_1 = vector.broadcast %broadcast_in_dim3A : f32 to vector<16xf32>
    %scan3A = arith.constant 0 : i32
    %scan3A_2 = arith.constant 0 : i32
    %scan3A_3 = arith.constant 128 : i32
    %scan3A_4 = arith.addi %scan3A_2, %scan3A_3 : i32
    %scan3A_5 = arith.constant 1 : i32
    %scan3A_6 = scf.for %scan3A_28 = %scan3A_2 to %scan3A_4 step %scan3A_5 iter_args(%scan3A_29 = %scan3A) -> (i32)  : i32 {
      %swap3A = arith.index_cast %scan3A_28 : i32 to index
      %swap3A_30 = arith.constant 0 : index
      %swap3A_31 = tpu.vector_load %arg8[%swap3A, %swap3A_30] {strides = array<i32>} : memref<128x128xf32, #tpu.memory_space<vmem>>, vector<1x16xf32>,
      %swap3A_32 = vector.shape_cast %swap3A_31 : vector<1x16xf32> to vector<16xf32>
      %swap3A_33 = vector.shape_cast %broadcast_in_dim3A_1 : vector<16xf32> to vector<1x16xf32>
      tpu.vector_store %arg8[%swap3A, %swap3A_30], %swap3A_33 {strides = array<i32>} : memref<128x128xf32, #tpu.memory_space<vmem>>, vector<1x16xf32>,
      %swap3A_34 = arith.index_cast %scan3A_28 : i32 to index
      %swap3A_35 = arith.constant 16 : index
      %swap3A_36 = tpu.vector_load %arg8[%swap3A_34, %swap3A_35] {strides = array<i32>} : memref<128x128xf32, #tpu.memory_space<vmem>>, vector<1x16xf32>,
      %swap3A_37 = vector.shape_cast %swap3A_36 : vector<1x16xf32> to vector<16xf32>
      %swap3A_38 = vector.shape_cast %broadcast_in_dim3A_1 : vector<16xf32> to vector<1x16xf32>
      tpu.vector_store %arg8[%swap3A_34, %swap3A_35], %swap3A_38 {strides = array<i32>} : memref<128x128xf32, #tpu.memory_space<vmem>>, vector<1x16xf32>,
      %swap3A_39 = arith.index_cast %scan3A_28 : i32 to index
      %swap3A_40 = arith.constant 32 : index
      %swap3A_41 = tpu.vector_load %arg8[%swap3A_39, %swap3A_40] {strides = array<i32>} : memref<128x128xf32, #tpu.memory_space<vmem>>, vector<1x16xf32>,
      %swap3A_42 = vector.shape_cast %swap3A_41 : vector<1x16xf32> to vector<16xf32>
      %swap3A_43 = vector.shape_cast %broadcast_in_dim3A_1 : vector<16xf32> to vector<1x16xf32>
      tpu.vector_store %arg8[%swap3A_39, %swap3A_40], %swap3A_43 {strides = array<i32>} : memref<128x128xf32, #tpu.memory_space<vmem>>, vector<1x16xf32>,
      %swap3A_44 = arith.index_cast %scan3A_28 : i32 to index
      %swap3A_45 = arith.constant 48 : index
      %swap3A_46 = tpu.vector_load %arg8[%swap3A_44, %swap3A_45] {strides = array<i32>} : memref<128x128xf32, #tpu.memory_space<vmem>>, vector<1x16xf32>,
      %swap3A_47 = vector.shape_cast %swap3A_46 : vector<1x16xf32> to vector<16xf32>
      %swap3A_48 = vector.shape_cast %broadcast_in_dim3A_1 : vector<16xf32> to vector<1x16xf32>
      tpu.vector_store %arg8[%swap3A_44, %swap3A_45], %swap3A_48 {strides = array<i32>} : memref<128x128xf32, #tpu.memory_space<vmem>>, vector<1x16xf32>,
      %swap3A_49 = arith.index_cast %scan3A_28 : i32 to index
      %swap3A_50 = arith.constant 64 : index
      %swap3A_51 = tpu.vector_load %arg8[%swap3A_49, %swap3A_50] {strides = array<i32>} : memref<128x128xf32, #tpu.memory_space<vmem>>, vector<1x16xf32>,
      %swap3A_52 = vector.shape_cast %swap3A_51 : vector<1x16xf32> to vector<16xf32>
      %swap3A_53 = vector.shape_cast %broadcast_in_dim3A_1 : vector<16xf32> to vector<1x16xf32>
      tpu.vector_store %arg8[%swap3A_49, %swap3A_50], %swap3A_53 {strides = array<i32>} : memref<128x128xf32, #tpu.memory_space<vmem>>, vector<1x16xf32>,
      %swap3A_54 = arith.index_cast %scan3A_28 : i32 to index
      %swap3A_55 = arith.constant 80 : index
      %swap3A_56 = tpu.vector_load %arg8[%swap3A_54, %swap3A_55] {strides = array<i32>} : memref<128x128xf32, #tpu.memory_space<vmem>>, vector<1x16xf32>,
      %swap3A_57 = vector.shape_cast %swap3A_56 : vector<1x16xf32> to vector<16xf32>
      %swap3A_58 = vector.shape_cast %broadcast_in_dim3A_1 : vector<16xf32> to vector<1x16xf32>
      tpu.vector_store %arg8[%swap3A_54, %swap3A_55], %swap3A_58 {strides = array<i32>} : memref<128x128xf32, #tpu.memory_space<vmem>>, vector<1x16xf32>,
      %swap3A_59 = arith.index_cast %scan3A_28 : i32 to index
      %swap3A_60 = arith.constant 96 : index
      %swap3A_61 = tpu.vector_load %arg8[%swap3A_59, %swap3A_60] {strides = array<i32>} : memref<128x128xf32, #tpu.memory_space<vmem>>, vector<1x16xf32>,
      %swap3A_62 = vector.shape_cast %swap3A_61 : vector<1x16xf32> to vector<16xf32>
      %swap3A_63 = vector.shape_cast %broadcast_in_dim3A_1 : vector<16xf32> to vector<1x16xf32>
      tpu.vector_store %arg8[%swap3A_59, %swap3A_60], %swap3A_63 {strides = array<i32>} : memref<128x128xf32, #tpu.memory_space<vmem>>, vector<1x16xf32>,
      %swap3A_64 = arith.index_cast %scan3A_28 : i32 to index
      %swap3A_65 = arith.constant 112 : index
      %swap3A_66 = tpu.vector_load %arg8[%swap3A_64, %swap3A_65] {strides = array<i32>} : memref<128x128xf32, #tpu.memory_space<vmem>>, vector<1x16xf32>,
      %swap3A_67 = vector.shape_cast %swap3A_66 : vector<1x16xf32> to vector<16xf32>
      %swap3A_68 = vector.shape_cast %broadcast_in_dim3A_1 : vector<16xf32> to vector<1x16xf32>
      tpu.vector_store %arg8[%swap3A_64, %swap3A_65], %swap3A_68 {strides = array<i32>} : memref<128x128xf32, #tpu.memory_space<vmem>>, vector<1x16xf32>,
      %scan3A_69 = arith.constant 0 : i32
      scf.yield %scan3A_69 : i32
    }
    %scan3A_7 = arith.constant 128 : i32
    %mul3A_8 = arith.constant 632 : i32
    %mul3A_9 = arith.muli %arg1, %mul3A_8 : i32
    %add3A_10 = arith.constant 0 : i32
    %add3A_11 = arith.addi %mul3A_9, %add3A_10 : i32
    "tpu.region"() ({
      %run_scoped3A = tpu.sem_alloc : memref<!tpu.dma_semaphore, #tpu.memory_space<semaphore_mem>>
      %dma_start3A = arith.constant 0 : i32
      %dma_start3A_28 = arith.constant 0 : i32
      %dma_start3A_29 = tpu.memref_slice %arg8[%dma_start3A, %dma_start3A_28] : memref<128x128xf32, #tpu.memory_space<vmem>> -> memref<128x128xf32, #tpu.memory_space<vmem>>
      %dma_start3A_30 = arith.constant 0 : i32
      %dma_start3A_31 = tpu.memref_slice %arg9[%add3A_11, %dma_start3A_30] : memref<10112x128xf32, #tpu.memory_space<vmem_shared>> -> memref<128x128xf32, #tpu.memory_space<vmem_shared>>
      %dma_start3A_32 = arith.constant 0 : i32
      %dma_start3A_33 = tpu.memref_slice %arg9[%add3A_11, %dma_start3A_32] : memref<10112x128xf32, #tpu.memory_space<vmem_shared>> -> memref<128x128xf32, #tpu.memory_space<vmem_shared>>
      %dma_start3A_34 = arith.constant 0 : i32
      %dma_start3A_35 = arith.constant 0 : i32
      %dma_start3A_36 = tpu.memref_slice %arg8[%dma_start3A_34, %dma_start3A_35] : memref<128x128xf32, #tpu.memory_space<vmem>> -> memref<128x128xf32, #tpu.memory_space<vmem>>
      tpu.enqueue_dma source(%dma_start3A_36 : memref<128x128xf32, #tpu.memory_space<vmem>>) target(%dma_start3A_33 : memref<128x128xf32, #tpu.memory_space<vmem_shared>>) target_semaphore(%run_scoped3A : memref<!tpu.dma_semaphore, #tpu.memory_space<semaphore_mem>>)
      %dma_wait3A = arith.constant 0 : i32
      %dma_wait3A_37 = arith.constant 0 : i32
      %dma_wait3A_38 = tpu.memref_slice %arg8[%dma_wait3A, %dma_wait3A_37] : memref<128x128xf32, #tpu.memory_space<vmem>> -> memref<128x128xf32, #tpu.memory_space<vmem>>
      %dma_wait3A_39 = arith.constant 0 : i32
      %dma_wait3A_40 = tpu.memref_slice %arg9[%add3A_11, %dma_wait3A_39] : memref<10112x128xf32, #tpu.memory_space<vmem_shared>> -> memref<128x128xf32, #tpu.memory_space<vmem_shared>>
      %dma_wait3A_41 = arith.constant 0 : i32
      %dma_wait3A_42 = tpu.memref_slice %arg9[%add3A_11, %dma_wait3A_41] : memref<10112x128xf32, #tpu.memory_space<vmem_shared>> -> memref<128x128xf32, #tpu.memory_space<vmem_shared>>
      %dma_wait3A_43 = arith.constant 0 : i32
      %dma_wait3A_44 = arith.constant 0 : i32
      %dma_wait3A_45 = tpu.memref_slice %arg8[%dma_wait3A_43, %dma_wait3A_44] : memref<128x128xf32, #tpu.memory_space<vmem>> -> memref<128x128xf32, #tpu.memory_space<vmem>>
      tpu.wait_dma2 semaphore(%run_scoped3A : memref<!tpu.dma_semaphore, #tpu.memory_space<semaphore_mem>>) src(%dma_wait3A_45 : memref<128x128xf32, #tpu.memory_space<vmem>>) dst(%dma_wait3A_42 : memref<128x128xf32, #tpu.memory_space<vmem_shared>>)
      tpu.yield
    }) : () -> ()
    %add3A_12 = arith.constant 128 : i32
    %add3A_13 = arith.addi %mul3A_9, %add3A_12 : i32
    "tpu.region"() ({
      %run_scoped3A = tpu.sem_alloc : memref<!tpu.dma_semaphore, #tpu.memory_space<semaphore_mem>>
      %dma_start3A = arith.constant 0 : i32
      %dma_start3A_28 = arith.constant 0 : i32
      %dma_start3A_29 = tpu.memref_slice %arg8[%dma_start3A, %dma_start3A_28] : memref<128x128xf32, #tpu.memory_space<vmem>> -> memref<128x128xf32, #tpu.memory_space<vmem>>
      %dma_start3A_30 = arith.constant 0 : i32
      %dma_start3A_31 = tpu.memref_slice %arg9[%add3A_13, %dma_start3A_30] : memref<10112x128xf32, #tpu.memory_space<vmem_shared>> -> memref<128x128xf32, #tpu.memory_space<vmem_shared>>
      %dma_start3A_32 = arith.constant 0 : i32
      %dma_start3A_33 = tpu.memref_slice %arg9[%add3A_13, %dma_start3A_32] : memref<10112x128xf32, #tpu.memory_space<vmem_shared>> -> memref<128x128xf32, #tpu.memory_space<vmem_shared>>
      %dma_start3A_34 = arith.constant 0 : i32
      %dma_start3A_35 = arith.constant 0 : i32
      %dma_start3A_36 = tpu.memref_slice %arg8[%dma_start3A_34, %dma_start3A_35] : memref<128x128xf32, #tpu.memory_space<vmem>> -> memref<128x128xf32, #tpu.memory_space<vmem>>
      tpu.enqueue_dma source(%dma_start3A_36 : memref<128x128xf32, #tpu.memory_space<vmem>>) target(%dma_start3A_33 : memref<128x128xf32, #tpu.memory_space<vmem_shared>>) target_semaphore(%run_scoped3A : memref<!tpu.dma_semaphore, #tpu.memory_space<semaphore_mem>>)
      %dma_wait3A = arith.constant 0 : i32
      %dma_wait3A_37 = arith.constant 0 : i32
      %dma_wait3A_38 = tpu.memref_slice %arg8[%dma_wait3A, %dma_wait3A_37] : memref<128x128xf32, #tpu.memory_space<vmem>> -> memref<128x128xf32, #tpu.memory_space<vmem>>
      %dma_wait3A_39 = arith.constant 0 : i32
      %dma_wait3A_40 = tpu.memref_slice %arg9[%add3A_13, %dma_wait3A_39] : memref<10112x128xf32, #tpu.memory_space<vmem_shared>> -> memref<128x128xf32, #tpu.memory_space<vmem_shared>>
      %dma_wait3A_41 = arith.constant 0 : i32
      %dma_wait3A_42 = tpu.memref_slice %arg9[%add3A_13, %dma_wait3A_41] : memref<10112x128xf32, #tpu.memory_space<vmem_shared>> -> memref<128x128xf32, #tpu.memory_space<vmem_shared>>
      %dma_wait3A_43 = arith.constant 0 : i32
      %dma_wait3A_44 = arith.constant 0 : i32
      %dma_wait3A_45 = tpu.memref_slice %arg8[%dma_wait3A_43, %dma_wait3A_44] : memref<128x128xf32, #tpu.memory_space<vmem>> -> memref<128x128xf32, #tpu.memory_space<vmem>>
      tpu.wait_dma2 semaphore(%run_scoped3A : memref<!tpu.dma_semaphore, #tpu.memory_space<semaphore_mem>>) src(%dma_wait3A_45 : memref<128x128xf32, #tpu.memory_space<vmem>>) dst(%dma_wait3A_42 : memref<128x128xf32, #tpu.memory_space<vmem_shared>>)
      tpu.yield
    }) : () -> ()
    %add3A_14 = arith.constant 256 : i32
    %add3A_15 = arith.addi %mul3A_9, %add3A_14 : i32
    "tpu.region"() ({
      %run_scoped3A = tpu.sem_alloc : memref<!tpu.dma_semaphore, #tpu.memory_space<semaphore_mem>>
      %dma_start3A = arith.constant 0 : i32
      %dma_start3A_28 = arith.constant 0 : i32
      %dma_start3A_29 = tpu.memref_slice %arg8[%dma_start3A, %dma_start3A_28] : memref<128x128xf32, #tpu.memory_space<vmem>> -> memref<128x128xf32, #tpu.memory_space<vmem>>
      %dma_start3A_30 = arith.constant 0 : i32
      %dma_start3A_31 = tpu.memref_slice %arg9[%add3A_15, %dma_start3A_30] : memref<10112x128xf32, #tpu.memory_space<vmem_shared>> -> memref<128x128xf32, #tpu.memory_space<vmem_shared>>
      %dma_start3A_32 = arith.constant 0 : i32
      %dma_start3A_33 = tpu.memref_slice %arg9[%add3A_15, %dma_start3A_32] : memref<10112x128xf32, #tpu.memory_space<vmem_shared>> -> memref<128x128xf32, #tpu.memory_space<vmem_shared>>
      %dma_start3A_34 = arith.constant 0 : i32
      %dma_start3A_35 = arith.constant 0 : i32
      %dma_start3A_36 = tpu.memref_slice %arg8[%dma_start3A_34, %dma_start3A_35] : memref<128x128xf32, #tpu.memory_space<vmem>> -> memref<128x128xf32, #tpu.memory_space<vmem>>
      tpu.enqueue_dma source(%dma_start3A_36 : memref<128x128xf32, #tpu.memory_space<vmem>>) target(%dma_start3A_33 : memref<128x128xf32, #tpu.memory_space<vmem_shared>>) target_semaphore(%run_scoped3A : memref<!tpu.dma_semaphore, #tpu.memory_space<semaphore_mem>>)
      %dma_wait3A = arith.constant 0 : i32
      %dma_wait3A_37 = arith.constant 0 : i32
      %dma_wait3A_38 = tpu.memref_slice %arg8[%dma_wait3A, %dma_wait3A_37] : memref<128x128xf32, #tpu.memory_space<vmem>> -> memref<128x128xf32, #tpu.memory_space<vmem>>
      %dma_wait3A_39 = arith.constant 0 : i32
      %dma_wait3A_40 = tpu.memref_slice %arg9[%add3A_15, %dma_wait3A_39] : memref<10112x128xf32, #tpu.memory_space<vmem_shared>> -> memref<128x128xf32, #tpu.memory_space<vmem_shared>>
      %dma_wait3A_41 = arith.constant 0 : i32
      %dma_wait3A_42 = tpu.memref_slice %arg9[%add3A_15, %dma_wait3A_41] : memref<10112x128xf32, #tpu.memory_space<vmem_shared>> -> memref<128x128xf32, #tpu.memory_space<vmem_shared>>
      %dma_wait3A_43 = arith.constant 0 : i32
      %dma_wait3A_44 = arith.constant 0 : i32
      %dma_wait3A_45 = tpu.memref_slice %arg8[%dma_wait3A_43, %dma_wait3A_44] : memref<128x128xf32, #tpu.memory_space<vmem>> -> memref<128x128xf32, #tpu.memory_space<vmem>>
      tpu.wait_dma2 semaphore(%run_scoped3A : memref<!tpu.dma_semaphore, #tpu.memory_space<semaphore_mem>>) src(%dma_wait3A_45 : memref<128x128xf32, #tpu.memory_space<vmem>>) dst(%dma_wait3A_42 : memref<128x128xf32, #tpu.memory_space<vmem_shared>>)
      tpu.yield
    }) : () -> ()
    %add3A_16 = arith.constant 384 : i32
    %add3A_17 = arith.addi %mul3A_9, %add3A_16 : i32
    "tpu.region"() ({
      %run_scoped3A = tpu.sem_alloc : memref<!tpu.dma_semaphore, #tpu.memory_space<semaphore_mem>>
      %dma_start3A = arith.constant 0 : i32
      %dma_start3A_28 = arith.constant 0 : i32
      %dma_start3A_29 = tpu.memref_slice %arg8[%dma_start3A, %dma_start3A_28] : memref<128x128xf32, #tpu.memory_space<vmem>> -> memref<128x128xf32, #tpu.memory_space<vmem>>
      %dma_start3A_30 = arith.constant 0 : i32
      %dma_start3A_31 = tpu.memref_slice %arg9[%add3A_17, %dma_start3A_30] : memref<10112x128xf32, #tpu.memory_space<vmem_shared>> -> memref<128x128xf32, #tpu.memory_space<vmem_shared>>
      %dma_start3A_32 = arith.constant 0 : i32
      %dma_start3A_33 = tpu.memref_slice %arg9[%add3A_17, %dma_start3A_32] : memref<10112x128xf32, #tpu.memory_space<vmem_shared>> -> memref<128x128xf32, #tpu.memory_space<vmem_shared>>
      %dma_start3A_34 = arith.constant 0 : i32
      %dma_start3A_35 = arith.constant 0 : i32
      %dma_start3A_36 = tpu.memref_slice %arg8[%dma_start3A_34, %dma_start3A_35] : memref<128x128xf32, #tpu.memory_space<vmem>> -> memref<128x128xf32, #tpu.memory_space<vmem>>
      tpu.enqueue_dma source(%dma_start3A_36 : memref<128x128xf32, #tpu.memory_space<vmem>>) target(%dma_start3A_33 : memref<128x128xf32, #tpu.memory_space<vmem_shared>>) target_semaphore(%run_scoped3A : memref<!tpu.dma_semaphore, #tpu.memory_space<semaphore_mem>>)
      %dma_wait3A = arith.constant 0 : i32
      %dma_wait3A_37 = arith.constant 0 : i32
      %dma_wait3A_38 = tpu.memref_slice %arg8[%dma_wait3A, %dma_wait3A_37] : memref<128x128xf32, #tpu.memory_space<vmem>> -> memref<128x128xf32, #tpu.memory_space<vmem>>
      %dma_wait3A_39 = arith.constant 0 : i32
      %dma_wait3A_40 = tpu.memref_slice %arg9[%add3A_17, %dma_wait3A_39] : memref<10112x128xf32, #tpu.memory_space<vmem_shared>> -> memref<128x128xf32, #tpu.memory_space<vmem_shared>>
      %dma_wait3A_41 = arith.constant 0 : i32
      %dma_wait3A_42 = tpu.memref_slice %arg9[%add3A_17, %dma_wait3A_41] : memref<10112x128xf32, #tpu.memory_space<vmem_shared>> -> memref<128x128xf32, #tpu.memory_space<vmem_shared>>
      %dma_wait3A_43 = arith.constant 0 : i32
      %dma_wait3A_44 = arith.constant 0 : i32
      %dma_wait3A_45 = tpu.memref_slice %arg8[%dma_wait3A_43, %dma_wait3A_44] : memref<128x128xf32, #tpu.memory_space<vmem>> -> memref<128x128xf32, #tpu.memory_space<vmem>>
      tpu.wait_dma2 semaphore(%run_scoped3A : memref<!tpu.dma_semaphore, #tpu.memory_space<semaphore_mem>>) src(%dma_wait3A_45 : memref<128x128xf32, #tpu.memory_space<vmem>>) dst(%dma_wait3A_42 : memref<128x128xf32, #tpu.memory_space<vmem_shared>>)
      tpu.yield
    }) : () -> ()
    %add3A_18 = arith.constant 512 : i32
    %add3A_19 = arith.addi %mul3A_9, %add3A_18 : i32
    "tpu.region"() ({
      %run_scoped3A = tpu.sem_alloc : memref<!tpu.dma_semaphore, #tpu.memory_space<semaphore_mem>>
      %dma_start3A = arith.constant 0 : i32
      %dma_start3A_28 = arith.constant 0 : i32
      %dma_start3A_29 = tpu.memref_slice %arg8[%dma_start3A, %dma_start3A_28] : memref<128x128xf32, #tpu.memory_space<vmem>> -> memref<120x128xf32, #tpu.memory_space<vmem>>
      %dma_start3A_30 = arith.constant 0 : i32
      %dma_start3A_31 = tpu.memref_slice %arg9[%add3A_19, %dma_start3A_30] : memref<10112x128xf32, #tpu.memory_space<vmem_shared>> -> memref<120x128xf32, #tpu.memory_space<vmem_shared>>
      %dma_start3A_32 = arith.constant 0 : i32
      %dma_start3A_33 = tpu.memref_slice %arg9[%add3A_19, %dma_start3A_32] : memref<10112x128xf32, #tpu.memory_space<vmem_shared>> -> memref<120x128xf32, #tpu.memory_space<vmem_shared>>
      %dma_start3A_34 = arith.constant 0 : i32
      %dma_start3A_35 = arith.constant 0 : i32
      %dma_start3A_36 = tpu.memref_slice %arg8[%dma_start3A_34, %dma_start3A_35] : memref<128x128xf32, #tpu.memory_space<vmem>> -> memref<120x128xf32, #tpu.memory_space<vmem>>
      tpu.enqueue_dma source(%dma_start3A_36 : memref<120x128xf32, #tpu.memory_space<vmem>>) target(%dma_start3A_33 : memref<120x128xf32, #tpu.memory_space<vmem_shared>>) target_semaphore(%run_scoped3A : memref<!tpu.dma_semaphore, #tpu.memory_space<semaphore_mem>>)
      %dma_wait3A = arith.constant 0 : i32
      %dma_wait3A_37 = arith.constant 0 : i32
      %dma_wait3A_38 = tpu.memref_slice %arg8[%dma_wait3A, %dma_wait3A_37] : memref<128x128xf32, #tpu.memory_space<vmem>> -> memref<120x128xf32, #tpu.memory_space<vmem>>
      %dma_wait3A_39 = arith.constant 0 : i32
      %dma_wait3A_40 = tpu.memref_slice %arg9[%add3A_19, %dma_wait3A_39] : memref<10112x128xf32, #tpu.memory_space<vmem_shared>> -> memref<120x128xf32, #tpu.memory_space<vmem_shared>>
      %dma_wait3A_41 = arith.constant 0 : i32
      %dma_wait3A_42 = tpu.memref_slice %arg9[%add3A_19, %dma_wait3A_41] : memref<10112x128xf32, #tpu.memory_space<vmem_shared>> -> memref<120x128xf32, #tpu.memory_space<vmem_shared>>
      %dma_wait3A_43 = arith.constant 0 : i32
      %dma_wait3A_44 = arith.constant 0 : i32
      %dma_wait3A_45 = tpu.memref_slice %arg8[%dma_wait3A_43, %dma_wait3A_44] : memref<128x128xf32, #tpu.memory_space<vmem>> -> memref<120x128xf32, #tpu.memory_space<vmem>>
      tpu.wait_dma2 semaphore(%run_scoped3A : memref<!tpu.dma_semaphore, #tpu.memory_space<semaphore_mem>>) src(%dma_wait3A_45 : memref<120x128xf32, #tpu.memory_space<vmem>>) dst(%dma_wait3A_42 : memref<120x128xf32, #tpu.memory_space<vmem_shared>>)
      tpu.yield
    }) : () -> ()
    %barrier3A = arith.constant 0 : index
    tpu.barrier barrier_id(%barrier3A)
    %scan3A_20 = arith.constant 0 : i32
    %scan3A_21 = arith.constant 0 : i32
    %scan3A_22 = arith.constant 79 : i32
    %scan3A_23 = arith.addi %scan3A_21, %scan3A_22 : i32
    %scan3A_24 = arith.constant 1 : i32
    %scan3A_25 = scf.for %scan3A_28 = %scan3A_21 to %scan3A_23 step %scan3A_24 iter_args(%scan3A_29 = %scan3A_20) -> (i32)  : i32 {
      %mul3A_30 = arith.constant 79 : i32
      %mul3A_31 = arith.muli %add3A, %mul3A_30 : i32
      %add3A_32 = arith.addi %mul3A_31, %scan3A_28 : i32
      %mul3A_33 = arith.constant 128 : i32
      %mul3A_34 = arith.muli %add3A_32, %mul3A_33 : i32
      "tpu.region"() ({
        %run_scoped3A = tpu.sem_alloc : memref<!tpu.dma_semaphore, #tpu.memory_space<semaphore_mem>>
        %dma_start3A_40 = tpu.memref_slice %arg3[%mul3A_34] : memref<323584xi32, #tpu.memory_space<hbm>> -> memref<128xi32, #tpu.memory_space<hbm>>
        %dma_start3A_41 = tpu.memref_slice %arg3[%mul3A_34] : memref<323584xi32, #tpu.memory_space<hbm>> -> memref<128xi32, #tpu.memory_space<hbm>>
        tpu.enqueue_dma source(%dma_start3A_41 : memref<128xi32, #tpu.memory_space<hbm>>) target(%arg6 : memref<128xi32, #tpu.memory_space<vmem>>) target_semaphore(%run_scoped3A : memref<!tpu.dma_semaphore, #tpu.memory_space<semaphore_mem>>)
        %dma_wait3A_42 = tpu.memref_slice %arg3[%mul3A_34] : memref<323584xi32, #tpu.memory_space<hbm>> -> memref<128xi32, #tpu.memory_space<hbm>>
        %dma_wait3A_43 = tpu.memref_slice %arg3[%mul3A_34] : memref<323584xi32, #tpu.memory_space<hbm>> -> memref<128xi32, #tpu.memory_space<hbm>>
        tpu.wait_dma2 semaphore(%run_scoped3A : memref<!tpu.dma_semaphore, #tpu.memory_space<semaphore_mem>>) src(%dma_wait3A_43 : memref<128xi32, #tpu.memory_space<hbm>>) dst(%arg6 : memref<128xi32, #tpu.memory_space<vmem>>)
        tpu.yield
      }) : () -> ()
      "tpu.region"() ({
        %run_scoped3A = tpu.sem_alloc : memref<!tpu.dma_semaphore, #tpu.memory_space<semaphore_mem>>
        %dma_start3A_40 = tpu.memref_slice %arg4[%mul3A_34] : memref<323584xi32, #tpu.memory_space<hbm>> -> memref<128xi32, #tpu.memory_space<hbm>>
        %dma_start3A_41 = tpu.memref_slice %arg4[%mul3A_34] : memref<323584xi32, #tpu.memory_space<hbm>> -> memref<128xi32, #tpu.memory_space<hbm>>
        tpu.enqueue_dma source(%dma_start3A_41 : memref<128xi32, #tpu.memory_space<hbm>>) target(%arg7 : memref<128xi32, #tpu.memory_space<vmem>>) target_semaphore(%run_scoped3A : memref<!tpu.dma_semaphore, #tpu.memory_space<semaphore_mem>>)
        %dma_wait3A_42 = tpu.memref_slice %arg4[%mul3A_34] : memref<323584xi32, #tpu.memory_space<hbm>> -> memref<128xi32, #tpu.memory_space<hbm>>
        %dma_wait3A_43 = tpu.memref_slice %arg4[%mul3A_34] : memref<323584xi32, #tpu.memory_space<hbm>> -> memref<128xi32, #tpu.memory_space<hbm>>
        tpu.wait_dma2 semaphore(%run_scoped3A : memref<!tpu.dma_semaphore, #tpu.memory_space<semaphore_mem>>) src(%dma_wait3A_43 : memref<128xi32, #tpu.memory_space<hbm>>) dst(%arg7 : memref<128xi32, #tpu.memory_space<vmem>>)
        tpu.yield
      }) : () -> ()
      %dma_start3A = arith.constant 0 : i32
      %dma_start3A_35 = arith.constant 0 : i32
      %dma_start3A_36 = tpu.memref_slice %arg2[%dma_start3A, %dma_start3A_35] : memref<10112x128xf32, #tpu.memory_space<hbm>> -> memref<10112x128xf32, #tpu.memory_space<hbm>>
      tpu.enqueue_indirect_dma source(%dma_start3A_36 : memref<10112x128xf32, #tpu.memory_space<hbm>>) target(%arg8 : memref<128x128xf32, #tpu.memory_space<vmem>>) offsets(%arg6 : memref<128xi32, #tpu.memory_space<vmem>>) semaphore(%arg10 : memref<!tpu.dma_semaphore, #tpu.memory_space<semaphore_mem>>)
      %dma_wait3A = arith.constant 0 : i32
      %dma_wait3A_37 = arith.constant 0 : i32
      %dma_wait3A_38 = tpu.memref_slice %arg2[%dma_wait3A, %dma_wait3A_37] : memref<10112x128xf32, #tpu.memory_space<hbm>> -> memref<10112x128xf32, #tpu.memory_space<hbm>>
      tpu.wait_indirect_dma semaphore(%arg10 : memref<!tpu.dma_semaphore, #tpu.memory_space<semaphore_mem>>) src(%dma_wait3A_38 : memref<10112x128xf32, #tpu.memory_space<hbm>>) dst(%arg8 : memref<128x128xf32, #tpu.memory_space<vmem>>)
      "tpu.region"() ({
        %run_scoped3A = tpu.sem_alloc : memref<!tpu.dma_semaphore, #tpu.memory_space<semaphore_mem>>
        %dma_start3A_40 = arith.constant 0 : i32
        %dma_start3A_41 = arith.constant 0 : i32
        %dma_start3A_42 = tpu.memref_slice %arg9[%dma_start3A_40, %dma_start3A_41] : memref<10112x128xf32, #tpu.memory_space<vmem_shared>> -> memref<10112x128xf32, #tpu.memory_space<vmem_shared>>
        tpu.enqueue_indirect_dma source(%arg8 : memref<128x128xf32, #tpu.memory_space<vmem>>) target(%dma_start3A_42 : memref<10112x128xf32, #tpu.memory_space<vmem_shared>>) offsets(%arg7 : memref<128xi32, #tpu.memory_space<vmem>>) semaphore(%run_scoped3A : memref<!tpu.dma_semaphore, #tpu.memory_space<semaphore_mem>>) {add = true}
        %dma_wait3A_43 = arith.constant 0 : i32
        %dma_wait3A_44 = arith.constant 0 : i32
        %dma_wait3A_45 = tpu.memref_slice %arg9[%dma_wait3A_43, %dma_wait3A_44] : memref<10112x128xf32, #tpu.memory_space<vmem_shared>> -> memref<10112x128xf32, #tpu.memory_space<vmem_shared>>
        tpu.wait_indirect_dma semaphore(%run_scoped3A : memref<!tpu.dma_semaphore, #tpu.memory_space<semaphore_mem>>) src(%arg8 : memref<128x128xf32, #tpu.memory_space<vmem>>) dst(%dma_wait3A_45 : memref<10112x128xf32, #tpu.memory_space<vmem_shared>>)
        tpu.yield
      }) : () -> ()
      %scan3A_39 = arith.constant 0 : i32
      scf.yield %scan3A_39 : i32
    }
    %scan3A_26 = arith.constant 79 : i32
    %barrier3A_27 = arith.constant 0 : index
    tpu.barrier barrier_id(%barrier3A_27)
    "tpu.region"() ({
      %run_scoped3A = tpu.sem_alloc : memref<!tpu.dma_semaphore, #tpu.memory_space<semaphore_mem>>
      %dma_start3A = arith.constant 0 : i32
      %dma_start3A_28 = tpu.memref_slice %arg5[%arg0, %mul3A_9, %dma_start3A] : memref<2x10112x128xf32, #tpu.memory_space<hbm>> -> memref<1x632x128xf32, #tpu.memory_space<hbm>>
      %dma_start3A_29 = tpu.memref_squeeze %dma_start3A_28 : memref<1x632x128xf32, #tpu.memory_space<hbm>> -> memref<632x128xf32, #tpu.memory_space<hbm>>
      %dma_start3A_30 = arith.constant 0 : i32
      %dma_start3A_31 = tpu.memref_slice %arg9[%mul3A_9, %dma_start3A_30] : memref<10112x128xf32, #tpu.memory_space<vmem_shared>> -> memref<632x128xf32, #tpu.memory_space<vmem_shared>>
      tpu.enqueue_dma source(%dma_start3A_31 : memref<632x128xf32, #tpu.memory_space<vmem_shared>>) target(%dma_start3A_29 : memref<632x128xf32, #tpu.memory_space<hbm>>) target_semaphore(%run_scoped3A : memref<!tpu.dma_semaphore, #tpu.memory_space<semaphore_mem>>)
      %dma_wait3A = arith.constant 0 : i32
      %dma_wait3A_32 = tpu.memref_slice %arg5[%arg0, %mul3A_9, %dma_wait3A] : memref<2x10112x128xf32, #tpu.memory_space<hbm>> -> memref<1x632x128xf32, #tpu.memory_space<hbm>>
      %dma_wait3A_33 = tpu.memref_squeeze %dma_wait3A_32 : memref<1x632x128xf32, #tpu.memory_space<hbm>> -> memref<632x128xf32, #tpu.memory_space<hbm>>
      %dma_wait3A_34 = arith.constant 0 : i32
      %dma_wait3A_35 = tpu.memref_slice %arg9[%mul3A_9, %dma_wait3A_34] : memref<10112x128xf32, #tpu.memory_space<vmem_shared>> -> memref<632x128xf32, #tpu.memory_space<vmem_shared>>
      tpu.wait_dma2 semaphore(%run_scoped3A : memref<!tpu.dma_semaphore, #tpu.memory_space<semaphore_mem>>) src(%dma_wait3A_35 : memref<632x128xf32, #tpu.memory_space<vmem_shared>>) dst(%dma_wait3A_33 : memref<632x128xf32, #tpu.memory_space<hbm>>)
      tpu.yield
    }) : () -> ()
    return
  }
}

#map = affine_map<(d0, d1) -> (0, 0)>
#map1 = affine_map<(d0, d1) -> (0)>
#map2 = affine_map<(d0, d1) -> (0, 0, 0)>
module attributes {stable_mosaic.version = 14 : i64} {
  func.func @_sc_segsum(%arg0: i32, %arg1: i32, %arg2: memref<10112x128xf32, #tpu.memory_space<hbm>>, %arg3: memref<323584xi32, #tpu.memory_space<hbm>>, %arg4: memref<323584xi32, #tpu.memory_space<hbm>>, %arg5: memref<2x10112x128xf32, #tpu.memory_space<hbm>>, %arg6: memref<128xi32, #tpu.memory_space<vmem>>, %arg7: memref<128xi32, #tpu.memory_space<vmem>>, %arg8: memref<128x128xf32, #tpu.memory_space<vmem>>, %arg9: memref<10112x128xf32, #tpu.memory_space<vmem_shared>>, %arg10: memref<!tpu.dma_semaphore, #tpu.memory_space<semaphore_mem>>) attributes {dimension_semantics = [#tpu.dimension_semantics<core_parallel>, #tpu.dimension_semantics<subcore_parallel>], iteration_bounds = array<i64: 2, 16>, scalar_prefetch = 0 : i64, scratch_operands = 5 : i64, tpu.core_type = #tpu.core_type<sc_vector_subcore>, window_params = [{transform_indices = #map}, {transform_indices = #map1}, {transform_indices = #map1}, {transform_indices = #map2}]} {
    %mul3A = arith.constant 2 : i32
    %mul3A_0 = arith.muli %arg1, %mul3A : i32
    %add3A = arith.addi %mul3A_0, %arg0 : i32
    %broadcast_in_dim3A = arith.constant 0.000000e+00 : f32
    %broadcast_in_dim3A_1 = vector.broadcast %broadcast_in_dim3A : f32 to vector<16xf32>
    %scan3A = arith.constant 0 : i32
    %scan3A_2 = arith.constant 0 : i32
    %scan3A_3 = arith.constant 128 : i32
    %scan3A_4 = arith.addi %scan3A_2, %scan3A_3 : i32
    %scan3A_5 = arith.constant 1 : i32
    %scan3A_6 = scf.for %scan3A_28 = %scan3A_2 to %scan3A_4 step %scan3A_5 iter_args(%scan3A_29 = %scan3A) -> (i32)  : i32 {
      %swap3A = arith.index_cast %scan3A_28 : i32 to index
      %swap3A_30 = arith.constant 0 : index
      %swap3A_31 = tpu.vector_load %arg8[%swap3A, %swap3A_30] {strides = array<i32>} : memref<128x128xf32, #tpu.memory_space<vmem>>, vector<1x16xf32>,
      %swap3A_32 = vector.shape_cast %swap3A_31 : vector<1x16xf32> to vector<16xf32>
      %swap3A_33 = vector.shape_cast %broadcast_in_dim3A_1 : vector<16xf32> to vector<1x16xf32>
      tpu.vector_store %arg8[%swap3A, %swap3A_30], %swap3A_33 {strides = array<i32>} : memref<128x128xf32, #tpu.memory_space<vmem>>, vector<1x16xf32>,
      %swap3A_34 = arith.index_cast %scan3A_28 : i32 to index
      %swap3A_35 = arith.constant 16 : index
      %swap3A_36 = tpu.vector_load %arg8[%swap3A_34, %swap3A_35] {strides = array<i32>} : memref<128x128xf32, #tpu.memory_space<vmem>>, vector<1x16xf32>,
      %swap3A_37 = vector.shape_cast %swap3A_36 : vector<1x16xf32> to vector<16xf32>
      %swap3A_38 = vector.shape_cast %broadcast_in_dim3A_1 : vector<16xf32> to vector<1x16xf32>
      tpu.vector_store %arg8[%swap3A_34, %swap3A_35], %swap3A_38 {strides = array<i32>} : memref<128x128xf32, #tpu.memory_space<vmem>>, vector<1x16xf32>,
      %swap3A_39 = arith.index_cast %scan3A_28 : i32 to index
      %swap3A_40 = arith.constant 32 : index
      %swap3A_41 = tpu.vector_load %arg8[%swap3A_39, %swap3A_40] {strides = array<i32>} : memref<128x128xf32, #tpu.memory_space<vmem>>, vector<1x16xf32>,
      %swap3A_42 = vector.shape_cast %swap3A_41 : vector<1x16xf32> to vector<16xf32>
      %swap3A_43 = vector.shape_cast %broadcast_in_dim3A_1 : vector<16xf32> to vector<1x16xf32>
      tpu.vector_store %arg8[%swap3A_39, %swap3A_40], %swap3A_43 {strides = array<i32>} : memref<128x128xf32, #tpu.memory_space<vmem>>, vector<1x16xf32>,
      %swap3A_44 = arith.index_cast %scan3A_28 : i32 to index
      %swap3A_45 = arith.constant 48 : index
      %swap3A_46 = tpu.vector_load %arg8[%swap3A_44, %swap3A_45] {strides = array<i32>} : memref<128x128xf32, #tpu.memory_space<vmem>>, vector<1x16xf32>,
      %swap3A_47 = vector.shape_cast %swap3A_46 : vector<1x16xf32> to vector<16xf32>
      %swap3A_48 = vector.shape_cast %broadcast_in_dim3A_1 : vector<16xf32> to vector<1x16xf32>
      tpu.vector_store %arg8[%swap3A_44, %swap3A_45], %swap3A_48 {strides = array<i32>} : memref<128x128xf32, #tpu.memory_space<vmem>>, vector<1x16xf32>,
      %swap3A_49 = arith.index_cast %scan3A_28 : i32 to index
      %swap3A_50 = arith.constant 64 : index
      %swap3A_51 = tpu.vector_load %arg8[%swap3A_49, %swap3A_50] {strides = array<i32>} : memref<128x128xf32, #tpu.memory_space<vmem>>, vector<1x16xf32>,
      %swap3A_52 = vector.shape_cast %swap3A_51 : vector<1x16xf32> to vector<16xf32>
      %swap3A_53 = vector.shape_cast %broadcast_in_dim3A_1 : vector<16xf32> to vector<1x16xf32>
      tpu.vector_store %arg8[%swap3A_49, %swap3A_50], %swap3A_53 {strides = array<i32>} : memref<128x128xf32, #tpu.memory_space<vmem>>, vector<1x16xf32>,
      %swap3A_54 = arith.index_cast %scan3A_28 : i32 to index
      %swap3A_55 = arith.constant 80 : index
      %swap3A_56 = tpu.vector_load %arg8[%swap3A_54, %swap3A_55] {strides = array<i32>} : memref<128x128xf32, #tpu.memory_space<vmem>>, vector<1x16xf32>,
      %swap3A_57 = vector.shape_cast %swap3A_56 : vector<1x16xf32> to vector<16xf32>
      %swap3A_58 = vector.shape_cast %broadcast_in_dim3A_1 : vector<16xf32> to vector<1x16xf32>
      tpu.vector_store %arg8[%swap3A_54, %swap3A_55], %swap3A_58 {strides = array<i32>} : memref<128x128xf32, #tpu.memory_space<vmem>>, vector<1x16xf32>,
      %swap3A_59 = arith.index_cast %scan3A_28 : i32 to index
      %swap3A_60 = arith.constant 96 : index
      %swap3A_61 = tpu.vector_load %arg8[%swap3A_59, %swap3A_60] {strides = array<i32>} : memref<128x128xf32, #tpu.memory_space<vmem>>, vector<1x16xf32>,
      %swap3A_62 = vector.shape_cast %swap3A_61 : vector<1x16xf32> to vector<16xf32>
      %swap3A_63 = vector.shape_cast %broadcast_in_dim3A_1 : vector<16xf32> to vector<1x16xf32>
      tpu.vector_store %arg8[%swap3A_59, %swap3A_60], %swap3A_63 {strides = array<i32>} : memref<128x128xf32, #tpu.memory_space<vmem>>, vector<1x16xf32>,
      %swap3A_64 = arith.index_cast %scan3A_28 : i32 to index
      %swap3A_65 = arith.constant 112 : index
      %swap3A_66 = tpu.vector_load %arg8[%swap3A_64, %swap3A_65] {strides = array<i32>} : memref<128x128xf32, #tpu.memory_space<vmem>>, vector<1x16xf32>,
      %swap3A_67 = vector.shape_cast %swap3A_66 : vector<1x16xf32> to vector<16xf32>
      %swap3A_68 = vector.shape_cast %broadcast_in_dim3A_1 : vector<16xf32> to vector<1x16xf32>
      tpu.vector_store %arg8[%swap3A_64, %swap3A_65], %swap3A_68 {strides = array<i32>} : memref<128x128xf32, #tpu.memory_space<vmem>>, vector<1x16xf32>,
      %scan3A_69 = arith.constant 0 : i32
      scf.yield %scan3A_69 : i32
    }
    %scan3A_7 = arith.constant 128 : i32
    %mul3A_8 = arith.constant 632 : i32
    %mul3A_9 = arith.muli %arg1, %mul3A_8 : i32
    %add3A_10 = arith.constant 0 : i32
    %add3A_11 = arith.addi %mul3A_9, %add3A_10 : i32
    "tpu.region"() ({
      %run_scoped3A = tpu.sem_alloc : memref<!tpu.dma_semaphore, #tpu.memory_space<semaphore_mem>>
      %dma_start3A = arith.constant 0 : i32
      %dma_start3A_28 = arith.constant 0 : i32
      %dma_start3A_29 = tpu.memref_slice %arg8[%dma_start3A, %dma_start3A_28] : memref<128x128xf32, #tpu.memory_space<vmem>> -> memref<128x128xf32, #tpu.memory_space<vmem>>
      %dma_start3A_30 = arith.constant 0 : i32
      %dma_start3A_31 = tpu.memref_slice %arg9[%add3A_11, %dma_start3A_30] : memref<10112x128xf32, #tpu.memory_space<vmem_shared>> -> memref<128x128xf32, #tpu.memory_space<vmem_shared>>
      %dma_start3A_32 = arith.constant 0 : i32
      %dma_start3A_33 = tpu.memref_slice %arg9[%add3A_11, %dma_start3A_32] : memref<10112x128xf32, #tpu.memory_space<vmem_shared>> -> memref<128x128xf32, #tpu.memory_space<vmem_shared>>
      %dma_start3A_34 = arith.constant 0 : i32
      %dma_start3A_35 = arith.constant 0 : i32
      %dma_start3A_36 = tpu.memref_slice %arg8[%dma_start3A_34, %dma_start3A_35] : memref<128x128xf32, #tpu.memory_space<vmem>> -> memref<128x128xf32, #tpu.memory_space<vmem>>
      tpu.enqueue_dma source(%dma_start3A_36 : memref<128x128xf32, #tpu.memory_space<vmem>>) target(%dma_start3A_33 : memref<128x128xf32, #tpu.memory_space<vmem_shared>>) target_semaphore(%run_scoped3A : memref<!tpu.dma_semaphore, #tpu.memory_space<semaphore_mem>>)
      %dma_wait3A = arith.constant 0 : i32
      %dma_wait3A_37 = arith.constant 0 : i32
      %dma_wait3A_38 = tpu.memref_slice %arg8[%dma_wait3A, %dma_wait3A_37] : memref<128x128xf32, #tpu.memory_space<vmem>> -> memref<128x128xf32, #tpu.memory_space<vmem>>
      %dma_wait3A_39 = arith.constant 0 : i32
      %dma_wait3A_40 = tpu.memref_slice %arg9[%add3A_11, %dma_wait3A_39] : memref<10112x128xf32, #tpu.memory_space<vmem_shared>> -> memref<128x128xf32, #tpu.memory_space<vmem_shared>>
      %dma_wait3A_41 = arith.constant 0 : i32
      %dma_wait3A_42 = tpu.memref_slice %arg9[%add3A_11, %dma_wait3A_41] : memref<10112x128xf32, #tpu.memory_space<vmem_shared>> -> memref<128x128xf32, #tpu.memory_space<vmem_shared>>
      %dma_wait3A_43 = arith.constant 0 : i32
      %dma_wait3A_44 = arith.constant 0 : i32
      %dma_wait3A_45 = tpu.memref_slice %arg8[%dma_wait3A_43, %dma_wait3A_44] : memref<128x128xf32, #tpu.memory_space<vmem>> -> memref<128x128xf32, #tpu.memory_space<vmem>>
      tpu.wait_dma2 semaphore(%run_scoped3A : memref<!tpu.dma_semaphore, #tpu.memory_space<semaphore_mem>>) src(%dma_wait3A_45 : memref<128x128xf32, #tpu.memory_space<vmem>>) dst(%dma_wait3A_42 : memref<128x128xf32, #tpu.memory_space<vmem_shared>>)
      tpu.yield
    }) : () -> ()
    %add3A_12 = arith.constant 128 : i32
    %add3A_13 = arith.addi %mul3A_9, %add3A_12 : i32
    "tpu.region"() ({
      %run_scoped3A = tpu.sem_alloc : memref<!tpu.dma_semaphore, #tpu.memory_space<semaphore_mem>>
      %dma_start3A = arith.constant 0 : i32
      %dma_start3A_28 = arith.constant 0 : i32
      %dma_start3A_29 = tpu.memref_slice %arg8[%dma_start3A, %dma_start3A_28] : memref<128x128xf32, #tpu.memory_space<vmem>> -> memref<128x128xf32, #tpu.memory_space<vmem>>
      %dma_start3A_30 = arith.constant 0 : i32
      %dma_start3A_31 = tpu.memref_slice %arg9[%add3A_13, %dma_start3A_30] : memref<10112x128xf32, #tpu.memory_space<vmem_shared>> -> memref<128x128xf32, #tpu.memory_space<vmem_shared>>
      %dma_start3A_32 = arith.constant 0 : i32
      %dma_start3A_33 = tpu.memref_slice %arg9[%add3A_13, %dma_start3A_32] : memref<10112x128xf32, #tpu.memory_space<vmem_shared>> -> memref<128x128xf32, #tpu.memory_space<vmem_shared>>
      %dma_start3A_34 = arith.constant 0 : i32
      %dma_start3A_35 = arith.constant 0 : i32
      %dma_start3A_36 = tpu.memref_slice %arg8[%dma_start3A_34, %dma_start3A_35] : memref<128x128xf32, #tpu.memory_space<vmem>> -> memref<128x128xf32, #tpu.memory_space<vmem>>
      tpu.enqueue_dma source(%dma_start3A_36 : memref<128x128xf32, #tpu.memory_space<vmem>>) target(%dma_start3A_33 : memref<128x128xf32, #tpu.memory_space<vmem_shared>>) target_semaphore(%run_scoped3A : memref<!tpu.dma_semaphore, #tpu.memory_space<semaphore_mem>>)
      %dma_wait3A = arith.constant 0 : i32
      %dma_wait3A_37 = arith.constant 0 : i32
      %dma_wait3A_38 = tpu.memref_slice %arg8[%dma_wait3A, %dma_wait3A_37] : memref<128x128xf32, #tpu.memory_space<vmem>> -> memref<128x128xf32, #tpu.memory_space<vmem>>
      %dma_wait3A_39 = arith.constant 0 : i32
      %dma_wait3A_40 = tpu.memref_slice %arg9[%add3A_13, %dma_wait3A_39] : memref<10112x128xf32, #tpu.memory_space<vmem_shared>> -> memref<128x128xf32, #tpu.memory_space<vmem_shared>>
      %dma_wait3A_41 = arith.constant 0 : i32
      %dma_wait3A_42 = tpu.memref_slice %arg9[%add3A_13, %dma_wait3A_41] : memref<10112x128xf32, #tpu.memory_space<vmem_shared>> -> memref<128x128xf32, #tpu.memory_space<vmem_shared>>
      %dma_wait3A_43 = arith.constant 0 : i32
      %dma_wait3A_44 = arith.constant 0 : i32
      %dma_wait3A_45 = tpu.memref_slice %arg8[%dma_wait3A_43, %dma_wait3A_44] : memref<128x128xf32, #tpu.memory_space<vmem>> -> memref<128x128xf32, #tpu.memory_space<vmem>>
      tpu.wait_dma2 semaphore(%run_scoped3A : memref<!tpu.dma_semaphore, #tpu.memory_space<semaphore_mem>>) src(%dma_wait3A_45 : memref<128x128xf32, #tpu.memory_space<vmem>>) dst(%dma_wait3A_42 : memref<128x128xf32, #tpu.memory_space<vmem_shared>>)
      tpu.yield
    }) : () -> ()
    %add3A_14 = arith.constant 256 : i32
    %add3A_15 = arith.addi %mul3A_9, %add3A_14 : i32
    "tpu.region"() ({
      %run_scoped3A = tpu.sem_alloc : memref<!tpu.dma_semaphore, #tpu.memory_space<semaphore_mem>>
      %dma_start3A = arith.constant 0 : i32
      %dma_start3A_28 = arith.constant 0 : i32
      %dma_start3A_29 = tpu.memref_slice %arg8[%dma_start3A, %dma_start3A_28] : memref<128x128xf32, #tpu.memory_space<vmem>> -> memref<128x128xf32, #tpu.memory_space<vmem>>
      %dma_start3A_30 = arith.constant 0 : i32
      %dma_start3A_31 = tpu.memref_slice %arg9[%add3A_15, %dma_start3A_30] : memref<10112x128xf32, #tpu.memory_space<vmem_shared>> -> memref<128x128xf32, #tpu.memory_space<vmem_shared>>
      %dma_start3A_32 = arith.constant 0 : i32
      %dma_start3A_33 = tpu.memref_slice %arg9[%add3A_15, %dma_start3A_32] : memref<10112x128xf32, #tpu.memory_space<vmem_shared>> -> memref<128x128xf32, #tpu.memory_space<vmem_shared>>
      %dma_start3A_34 = arith.constant 0 : i32
      %dma_start3A_35 = arith.constant 0 : i32
      %dma_start3A_36 = tpu.memref_slice %arg8[%dma_start3A_34, %dma_start3A_35] : memref<128x128xf32, #tpu.memory_space<vmem>> -> memref<128x128xf32, #tpu.memory_space<vmem>>
      tpu.enqueue_dma source(%dma_start3A_36 : memref<128x128xf32, #tpu.memory_space<vmem>>) target(%dma_start3A_33 : memref<128x128xf32, #tpu.memory_space<vmem_shared>>) target_semaphore(%run_scoped3A : memref<!tpu.dma_semaphore, #tpu.memory_space<semaphore_mem>>)
      %dma_wait3A = arith.constant 0 : i32
      %dma_wait3A_37 = arith.constant 0 : i32
      %dma_wait3A_38 = tpu.memref_slice %arg8[%dma_wait3A, %dma_wait3A_37] : memref<128x128xf32, #tpu.memory_space<vmem>> -> memref<128x128xf32, #tpu.memory_space<vmem>>
      %dma_wait3A_39 = arith.constant 0 : i32
      %dma_wait3A_40 = tpu.memref_slice %arg9[%add3A_15, %dma_wait3A_39] : memref<10112x128xf32, #tpu.memory_space<vmem_shared>> -> memref<128x128xf32, #tpu.memory_space<vmem_shared>>
      %dma_wait3A_41 = arith.constant 0 : i32
      %dma_wait3A_42 = tpu.memref_slice %arg9[%add3A_15, %dma_wait3A_41] : memref<10112x128xf32, #tpu.memory_space<vmem_shared>> -> memref<128x128xf32, #tpu.memory_space<vmem_shared>>
      %dma_wait3A_43 = arith.constant 0 : i32
      %dma_wait3A_44 = arith.constant 0 : i32
      %dma_wait3A_45 = tpu.memref_slice %arg8[%dma_wait3A_43, %dma_wait3A_44] : memref<128x128xf32, #tpu.memory_space<vmem>> -> memref<128x128xf32, #tpu.memory_space<vmem>>
      tpu.wait_dma2 semaphore(%run_scoped3A : memref<!tpu.dma_semaphore, #tpu.memory_space<semaphore_mem>>) src(%dma_wait3A_45 : memref<128x128xf32, #tpu.memory_space<vmem>>) dst(%dma_wait3A_42 : memref<128x128xf32, #tpu.memory_space<vmem_shared>>)
      tpu.yield
    }) : () -> ()
    %add3A_16 = arith.constant 384 : i32
    %add3A_17 = arith.addi %mul3A_9, %add3A_16 : i32
    "tpu.region"() ({
      %run_scoped3A = tpu.sem_alloc : memref<!tpu.dma_semaphore, #tpu.memory_space<semaphore_mem>>
      %dma_start3A = arith.constant 0 : i32
      %dma_start3A_28 = arith.constant 0 : i32
      %dma_start3A_29 = tpu.memref_slice %arg8[%dma_start3A, %dma_start3A_28] : memref<128x128xf32, #tpu.memory_space<vmem>> -> memref<128x128xf32, #tpu.memory_space<vmem>>
      %dma_start3A_30 = arith.constant 0 : i32
      %dma_start3A_31 = tpu.memref_slice %arg9[%add3A_17, %dma_start3A_30] : memref<10112x128xf32, #tpu.memory_space<vmem_shared>> -> memref<128x128xf32, #tpu.memory_space<vmem_shared>>
      %dma_start3A_32 = arith.constant 0 : i32
      %dma_start3A_33 = tpu.memref_slice %arg9[%add3A_17, %dma_start3A_32] : memref<10112x128xf32, #tpu.memory_space<vmem_shared>> -> memref<128x128xf32, #tpu.memory_space<vmem_shared>>
      %dma_start3A_34 = arith.constant 0 : i32
      %dma_start3A_35 = arith.constant 0 : i32
      %dma_start3A_36 = tpu.memref_slice %arg8[%dma_start3A_34, %dma_start3A_35] : memref<128x128xf32, #tpu.memory_space<vmem>> -> memref<128x128xf32, #tpu.memory_space<vmem>>
      tpu.enqueue_dma source(%dma_start3A_36 : memref<128x128xf32, #tpu.memory_space<vmem>>) target(%dma_start3A_33 : memref<128x128xf32, #tpu.memory_space<vmem_shared>>) target_semaphore(%run_scoped3A : memref<!tpu.dma_semaphore, #tpu.memory_space<semaphore_mem>>)
      %dma_wait3A = arith.constant 0 : i32
      %dma_wait3A_37 = arith.constant 0 : i32
      %dma_wait3A_38 = tpu.memref_slice %arg8[%dma_wait3A, %dma_wait3A_37] : memref<128x128xf32, #tpu.memory_space<vmem>> -> memref<128x128xf32, #tpu.memory_space<vmem>>
      %dma_wait3A_39 = arith.constant 0 : i32
      %dma_wait3A_40 = tpu.memref_slice %arg9[%add3A_17, %dma_wait3A_39] : memref<10112x128xf32, #tpu.memory_space<vmem_shared>> -> memref<128x128xf32, #tpu.memory_space<vmem_shared>>
      %dma_wait3A_41 = arith.constant 0 : i32
      %dma_wait3A_42 = tpu.memref_slice %arg9[%add3A_17, %dma_wait3A_41] : memref<10112x128xf32, #tpu.memory_space<vmem_shared>> -> memref<128x128xf32, #tpu.memory_space<vmem_shared>>
      %dma_wait3A_43 = arith.constant 0 : i32
      %dma_wait3A_44 = arith.constant 0 : i32
      %dma_wait3A_45 = tpu.memref_slice %arg8[%dma_wait3A_43, %dma_wait3A_44] : memref<128x128xf32, #tpu.memory_space<vmem>> -> memref<128x128xf32, #tpu.memory_space<vmem>>
      tpu.wait_dma2 semaphore(%run_scoped3A : memref<!tpu.dma_semaphore, #tpu.memory_space<semaphore_mem>>) src(%dma_wait3A_45 : memref<128x128xf32, #tpu.memory_space<vmem>>) dst(%dma_wait3A_42 : memref<128x128xf32, #tpu.memory_space<vmem_shared>>)
      tpu.yield
    }) : () -> ()
    %add3A_18 = arith.constant 512 : i32
    %add3A_19 = arith.addi %mul3A_9, %add3A_18 : i32
    "tpu.region"() ({
      %run_scoped3A = tpu.sem_alloc : memref<!tpu.dma_semaphore, #tpu.memory_space<semaphore_mem>>
      %dma_start3A = arith.constant 0 : i32
      %dma_start3A_28 = arith.constant 0 : i32
      %dma_start3A_29 = tpu.memref_slice %arg8[%dma_start3A, %dma_start3A_28] : memref<128x128xf32, #tpu.memory_space<vmem>> -> memref<120x128xf32, #tpu.memory_space<vmem>>
      %dma_start3A_30 = arith.constant 0 : i32
      %dma_start3A_31 = tpu.memref_slice %arg9[%add3A_19, %dma_start3A_30] : memref<10112x128xf32, #tpu.memory_space<vmem_shared>> -> memref<120x128xf32, #tpu.memory_space<vmem_shared>>
      %dma_start3A_32 = arith.constant 0 : i32
      %dma_start3A_33 = tpu.memref_slice %arg9[%add3A_19, %dma_start3A_32] : memref<10112x128xf32, #tpu.memory_space<vmem_shared>> -> memref<120x128xf32, #tpu.memory_space<vmem_shared>>
      %dma_start3A_34 = arith.constant 0 : i32
      %dma_start3A_35 = arith.constant 0 : i32
      %dma_start3A_36 = tpu.memref_slice %arg8[%dma_start3A_34, %dma_start3A_35] : memref<128x128xf32, #tpu.memory_space<vmem>> -> memref<120x128xf32, #tpu.memory_space<vmem>>
      tpu.enqueue_dma source(%dma_start3A_36 : memref<120x128xf32, #tpu.memory_space<vmem>>) target(%dma_start3A_33 : memref<120x128xf32, #tpu.memory_space<vmem_shared>>) target_semaphore(%run_scoped3A : memref<!tpu.dma_semaphore, #tpu.memory_space<semaphore_mem>>)
      %dma_wait3A = arith.constant 0 : i32
      %dma_wait3A_37 = arith.constant 0 : i32
      %dma_wait3A_38 = tpu.memref_slice %arg8[%dma_wait3A, %dma_wait3A_37] : memref<128x128xf32, #tpu.memory_space<vmem>> -> memref<120x128xf32, #tpu.memory_space<vmem>>
      %dma_wait3A_39 = arith.constant 0 : i32
      %dma_wait3A_40 = tpu.memref_slice %arg9[%add3A_19, %dma_wait3A_39] : memref<10112x128xf32, #tpu.memory_space<vmem_shared>> -> memref<120x128xf32, #tpu.memory_space<vmem_shared>>
      %dma_wait3A_41 = arith.constant 0 : i32
      %dma_wait3A_42 = tpu.memref_slice %arg9[%add3A_19, %dma_wait3A_41] : memref<10112x128xf32, #tpu.memory_space<vmem_shared>> -> memref<120x128xf32, #tpu.memory_space<vmem_shared>>
      %dma_wait3A_43 = arith.constant 0 : i32
      %dma_wait3A_44 = arith.constant 0 : i32
      %dma_wait3A_45 = tpu.memref_slice %arg8[%dma_wait3A_43, %dma_wait3A_44] : memref<128x128xf32, #tpu.memory_space<vmem>> -> memref<120x128xf32, #tpu.memory_space<vmem>>
      tpu.wait_dma2 semaphore(%run_scoped3A : memref<!tpu.dma_semaphore, #tpu.memory_space<semaphore_mem>>) src(%dma_wait3A_45 : memref<120x128xf32, #tpu.memory_space<vmem>>) dst(%dma_wait3A_42 : memref<120x128xf32, #tpu.memory_space<vmem_shared>>)
      tpu.yield
    }) : () -> ()
    %barrier3A = arith.constant 0 : index
    tpu.barrier barrier_id(%barrier3A)
    %scan3A_20 = arith.constant 0 : i32
    %scan3A_21 = arith.constant 0 : i32
    %scan3A_22 = arith.constant 79 : i32
    %scan3A_23 = arith.addi %scan3A_21, %scan3A_22 : i32
    %scan3A_24 = arith.constant 1 : i32
    %scan3A_25 = scf.for %scan3A_28 = %scan3A_21 to %scan3A_23 step %scan3A_24 iter_args(%scan3A_29 = %scan3A_20) -> (i32)  : i32 {
      %mul3A_30 = arith.constant 79 : i32
      %mul3A_31 = arith.muli %add3A, %mul3A_30 : i32
      %add3A_32 = arith.addi %mul3A_31, %scan3A_28 : i32
      %mul3A_33 = arith.constant 128 : i32
      %mul3A_34 = arith.muli %add3A_32, %mul3A_33 : i32
      "tpu.region"() ({
        %run_scoped3A = tpu.sem_alloc : memref<!tpu.dma_semaphore, #tpu.memory_space<semaphore_mem>>
        %dma_start3A_40 = tpu.memref_slice %arg3[%mul3A_34] : memref<323584xi32, #tpu.memory_space<hbm>> -> memref<128xi32, #tpu.memory_space<hbm>>
        %dma_start3A_41 = tpu.memref_slice %arg3[%mul3A_34] : memref<323584xi32, #tpu.memory_space<hbm>> -> memref<128xi32, #tpu.memory_space<hbm>>
        tpu.enqueue_dma source(%dma_start3A_41 : memref<128xi32, #tpu.memory_space<hbm>>) target(%arg6 : memref<128xi32, #tpu.memory_space<vmem>>) target_semaphore(%run_scoped3A : memref<!tpu.dma_semaphore, #tpu.memory_space<semaphore_mem>>)
        %dma_wait3A_42 = tpu.memref_slice %arg3[%mul3A_34] : memref<323584xi32, #tpu.memory_space<hbm>> -> memref<128xi32, #tpu.memory_space<hbm>>
        %dma_wait3A_43 = tpu.memref_slice %arg3[%mul3A_34] : memref<323584xi32, #tpu.memory_space<hbm>> -> memref<128xi32, #tpu.memory_space<hbm>>
        tpu.wait_dma2 semaphore(%run_scoped3A : memref<!tpu.dma_semaphore, #tpu.memory_space<semaphore_mem>>) src(%dma_wait3A_43 : memref<128xi32, #tpu.memory_space<hbm>>) dst(%arg6 : memref<128xi32, #tpu.memory_space<vmem>>)
        tpu.yield
      }) : () -> ()
      "tpu.region"() ({
        %run_scoped3A = tpu.sem_alloc : memref<!tpu.dma_semaphore, #tpu.memory_space<semaphore_mem>>
        %dma_start3A_40 = tpu.memref_slice %arg4[%mul3A_34] : memref<323584xi32, #tpu.memory_space<hbm>> -> memref<128xi32, #tpu.memory_space<hbm>>
        %dma_start3A_41 = tpu.memref_slice %arg4[%mul3A_34] : memref<323584xi32, #tpu.memory_space<hbm>> -> memref<128xi32, #tpu.memory_space<hbm>>
        tpu.enqueue_dma source(%dma_start3A_41 : memref<128xi32, #tpu.memory_space<hbm>>) target(%arg7 : memref<128xi32, #tpu.memory_space<vmem>>) target_semaphore(%run_scoped3A : memref<!tpu.dma_semaphore, #tpu.memory_space<semaphore_mem>>)
        %dma_wait3A_42 = tpu.memref_slice %arg4[%mul3A_34] : memref<323584xi32, #tpu.memory_space<hbm>> -> memref<128xi32, #tpu.memory_space<hbm>>
        %dma_wait3A_43 = tpu.memref_slice %arg4[%mul3A_34] : memref<323584xi32, #tpu.memory_space<hbm>> -> memref<128xi32, #tpu.memory_space<hbm>>
        tpu.wait_dma2 semaphore(%run_scoped3A : memref<!tpu.dma_semaphore, #tpu.memory_space<semaphore_mem>>) src(%dma_wait3A_43 : memref<128xi32, #tpu.memory_space<hbm>>) dst(%arg7 : memref<128xi32, #tpu.memory_space<vmem>>)
        tpu.yield
      }) : () -> ()
      %dma_start3A = arith.constant 0 : i32
      %dma_start3A_35 = arith.constant 0 : i32
      %dma_start3A_36 = tpu.memref_slice %arg2[%dma_start3A, %dma_start3A_35] : memref<10112x128xf32, #tpu.memory_space<hbm>> -> memref<10112x128xf32, #tpu.memory_space<hbm>>
      tpu.enqueue_indirect_dma source(%dma_start3A_36 : memref<10112x128xf32, #tpu.memory_space<hbm>>) target(%arg8 : memref<128x128xf32, #tpu.memory_space<vmem>>) offsets(%arg6 : memref<128xi32, #tpu.memory_space<vmem>>) semaphore(%arg10 : memref<!tpu.dma_semaphore, #tpu.memory_space<semaphore_mem>>)
      %dma_wait3A = arith.constant 0 : i32
      %dma_wait3A_37 = arith.constant 0 : i32
      %dma_wait3A_38 = tpu.memref_slice %arg2[%dma_wait3A, %dma_wait3A_37] : memref<10112x128xf32, #tpu.memory_space<hbm>> -> memref<10112x128xf32, #tpu.memory_space<hbm>>
      tpu.wait_indirect_dma semaphore(%arg10 : memref<!tpu.dma_semaphore, #tpu.memory_space<semaphore_mem>>) src(%dma_wait3A_38 : memref<10112x128xf32, #tpu.memory_space<hbm>>) dst(%arg8 : memref<128x128xf32, #tpu.memory_space<vmem>>)
      "tpu.region"() ({
        %run_scoped3A = tpu.sem_alloc : memref<!tpu.dma_semaphore, #tpu.memory_space<semaphore_mem>>
        %dma_start3A_40 = arith.constant 0 : i32
        %dma_start3A_41 = arith.constant 0 : i32
        %dma_start3A_42 = tpu.memref_slice %arg9[%dma_start3A_40, %dma_start3A_41] : memref<10112x128xf32, #tpu.memory_space<vmem_shared>> -> memref<10112x128xf32, #tpu.memory_space<vmem_shared>>
        tpu.enqueue_indirect_dma source(%arg8 : memref<128x128xf32, #tpu.memory_space<vmem>>) target(%dma_start3A_42 : memref<10112x128xf32, #tpu.memory_space<vmem_shared>>) offsets(%arg7 : memref<128xi32, #tpu.memory_space<vmem>>) semaphore(%run_scoped3A : memref<!tpu.dma_semaphore, #tpu.memory_space<semaphore_mem>>) {add = true}
        %dma_wait3A_43 = arith.constant 0 : i32
        %dma_wait3A_44 = arith.constant 0 : i32
        %dma_wait3A_45 = tpu.memref_slice %arg9[%dma_wait3A_43, %dma_wait3A_44] : memref<10112x128xf32, #tpu.memory_space<vmem_shared>> -> memref<10112x128xf32, #tpu.memory_space<vmem_shared>>
        tpu.wait_indirect_dma semaphore(%run_scoped3A : memref<!tpu.dma_semaphore, #tpu.memory_space<semaphore_mem>>) src(%arg8 : memref<128x128xf32, #tpu.memory_space<vmem>>) dst(%dma_wait3A_45 : memref<10112x128xf32, #tpu.memory_space<vmem_shared>>)
        tpu.yield
      }) : () -> ()
      %scan3A_39 = arith.constant 0 : i32
      scf.yield %scan3A_39 : i32
    }
    %scan3A_26 = arith.constant 79 : i32
    %barrier3A_27 = arith.constant 0 : index
    tpu.barrier barrier_id(%barrier3A_27)
    "tpu.region"() ({
      %run_scoped3A = tpu.sem_alloc : memref<!tpu.dma_semaphore, #tpu.memory_space<semaphore_mem>>
      %dma_start3A = arith.constant 0 : i32
      %dma_start3A_28 = tpu.memref_slice %arg5[%arg0, %mul3A_9, %dma_start3A] : memref<2x10112x128xf32, #tpu.memory_space<hbm>> -> memref<1x632x128xf32, #tpu.memory_space<hbm>>
      %dma_start3A_29 = tpu.memref_squeeze %dma_start3A_28 : memref<1x632x128xf32, #tpu.memory_space<hbm>> -> memref<632x128xf32, #tpu.memory_space<hbm>>
      %dma_start3A_30 = arith.constant 0 : i32
      %dma_start3A_31 = tpu.memref_slice %arg9[%mul3A_9, %dma_start3A_30] : memref<10112x128xf32, #tpu.memory_space<vmem_shared>> -> memref<632x128xf32, #tpu.memory_space<vmem_shared>>
      tpu.enqueue_dma source(%dma_start3A_31 : memref<632x128xf32, #tpu.memory_space<vmem_shared>>) target(%dma_start3A_29 : memref<632x128xf32, #tpu.memory_space<hbm>>) target_semaphore(%run_scoped3A : memref<!tpu.dma_semaphore, #tpu.memory_space<semaphore_mem>>)
      %dma_wait3A = arith.constant 0 : i32
      %dma_wait3A_32 = tpu.memref_slice %arg5[%arg0, %mul3A_9, %dma_wait3A] : memref<2x10112x128xf32, #tpu.memory_space<hbm>> -> memref<1x632x128xf32, #tpu.memory_space<hbm>>
      %dma_wait3A_33 = tpu.memref_squeeze %dma_wait3A_32 : memref<1x632x128xf32, #tpu.memory_space<hbm>> -> memref<632x128xf32, #tpu.memory_space<hbm>>
      %dma_wait3A_34 = arith.constant 0 : i32
      %dma_wait3A_35 = tpu.memref_slice %arg9[%mul3A_9, %dma_wait3A_34] : memref<10112x128xf32, #tpu.memory_space<vmem_shared>> -> memref<632x128xf32, #tpu.memory_space<vmem_shared>>
      tpu.wait_dma2 semaphore(%run_scoped3A : memref<!tpu.dma_semaphore, #tpu.memory_space<semaphore_mem>>) src(%dma_wait3A_35 : memref<632x128xf32, #tpu.memory_space<vmem_shared>>) dst(%dma_wait3A_33 : memref<632x128xf32, #tpu.memory_space<hbm>>)
      tpu.yield
    }) : () -> ()
    return
  }
}

#map = affine_map<(d0, d1) -> (0, 0)>
#map1 = affine_map<(d0, d1) -> (0)>
#map2 = affine_map<(d0, d1) -> (0, 0, 0)>
module attributes {stable_mosaic.version = 14 : i64} {
  func.func @_sc_rowscatter(%arg0: i32, %arg1: i32, %arg2: memref<323584x128xf32, #tpu.memory_space<hbm>>, %arg3: memref<323584xi32, #tpu.memory_space<hbm>>, %arg4: memref<2x10112x128xf32, #tpu.memory_space<hbm>>, %arg5: memref<128xi32, #tpu.memory_space<vmem>>, %arg6: memref<128x128xf32, #tpu.memory_space<vmem>>, %arg7: memref<10112x128xf32, #tpu.memory_space<vmem_shared>>) attributes {dimension_semantics = [#tpu.dimension_semantics<core_parallel>, #tpu.dimension_semantics<subcore_parallel>], iteration_bounds = array<i64: 2, 16>, scalar_prefetch = 0 : i64, scratch_operands = 3 : i64, tpu.core_type = #tpu.core_type<sc_vector_subcore>, window_params = [{transform_indices = #map}, {transform_indices = #map1}, {transform_indices = #map2}]} {
    %mul3A = arith.constant 2 : i32
    %mul3A_0 = arith.muli %arg1, %mul3A : i32
    %add3A = arith.addi %mul3A_0, %arg0 : i32
    %broadcast_in_dim3A = arith.constant 0.000000e+00 : f32
    %broadcast_in_dim3A_1 = vector.broadcast %broadcast_in_dim3A : f32 to vector<16xf32>
    %scan3A = arith.constant 0 : i32
    %scan3A_2 = arith.constant 0 : i32
    %scan3A_3 = arith.constant 128 : i32
    %scan3A_4 = arith.addi %scan3A_2, %scan3A_3 : i32
    %scan3A_5 = arith.constant 1 : i32
    %scan3A_6 = scf.for %scan3A_28 = %scan3A_2 to %scan3A_4 step %scan3A_5 iter_args(%scan3A_29 = %scan3A) -> (i32)  : i32 {
      %swap3A = arith.index_cast %scan3A_28 : i32 to index
      %swap3A_30 = arith.constant 0 : index
      %swap3A_31 = tpu.vector_load %arg6[%swap3A, %swap3A_30] {strides = array<i32>} : memref<128x128xf32, #tpu.memory_space<vmem>>, vector<1x16xf32>,
      %swap3A_32 = vector.shape_cast %swap3A_31 : vector<1x16xf32> to vector<16xf32>
      %swap3A_33 = vector.shape_cast %broadcast_in_dim3A_1 : vector<16xf32> to vector<1x16xf32>
      tpu.vector_store %arg6[%swap3A, %swap3A_30], %swap3A_33 {strides = array<i32>} : memref<128x128xf32, #tpu.memory_space<vmem>>, vector<1x16xf32>,
      %swap3A_34 = arith.index_cast %scan3A_28 : i32 to index
      %swap3A_35 = arith.constant 16 : index
      %swap3A_36 = tpu.vector_load %arg6[%swap3A_34, %swap3A_35] {strides = array<i32>} : memref<128x128xf32, #tpu.memory_space<vmem>>, vector<1x16xf32>,
      %swap3A_37 = vector.shape_cast %swap3A_36 : vector<1x16xf32> to vector<16xf32>
      %swap3A_38 = vector.shape_cast %broadcast_in_dim3A_1 : vector<16xf32> to vector<1x16xf32>
      tpu.vector_store %arg6[%swap3A_34, %swap3A_35], %swap3A_38 {strides = array<i32>} : memref<128x128xf32, #tpu.memory_space<vmem>>, vector<1x16xf32>,
      %swap3A_39 = arith.index_cast %scan3A_28 : i32 to index
      %swap3A_40 = arith.constant 32 : index
      %swap3A_41 = tpu.vector_load %arg6[%swap3A_39, %swap3A_40] {strides = array<i32>} : memref<128x128xf32, #tpu.memory_space<vmem>>, vector<1x16xf32>,
      %swap3A_42 = vector.shape_cast %swap3A_41 : vector<1x16xf32> to vector<16xf32>
      %swap3A_43 = vector.shape_cast %broadcast_in_dim3A_1 : vector<16xf32> to vector<1x16xf32>
      tpu.vector_store %arg6[%swap3A_39, %swap3A_40], %swap3A_43 {strides = array<i32>} : memref<128x128xf32, #tpu.memory_space<vmem>>, vector<1x16xf32>,
      %swap3A_44 = arith.index_cast %scan3A_28 : i32 to index
      %swap3A_45 = arith.constant 48 : index
      %swap3A_46 = tpu.vector_load %arg6[%swap3A_44, %swap3A_45] {strides = array<i32>} : memref<128x128xf32, #tpu.memory_space<vmem>>, vector<1x16xf32>,
      %swap3A_47 = vector.shape_cast %swap3A_46 : vector<1x16xf32> to vector<16xf32>
      %swap3A_48 = vector.shape_cast %broadcast_in_dim3A_1 : vector<16xf32> to vector<1x16xf32>
      tpu.vector_store %arg6[%swap3A_44, %swap3A_45], %swap3A_48 {strides = array<i32>} : memref<128x128xf32, #tpu.memory_space<vmem>>, vector<1x16xf32>,
      %swap3A_49 = arith.index_cast %scan3A_28 : i32 to index
      %swap3A_50 = arith.constant 64 : index
      %swap3A_51 = tpu.vector_load %arg6[%swap3A_49, %swap3A_50] {strides = array<i32>} : memref<128x128xf32, #tpu.memory_space<vmem>>, vector<1x16xf32>,
      %swap3A_52 = vector.shape_cast %swap3A_51 : vector<1x16xf32> to vector<16xf32>
      %swap3A_53 = vector.shape_cast %broadcast_in_dim3A_1 : vector<16xf32> to vector<1x16xf32>
      tpu.vector_store %arg6[%swap3A_49, %swap3A_50], %swap3A_53 {strides = array<i32>} : memref<128x128xf32, #tpu.memory_space<vmem>>, vector<1x16xf32>,
      %swap3A_54 = arith.index_cast %scan3A_28 : i32 to index
      %swap3A_55 = arith.constant 80 : index
      %swap3A_56 = tpu.vector_load %arg6[%swap3A_54, %swap3A_55] {strides = array<i32>} : memref<128x128xf32, #tpu.memory_space<vmem>>, vector<1x16xf32>,
      %swap3A_57 = vector.shape_cast %swap3A_56 : vector<1x16xf32> to vector<16xf32>
      %swap3A_58 = vector.shape_cast %broadcast_in_dim3A_1 : vector<16xf32> to vector<1x16xf32>
      tpu.vector_store %arg6[%swap3A_54, %swap3A_55], %swap3A_58 {strides = array<i32>} : memref<128x128xf32, #tpu.memory_space<vmem>>, vector<1x16xf32>,
      %swap3A_59 = arith.index_cast %scan3A_28 : i32 to index
      %swap3A_60 = arith.constant 96 : index
      %swap3A_61 = tpu.vector_load %arg6[%swap3A_59, %swap3A_60] {strides = array<i32>} : memref<128x128xf32, #tpu.memory_space<vmem>>, vector<1x16xf32>,
      %swap3A_62 = vector.shape_cast %swap3A_61 : vector<1x16xf32> to vector<16xf32>
      %swap3A_63 = vector.shape_cast %broadcast_in_dim3A_1 : vector<16xf32> to vector<1x16xf32>
      tpu.vector_store %arg6[%swap3A_59, %swap3A_60], %swap3A_63 {strides = array<i32>} : memref<128x128xf32, #tpu.memory_space<vmem>>, vector<1x16xf32>,
      %swap3A_64 = arith.index_cast %scan3A_28 : i32 to index
      %swap3A_65 = arith.constant 112 : index
      %swap3A_66 = tpu.vector_load %arg6[%swap3A_64, %swap3A_65] {strides = array<i32>} : memref<128x128xf32, #tpu.memory_space<vmem>>, vector<1x16xf32>,
      %swap3A_67 = vector.shape_cast %swap3A_66 : vector<1x16xf32> to vector<16xf32>
      %swap3A_68 = vector.shape_cast %broadcast_in_dim3A_1 : vector<16xf32> to vector<1x16xf32>
      tpu.vector_store %arg6[%swap3A_64, %swap3A_65], %swap3A_68 {strides = array<i32>} : memref<128x128xf32, #tpu.memory_space<vmem>>, vector<1x16xf32>,
      %scan3A_69 = arith.constant 0 : i32
      scf.yield %scan3A_69 : i32
    }
    %scan3A_7 = arith.constant 128 : i32
    %mul3A_8 = arith.constant 632 : i32
    %mul3A_9 = arith.muli %arg1, %mul3A_8 : i32
    %add3A_10 = arith.constant 0 : i32
    %add3A_11 = arith.addi %mul3A_9, %add3A_10 : i32
    "tpu.region"() ({
      %run_scoped3A = tpu.sem_alloc : memref<!tpu.dma_semaphore, #tpu.memory_space<semaphore_mem>>
      %dma_start3A = arith.constant 0 : i32
      %dma_start3A_28 = arith.constant 0 : i32
      %dma_start3A_29 = tpu.memref_slice %arg6[%dma_start3A, %dma_start3A_28] : memref<128x128xf32, #tpu.memory_space<vmem>> -> memref<128x128xf32, #tpu.memory_space<vmem>>
      %dma_start3A_30 = arith.constant 0 : i32
      %dma_start3A_31 = tpu.memref_slice %arg7[%add3A_11, %dma_start3A_30] : memref<10112x128xf32, #tpu.memory_space<vmem_shared>> -> memref<128x128xf32, #tpu.memory_space<vmem_shared>>
      %dma_start3A_32 = arith.constant 0 : i32
      %dma_start3A_33 = tpu.memref_slice %arg7[%add3A_11, %dma_start3A_32] : memref<10112x128xf32, #tpu.memory_space<vmem_shared>> -> memref<128x128xf32, #tpu.memory_space<vmem_shared>>
      %dma_start3A_34 = arith.constant 0 : i32
      %dma_start3A_35 = arith.constant 0 : i32
      %dma_start3A_36 = tpu.memref_slice %arg6[%dma_start3A_34, %dma_start3A_35] : memref<128x128xf32, #tpu.memory_space<vmem>> -> memref<128x128xf32, #tpu.memory_space<vmem>>
      tpu.enqueue_dma source(%dma_start3A_36 : memref<128x128xf32, #tpu.memory_space<vmem>>) target(%dma_start3A_33 : memref<128x128xf32, #tpu.memory_space<vmem_shared>>) target_semaphore(%run_scoped3A : memref<!tpu.dma_semaphore, #tpu.memory_space<semaphore_mem>>)
      %dma_wait3A = arith.constant 0 : i32
      %dma_wait3A_37 = arith.constant 0 : i32
      %dma_wait3A_38 = tpu.memref_slice %arg6[%dma_wait3A, %dma_wait3A_37] : memref<128x128xf32, #tpu.memory_space<vmem>> -> memref<128x128xf32, #tpu.memory_space<vmem>>
      %dma_wait3A_39 = arith.constant 0 : i32
      %dma_wait3A_40 = tpu.memref_slice %arg7[%add3A_11, %dma_wait3A_39] : memref<10112x128xf32, #tpu.memory_space<vmem_shared>> -> memref<128x128xf32, #tpu.memory_space<vmem_shared>>
      %dma_wait3A_41 = arith.constant 0 : i32
      %dma_wait3A_42 = tpu.memref_slice %arg7[%add3A_11, %dma_wait3A_41] : memref<10112x128xf32, #tpu.memory_space<vmem_shared>> -> memref<128x128xf32, #tpu.memory_space<vmem_shared>>
      %dma_wait3A_43 = arith.constant 0 : i32
      %dma_wait3A_44 = arith.constant 0 : i32
      %dma_wait3A_45 = tpu.memref_slice %arg6[%dma_wait3A_43, %dma_wait3A_44] : memref<128x128xf32, #tpu.memory_space<vmem>> -> memref<128x128xf32, #tpu.memory_space<vmem>>
      tpu.wait_dma2 semaphore(%run_scoped3A : memref<!tpu.dma_semaphore, #tpu.memory_space<semaphore_mem>>) src(%dma_wait3A_45 : memref<128x128xf32, #tpu.memory_space<vmem>>) dst(%dma_wait3A_42 : memref<128x128xf32, #tpu.memory_space<vmem_shared>>)
      tpu.yield
    }) : () -> ()
    %add3A_12 = arith.constant 128 : i32
    %add3A_13 = arith.addi %mul3A_9, %add3A_12 : i32
    "tpu.region"() ({
      %run_scoped3A = tpu.sem_alloc : memref<!tpu.dma_semaphore, #tpu.memory_space<semaphore_mem>>
      %dma_start3A = arith.constant 0 : i32
      %dma_start3A_28 = arith.constant 0 : i32
      %dma_start3A_29 = tpu.memref_slice %arg6[%dma_start3A, %dma_start3A_28] : memref<128x128xf32, #tpu.memory_space<vmem>> -> memref<128x128xf32, #tpu.memory_space<vmem>>
      %dma_start3A_30 = arith.constant 0 : i32
      %dma_start3A_31 = tpu.memref_slice %arg7[%add3A_13, %dma_start3A_30] : memref<10112x128xf32, #tpu.memory_space<vmem_shared>> -> memref<128x128xf32, #tpu.memory_space<vmem_shared>>
      %dma_start3A_32 = arith.constant 0 : i32
      %dma_start3A_33 = tpu.memref_slice %arg7[%add3A_13, %dma_start3A_32] : memref<10112x128xf32, #tpu.memory_space<vmem_shared>> -> memref<128x128xf32, #tpu.memory_space<vmem_shared>>
      %dma_start3A_34 = arith.constant 0 : i32
      %dma_start3A_35 = arith.constant 0 : i32
      %dma_start3A_36 = tpu.memref_slice %arg6[%dma_start3A_34, %dma_start3A_35] : memref<128x128xf32, #tpu.memory_space<vmem>> -> memref<128x128xf32, #tpu.memory_space<vmem>>
      tpu.enqueue_dma source(%dma_start3A_36 : memref<128x128xf32, #tpu.memory_space<vmem>>) target(%dma_start3A_33 : memref<128x128xf32, #tpu.memory_space<vmem_shared>>) target_semaphore(%run_scoped3A : memref<!tpu.dma_semaphore, #tpu.memory_space<semaphore_mem>>)
      %dma_wait3A = arith.constant 0 : i32
      %dma_wait3A_37 = arith.constant 0 : i32
      %dma_wait3A_38 = tpu.memref_slice %arg6[%dma_wait3A, %dma_wait3A_37] : memref<128x128xf32, #tpu.memory_space<vmem>> -> memref<128x128xf32, #tpu.memory_space<vmem>>
      %dma_wait3A_39 = arith.constant 0 : i32
      %dma_wait3A_40 = tpu.memref_slice %arg7[%add3A_13, %dma_wait3A_39] : memref<10112x128xf32, #tpu.memory_space<vmem_shared>> -> memref<128x128xf32, #tpu.memory_space<vmem_shared>>
      %dma_wait3A_41 = arith.constant 0 : i32
      %dma_wait3A_42 = tpu.memref_slice %arg7[%add3A_13, %dma_wait3A_41] : memref<10112x128xf32, #tpu.memory_space<vmem_shared>> -> memref<128x128xf32, #tpu.memory_space<vmem_shared>>
      %dma_wait3A_43 = arith.constant 0 : i32
      %dma_wait3A_44 = arith.constant 0 : i32
      %dma_wait3A_45 = tpu.memref_slice %arg6[%dma_wait3A_43, %dma_wait3A_44] : memref<128x128xf32, #tpu.memory_space<vmem>> -> memref<128x128xf32, #tpu.memory_space<vmem>>
      tpu.wait_dma2 semaphore(%run_scoped3A : memref<!tpu.dma_semaphore, #tpu.memory_space<semaphore_mem>>) src(%dma_wait3A_45 : memref<128x128xf32, #tpu.memory_space<vmem>>) dst(%dma_wait3A_42 : memref<128x128xf32, #tpu.memory_space<vmem_shared>>)
      tpu.yield
    }) : () -> ()
    %add3A_14 = arith.constant 256 : i32
    %add3A_15 = arith.addi %mul3A_9, %add3A_14 : i32
    "tpu.region"() ({
      %run_scoped3A = tpu.sem_alloc : memref<!tpu.dma_semaphore, #tpu.memory_space<semaphore_mem>>
      %dma_start3A = arith.constant 0 : i32
      %dma_start3A_28 = arith.constant 0 : i32
      %dma_start3A_29 = tpu.memref_slice %arg6[%dma_start3A, %dma_start3A_28] : memref<128x128xf32, #tpu.memory_space<vmem>> -> memref<128x128xf32, #tpu.memory_space<vmem>>
      %dma_start3A_30 = arith.constant 0 : i32
      %dma_start3A_31 = tpu.memref_slice %arg7[%add3A_15, %dma_start3A_30] : memref<10112x128xf32, #tpu.memory_space<vmem_shared>> -> memref<128x128xf32, #tpu.memory_space<vmem_shared>>
      %dma_start3A_32 = arith.constant 0 : i32
      %dma_start3A_33 = tpu.memref_slice %arg7[%add3A_15, %dma_start3A_32] : memref<10112x128xf32, #tpu.memory_space<vmem_shared>> -> memref<128x128xf32, #tpu.memory_space<vmem_shared>>
      %dma_start3A_34 = arith.constant 0 : i32
      %dma_start3A_35 = arith.constant 0 : i32
      %dma_start3A_36 = tpu.memref_slice %arg6[%dma_start3A_34, %dma_start3A_35] : memref<128x128xf32, #tpu.memory_space<vmem>> -> memref<128x128xf32, #tpu.memory_space<vmem>>
      tpu.enqueue_dma source(%dma_start3A_36 : memref<128x128xf32, #tpu.memory_space<vmem>>) target(%dma_start3A_33 : memref<128x128xf32, #tpu.memory_space<vmem_shared>>) target_semaphore(%run_scoped3A : memref<!tpu.dma_semaphore, #tpu.memory_space<semaphore_mem>>)
      %dma_wait3A = arith.constant 0 : i32
      %dma_wait3A_37 = arith.constant 0 : i32
      %dma_wait3A_38 = tpu.memref_slice %arg6[%dma_wait3A, %dma_wait3A_37] : memref<128x128xf32, #tpu.memory_space<vmem>> -> memref<128x128xf32, #tpu.memory_space<vmem>>
      %dma_wait3A_39 = arith.constant 0 : i32
      %dma_wait3A_40 = tpu.memref_slice %arg7[%add3A_15, %dma_wait3A_39] : memref<10112x128xf32, #tpu.memory_space<vmem_shared>> -> memref<128x128xf32, #tpu.memory_space<vmem_shared>>
      %dma_wait3A_41 = arith.constant 0 : i32
      %dma_wait3A_42 = tpu.memref_slice %arg7[%add3A_15, %dma_wait3A_41] : memref<10112x128xf32, #tpu.memory_space<vmem_shared>> -> memref<128x128xf32, #tpu.memory_space<vmem_shared>>
      %dma_wait3A_43 = arith.constant 0 : i32
      %dma_wait3A_44 = arith.constant 0 : i32
      %dma_wait3A_45 = tpu.memref_slice %arg6[%dma_wait3A_43, %dma_wait3A_44] : memref<128x128xf32, #tpu.memory_space<vmem>> -> memref<128x128xf32, #tpu.memory_space<vmem>>
      tpu.wait_dma2 semaphore(%run_scoped3A : memref<!tpu.dma_semaphore, #tpu.memory_space<semaphore_mem>>) src(%dma_wait3A_45 : memref<128x128xf32, #tpu.memory_space<vmem>>) dst(%dma_wait3A_42 : memref<128x128xf32, #tpu.memory_space<vmem_shared>>)
      tpu.yield
    }) : () -> ()
    %add3A_16 = arith.constant 384 : i32
    %add3A_17 = arith.addi %mul3A_9, %add3A_16 : i32
    "tpu.region"() ({
      %run_scoped3A = tpu.sem_alloc : memref<!tpu.dma_semaphore, #tpu.memory_space<semaphore_mem>>
      %dma_start3A = arith.constant 0 : i32
      %dma_start3A_28 = arith.constant 0 : i32
      %dma_start3A_29 = tpu.memref_slice %arg6[%dma_start3A, %dma_start3A_28] : memref<128x128xf32, #tpu.memory_space<vmem>> -> memref<128x128xf32, #tpu.memory_space<vmem>>
      %dma_start3A_30 = arith.constant 0 : i32
      %dma_start3A_31 = tpu.memref_slice %arg7[%add3A_17, %dma_start3A_30] : memref<10112x128xf32, #tpu.memory_space<vmem_shared>> -> memref<128x128xf32, #tpu.memory_space<vmem_shared>>
      %dma_start3A_32 = arith.constant 0 : i32
      %dma_start3A_33 = tpu.memref_slice %arg7[%add3A_17, %dma_start3A_32] : memref<10112x128xf32, #tpu.memory_space<vmem_shared>> -> memref<128x128xf32, #tpu.memory_space<vmem_shared>>
      %dma_start3A_34 = arith.constant 0 : i32
      %dma_start3A_35 = arith.constant 0 : i32
      %dma_start3A_36 = tpu.memref_slice %arg6[%dma_start3A_34, %dma_start3A_35] : memref<128x128xf32, #tpu.memory_space<vmem>> -> memref<128x128xf32, #tpu.memory_space<vmem>>
      tpu.enqueue_dma source(%dma_start3A_36 : memref<128x128xf32, #tpu.memory_space<vmem>>) target(%dma_start3A_33 : memref<128x128xf32, #tpu.memory_space<vmem_shared>>) target_semaphore(%run_scoped3A : memref<!tpu.dma_semaphore, #tpu.memory_space<semaphore_mem>>)
      %dma_wait3A = arith.constant 0 : i32
      %dma_wait3A_37 = arith.constant 0 : i32
      %dma_wait3A_38 = tpu.memref_slice %arg6[%dma_wait3A, %dma_wait3A_37] : memref<128x128xf32, #tpu.memory_space<vmem>> -> memref<128x128xf32, #tpu.memory_space<vmem>>
      %dma_wait3A_39 = arith.constant 0 : i32
      %dma_wait3A_40 = tpu.memref_slice %arg7[%add3A_17, %dma_wait3A_39] : memref<10112x128xf32, #tpu.memory_space<vmem_shared>> -> memref<128x128xf32, #tpu.memory_space<vmem_shared>>
      %dma_wait3A_41 = arith.constant 0 : i32
      %dma_wait3A_42 = tpu.memref_slice %arg7[%add3A_17, %dma_wait3A_41] : memref<10112x128xf32, #tpu.memory_space<vmem_shared>> -> memref<128x128xf32, #tpu.memory_space<vmem_shared>>
      %dma_wait3A_43 = arith.constant 0 : i32
      %dma_wait3A_44 = arith.constant 0 : i32
      %dma_wait3A_45 = tpu.memref_slice %arg6[%dma_wait3A_43, %dma_wait3A_44] : memref<128x128xf32, #tpu.memory_space<vmem>> -> memref<128x128xf32, #tpu.memory_space<vmem>>
      tpu.wait_dma2 semaphore(%run_scoped3A : memref<!tpu.dma_semaphore, #tpu.memory_space<semaphore_mem>>) src(%dma_wait3A_45 : memref<128x128xf32, #tpu.memory_space<vmem>>) dst(%dma_wait3A_42 : memref<128x128xf32, #tpu.memory_space<vmem_shared>>)
      tpu.yield
    }) : () -> ()
    %add3A_18 = arith.constant 512 : i32
    %add3A_19 = arith.addi %mul3A_9, %add3A_18 : i32
    "tpu.region"() ({
      %run_scoped3A = tpu.sem_alloc : memref<!tpu.dma_semaphore, #tpu.memory_space<semaphore_mem>>
      %dma_start3A = arith.constant 0 : i32
      %dma_start3A_28 = arith.constant 0 : i32
      %dma_start3A_29 = tpu.memref_slice %arg6[%dma_start3A, %dma_start3A_28] : memref<128x128xf32, #tpu.memory_space<vmem>> -> memref<120x128xf32, #tpu.memory_space<vmem>>
      %dma_start3A_30 = arith.constant 0 : i32
      %dma_start3A_31 = tpu.memref_slice %arg7[%add3A_19, %dma_start3A_30] : memref<10112x128xf32, #tpu.memory_space<vmem_shared>> -> memref<120x128xf32, #tpu.memory_space<vmem_shared>>
      %dma_start3A_32 = arith.constant 0 : i32
      %dma_start3A_33 = tpu.memref_slice %arg7[%add3A_19, %dma_start3A_32] : memref<10112x128xf32, #tpu.memory_space<vmem_shared>> -> memref<120x128xf32, #tpu.memory_space<vmem_shared>>
      %dma_start3A_34 = arith.constant 0 : i32
      %dma_start3A_35 = arith.constant 0 : i32
      %dma_start3A_36 = tpu.memref_slice %arg6[%dma_start3A_34, %dma_start3A_35] : memref<128x128xf32, #tpu.memory_space<vmem>> -> memref<120x128xf32, #tpu.memory_space<vmem>>
      tpu.enqueue_dma source(%dma_start3A_36 : memref<120x128xf32, #tpu.memory_space<vmem>>) target(%dma_start3A_33 : memref<120x128xf32, #tpu.memory_space<vmem_shared>>) target_semaphore(%run_scoped3A : memref<!tpu.dma_semaphore, #tpu.memory_space<semaphore_mem>>)
      %dma_wait3A = arith.constant 0 : i32
      %dma_wait3A_37 = arith.constant 0 : i32
      %dma_wait3A_38 = tpu.memref_slice %arg6[%dma_wait3A, %dma_wait3A_37] : memref<128x128xf32, #tpu.memory_space<vmem>> -> memref<120x128xf32, #tpu.memory_space<vmem>>
      %dma_wait3A_39 = arith.constant 0 : i32
      %dma_wait3A_40 = tpu.memref_slice %arg7[%add3A_19, %dma_wait3A_39] : memref<10112x128xf32, #tpu.memory_space<vmem_shared>> -> memref<120x128xf32, #tpu.memory_space<vmem_shared>>
      %dma_wait3A_41 = arith.constant 0 : i32
      %dma_wait3A_42 = tpu.memref_slice %arg7[%add3A_19, %dma_wait3A_41] : memref<10112x128xf32, #tpu.memory_space<vmem_shared>> -> memref<120x128xf32, #tpu.memory_space<vmem_shared>>
      %dma_wait3A_43 = arith.constant 0 : i32
      %dma_wait3A_44 = arith.constant 0 : i32
      %dma_wait3A_45 = tpu.memref_slice %arg6[%dma_wait3A_43, %dma_wait3A_44] : memref<128x128xf32, #tpu.memory_space<vmem>> -> memref<120x128xf32, #tpu.memory_space<vmem>>
      tpu.wait_dma2 semaphore(%run_scoped3A : memref<!tpu.dma_semaphore, #tpu.memory_space<semaphore_mem>>) src(%dma_wait3A_45 : memref<120x128xf32, #tpu.memory_space<vmem>>) dst(%dma_wait3A_42 : memref<120x128xf32, #tpu.memory_space<vmem_shared>>)
      tpu.yield
    }) : () -> ()
    %barrier3A = arith.constant 0 : index
    tpu.barrier barrier_id(%barrier3A)
    %scan3A_20 = arith.constant 0 : i32
    %scan3A_21 = arith.constant 0 : i32
    %scan3A_22 = arith.constant 79 : i32
    %scan3A_23 = arith.addi %scan3A_21, %scan3A_22 : i32
    %scan3A_24 = arith.constant 1 : i32
    %scan3A_25 = scf.for %scan3A_28 = %scan3A_21 to %scan3A_23 step %scan3A_24 iter_args(%scan3A_29 = %scan3A_20) -> (i32)  : i32 {
      %mul3A_30 = arith.constant 79 : i32
      %mul3A_31 = arith.muli %add3A, %mul3A_30 : i32
      %add3A_32 = arith.addi %mul3A_31, %scan3A_28 : i32
      %mul3A_33 = arith.constant 128 : i32
      %mul3A_34 = arith.muli %add3A_32, %mul3A_33 : i32
      "tpu.region"() ({
        %run_scoped3A = tpu.sem_alloc : memref<!tpu.dma_semaphore, #tpu.memory_space<semaphore_mem>>
        %dma_start3A = tpu.memref_slice %arg3[%mul3A_34] : memref<323584xi32, #tpu.memory_space<hbm>> -> memref<128xi32, #tpu.memory_space<hbm>>
        %dma_start3A_36 = tpu.memref_slice %arg3[%mul3A_34] : memref<323584xi32, #tpu.memory_space<hbm>> -> memref<128xi32, #tpu.memory_space<hbm>>
        tpu.enqueue_dma source(%dma_start3A_36 : memref<128xi32, #tpu.memory_space<hbm>>) target(%arg5 : memref<128xi32, #tpu.memory_space<vmem>>) target_semaphore(%run_scoped3A : memref<!tpu.dma_semaphore, #tpu.memory_space<semaphore_mem>>)
        %dma_wait3A = tpu.memref_slice %arg3[%mul3A_34] : memref<323584xi32, #tpu.memory_space<hbm>> -> memref<128xi32, #tpu.memory_space<hbm>>
        %dma_wait3A_37 = tpu.memref_slice %arg3[%mul3A_34] : memref<323584xi32, #tpu.memory_space<hbm>> -> memref<128xi32, #tpu.memory_space<hbm>>
        tpu.wait_dma2 semaphore(%run_scoped3A : memref<!tpu.dma_semaphore, #tpu.memory_space<semaphore_mem>>) src(%dma_wait3A_37 : memref<128xi32, #tpu.memory_space<hbm>>) dst(%arg5 : memref<128xi32, #tpu.memory_space<vmem>>)
        tpu.yield
      }) : () -> ()
      "tpu.region"() ({
        %run_scoped3A = tpu.sem_alloc : memref<!tpu.dma_semaphore, #tpu.memory_space<semaphore_mem>>
        %dma_start3A = arith.constant 0 : i32
        %dma_start3A_36 = tpu.memref_slice %arg2[%mul3A_34, %dma_start3A] : memref<323584x128xf32, #tpu.memory_space<hbm>> -> memref<128x128xf32, #tpu.memory_space<hbm>>
        %dma_start3A_37 = arith.constant 0 : i32
        %dma_start3A_38 = tpu.memref_slice %arg2[%mul3A_34, %dma_start3A_37] : memref<323584x128xf32, #tpu.memory_space<hbm>> -> memref<128x128xf32, #tpu.memory_space<hbm>>
        tpu.enqueue_dma source(%dma_start3A_38 : memref<128x128xf32, #tpu.memory_space<hbm>>) target(%arg6 : memref<128x128xf32, #tpu.memory_space<vmem>>) target_semaphore(%run_scoped3A : memref<!tpu.dma_semaphore, #tpu.memory_space<semaphore_mem>>)
        %dma_wait3A = arith.constant 0 : i32
        %dma_wait3A_39 = tpu.memref_slice %arg2[%mul3A_34, %dma_wait3A] : memref<323584x128xf32, #tpu.memory_space<hbm>> -> memref<128x128xf32, #tpu.memory_space<hbm>>
        %dma_wait3A_40 = arith.constant 0 : i32
        %dma_wait3A_41 = tpu.memref_slice %arg2[%mul3A_34, %dma_wait3A_40] : memref<323584x128xf32, #tpu.memory_space<hbm>> -> memref<128x128xf32, #tpu.memory_space<hbm>>
        tpu.wait_dma2 semaphore(%run_scoped3A : memref<!tpu.dma_semaphore, #tpu.memory_space<semaphore_mem>>) src(%dma_wait3A_41 : memref<128x128xf32, #tpu.memory_space<hbm>>) dst(%arg6 : memref<128x128xf32, #tpu.memory_space<vmem>>)
        tpu.yield
      }) : () -> ()
      "tpu.region"() ({
        %run_scoped3A = tpu.sem_alloc : memref<!tpu.dma_semaphore, #tpu.memory_space<semaphore_mem>>
        %dma_start3A = arith.constant 0 : i32
        %dma_start3A_36 = arith.constant 0 : i32
        %dma_start3A_37 = tpu.memref_slice %arg7[%dma_start3A, %dma_start3A_36] : memref<10112x128xf32, #tpu.memory_space<vmem_shared>> -> memref<10112x128xf32, #tpu.memory_space<vmem_shared>>
        tpu.enqueue_indirect_dma source(%arg6 : memref<128x128xf32, #tpu.memory_space<vmem>>) target(%dma_start3A_37 : memref<10112x128xf32, #tpu.memory_space<vmem_shared>>) offsets(%arg5 : memref<128xi32, #tpu.memory_space<vmem>>) semaphore(%run_scoped3A : memref<!tpu.dma_semaphore, #tpu.memory_space<semaphore_mem>>) {add = true}
        %dma_wait3A = arith.constant 0 : i32
        %dma_wait3A_38 = arith.constant 0 : i32
        %dma_wait3A_39 = tpu.memref_slice %arg7[%dma_wait3A, %dma_wait3A_38] : memref<10112x128xf32, #tpu.memory_space<vmem_shared>> -> memref<10112x128xf32, #tpu.memory_space<vmem_shared>>
        tpu.wait_indirect_dma semaphore(%run_scoped3A : memref<!tpu.dma_semaphore, #tpu.memory_space<semaphore_mem>>) src(%arg6 : memref<128x128xf32, #tpu.memory_space<vmem>>) dst(%dma_wait3A_39 : memref<10112x128xf32, #tpu.memory_space<vmem_shared>>)
        tpu.yield
      }) : () -> ()
      %scan3A_35 = arith.constant 0 : i32
      scf.yield %scan3A_35 : i32
    }
    %scan3A_26 = arith.constant 79 : i32
    %barrier3A_27 = arith.constant 0 : index
    tpu.barrier barrier_id(%barrier3A_27)
    "tpu.region"() ({
      %run_scoped3A = tpu.sem_alloc : memref<!tpu.dma_semaphore, #tpu.memory_space<semaphore_mem>>
      %dma_start3A = arith.constant 0 : i32
      %dma_start3A_28 = tpu.memref_slice %arg4[%arg0, %mul3A_9, %dma_start3A] : memref<2x10112x128xf32, #tpu.memory_space<hbm>> -> memref<1x632x128xf32, #tpu.memory_space<hbm>>
      %dma_start3A_29 = tpu.memref_squeeze %dma_start3A_28 : memref<1x632x128xf32, #tpu.memory_space<hbm>> -> memref<632x128xf32, #tpu.memory_space<hbm>>
      %dma_start3A_30 = arith.constant 0 : i32
      %dma_start3A_31 = tpu.memref_slice %arg7[%mul3A_9, %dma_start3A_30] : memref<10112x128xf32, #tpu.memory_space<vmem_shared>> -> memref<632x128xf32, #tpu.memory_space<vmem_shared>>
      tpu.enqueue_dma source(%dma_start3A_31 : memref<632x128xf32, #tpu.memory_space<vmem_shared>>) target(%dma_start3A_29 : memref<632x128xf32, #tpu.memory_space<hbm>>) target_semaphore(%run_scoped3A : memref<!tpu.dma_semaphore, #tpu.memory_space<semaphore_mem>>)
      %dma_wait3A = arith.constant 0 : i32
      %dma_wait3A_32 = tpu.memref_slice %arg4[%arg0, %mul3A_9, %dma_wait3A] : memref<2x10112x128xf32, #tpu.memory_space<hbm>> -> memref<1x632x128xf32, #tpu.memory_space<hbm>>
      %dma_wait3A_33 = tpu.memref_squeeze %dma_wait3A_32 : memref<1x632x128xf32, #tpu.memory_space<hbm>> -> memref<632x128xf32, #tpu.memory_space<hbm>>
      %dma_wait3A_34 = arith.constant 0 : i32
      %dma_wait3A_35 = tpu.memref_slice %arg7[%mul3A_9, %dma_wait3A_34] : memref<10112x128xf32, #tpu.memory_space<vmem_shared>> -> memref<632x128xf32, #tpu.memory_space<vmem_shared>>
      tpu.wait_dma2 semaphore(%run_scoped3A : memref<!tpu.dma_semaphore, #tpu.memory_space<semaphore_mem>>) src(%dma_wait3A_35 : memref<632x128xf32, #tpu.memory_space<vmem_shared>>) dst(%dma_wait3A_33 : memref<632x128xf32, #tpu.memory_space<hbm>>)
      tpu.yield
    }) : () -> ()
    return
  }
}

#map = affine_map<(d0, d1) -> (0)>
#map1 = affine_map<(d0, d1) -> (0, 0, 0)>
module attributes {stable_mosaic.version = 14 : i64} {
  func.func @_sc_histogram(%arg0: i32, %arg1: i32, %arg2: memref<323584xi32, #tpu.memory_space<hbm>>, %arg3: memref<2x10112x128xf32, #tpu.memory_space<hbm>>, %arg4: memref<128xi32, #tpu.memory_space<vmem>>, %arg5: memref<128x128xf32, #tpu.memory_space<vmem>>, %arg6: memref<128x128xf32, #tpu.memory_space<vmem>>, %arg7: memref<10112x128xf32, #tpu.memory_space<vmem_shared>>) attributes {dimension_semantics = [#tpu.dimension_semantics<core_parallel>, #tpu.dimension_semantics<subcore_parallel>], iteration_bounds = array<i64: 2, 16>, scalar_prefetch = 0 : i64, scratch_operands = 4 : i64, tpu.core_type = #tpu.core_type<sc_vector_subcore>, window_params = [{transform_indices = #map}, {transform_indices = #map1}]} {
    %mul3A = arith.constant 2 : i32
    %mul3A_0 = arith.muli %arg1, %mul3A : i32
    %add3A = arith.addi %mul3A_0, %arg0 : i32
    %broadcast_in_dim3A = arith.constant 0.000000e+00 : f32
    %broadcast_in_dim3A_1 = vector.broadcast %broadcast_in_dim3A : f32 to vector<16xf32>
    %scan3A = arith.constant 0 : i32
    %scan3A_2 = arith.constant 0 : i32
    %scan3A_3 = arith.constant 128 : i32
    %scan3A_4 = arith.addi %scan3A_2, %scan3A_3 : i32
    %scan3A_5 = arith.constant 1 : i32
    %scan3A_6 = scf.for %scan3A_37 = %scan3A_2 to %scan3A_4 step %scan3A_5 iter_args(%scan3A_38 = %scan3A) -> (i32)  : i32 {
      %swap3A = arith.index_cast %scan3A_37 : i32 to index
      %swap3A_39 = arith.constant 0 : index
      %swap3A_40 = tpu.vector_load %arg5[%swap3A, %swap3A_39] {strides = array<i32>} : memref<128x128xf32, #tpu.memory_space<vmem>>, vector<1x16xf32>,
      %swap3A_41 = vector.shape_cast %swap3A_40 : vector<1x16xf32> to vector<16xf32>
      %swap3A_42 = vector.shape_cast %broadcast_in_dim3A_1 : vector<16xf32> to vector<1x16xf32>
      tpu.vector_store %arg5[%swap3A, %swap3A_39], %swap3A_42 {strides = array<i32>} : memref<128x128xf32, #tpu.memory_space<vmem>>, vector<1x16xf32>,
      %swap3A_43 = arith.index_cast %scan3A_37 : i32 to index
      %swap3A_44 = arith.constant 16 : index
      %swap3A_45 = tpu.vector_load %arg5[%swap3A_43, %swap3A_44] {strides = array<i32>} : memref<128x128xf32, #tpu.memory_space<vmem>>, vector<1x16xf32>,
      %swap3A_46 = vector.shape_cast %swap3A_45 : vector<1x16xf32> to vector<16xf32>
      %swap3A_47 = vector.shape_cast %broadcast_in_dim3A_1 : vector<16xf32> to vector<1x16xf32>
      tpu.vector_store %arg5[%swap3A_43, %swap3A_44], %swap3A_47 {strides = array<i32>} : memref<128x128xf32, #tpu.memory_space<vmem>>, vector<1x16xf32>,
      %swap3A_48 = arith.index_cast %scan3A_37 : i32 to index
      %swap3A_49 = arith.constant 32 : index
      %swap3A_50 = tpu.vector_load %arg5[%swap3A_48, %swap3A_49] {strides = array<i32>} : memref<128x128xf32, #tpu.memory_space<vmem>>, vector<1x16xf32>,
      %swap3A_51 = vector.shape_cast %swap3A_50 : vector<1x16xf32> to vector<16xf32>
      %swap3A_52 = vector.shape_cast %broadcast_in_dim3A_1 : vector<16xf32> to vector<1x16xf32>
      tpu.vector_store %arg5[%swap3A_48, %swap3A_49], %swap3A_52 {strides = array<i32>} : memref<128x128xf32, #tpu.memory_space<vmem>>, vector<1x16xf32>,
      %swap3A_53 = arith.index_cast %scan3A_37 : i32 to index
      %swap3A_54 = arith.constant 48 : index
      %swap3A_55 = tpu.vector_load %arg5[%swap3A_53, %swap3A_54] {strides = array<i32>} : memref<128x128xf32, #tpu.memory_space<vmem>>, vector<1x16xf32>,
      %swap3A_56 = vector.shape_cast %swap3A_55 : vector<1x16xf32> to vector<16xf32>
      %swap3A_57 = vector.shape_cast %broadcast_in_dim3A_1 : vector<16xf32> to vector<1x16xf32>
      tpu.vector_store %arg5[%swap3A_53, %swap3A_54], %swap3A_57 {strides = array<i32>} : memref<128x128xf32, #tpu.memory_space<vmem>>, vector<1x16xf32>,
      %swap3A_58 = arith.index_cast %scan3A_37 : i32 to index
      %swap3A_59 = arith.constant 64 : index
      %swap3A_60 = tpu.vector_load %arg5[%swap3A_58, %swap3A_59] {strides = array<i32>} : memref<128x128xf32, #tpu.memory_space<vmem>>, vector<1x16xf32>,
      %swap3A_61 = vector.shape_cast %swap3A_60 : vector<1x16xf32> to vector<16xf32>
      %swap3A_62 = vector.shape_cast %broadcast_in_dim3A_1 : vector<16xf32> to vector<1x16xf32>
      tpu.vector_store %arg5[%swap3A_58, %swap3A_59], %swap3A_62 {strides = array<i32>} : memref<128x128xf32, #tpu.memory_space<vmem>>, vector<1x16xf32>,
      %swap3A_63 = arith.index_cast %scan3A_37 : i32 to index
      %swap3A_64 = arith.constant 80 : index
      %swap3A_65 = tpu.vector_load %arg5[%swap3A_63, %swap3A_64] {strides = array<i32>} : memref<128x128xf32, #tpu.memory_space<vmem>>, vector<1x16xf32>,
      %swap3A_66 = vector.shape_cast %swap3A_65 : vector<1x16xf32> to vector<16xf32>
      %swap3A_67 = vector.shape_cast %broadcast_in_dim3A_1 : vector<16xf32> to vector<1x16xf32>
      tpu.vector_store %arg5[%swap3A_63, %swap3A_64], %swap3A_67 {strides = array<i32>} : memref<128x128xf32, #tpu.memory_space<vmem>>, vector<1x16xf32>,
      %swap3A_68 = arith.index_cast %scan3A_37 : i32 to index
      %swap3A_69 = arith.constant 96 : index
      %swap3A_70 = tpu.vector_load %arg5[%swap3A_68, %swap3A_69] {strides = array<i32>} : memref<128x128xf32, #tpu.memory_space<vmem>>, vector<1x16xf32>,
      %swap3A_71 = vector.shape_cast %swap3A_70 : vector<1x16xf32> to vector<16xf32>
      %swap3A_72 = vector.shape_cast %broadcast_in_dim3A_1 : vector<16xf32> to vector<1x16xf32>
      tpu.vector_store %arg5[%swap3A_68, %swap3A_69], %swap3A_72 {strides = array<i32>} : memref<128x128xf32, #tpu.memory_space<vmem>>, vector<1x16xf32>,
      %swap3A_73 = arith.index_cast %scan3A_37 : i32 to index
      %swap3A_74 = arith.constant 112 : index
      %swap3A_75 = tpu.vector_load %arg5[%swap3A_73, %swap3A_74] {strides = array<i32>} : memref<128x128xf32, #tpu.memory_space<vmem>>, vector<1x16xf32>,
      %swap3A_76 = vector.shape_cast %swap3A_75 : vector<1x16xf32> to vector<16xf32>
      %swap3A_77 = vector.shape_cast %broadcast_in_dim3A_1 : vector<16xf32> to vector<1x16xf32>
      tpu.vector_store %arg5[%swap3A_73, %swap3A_74], %swap3A_77 {strides = array<i32>} : memref<128x128xf32, #tpu.memory_space<vmem>>, vector<1x16xf32>,
      %scan3A_78 = arith.constant 0 : i32
      scf.yield %scan3A_78 : i32
    }
    %scan3A_7 = arith.constant 128 : i32
    %broadcast_in_dim3A_8 = arith.constant 1.000000e+00 : f32
    %broadcast_in_dim3A_9 = vector.broadcast %broadcast_in_dim3A_8 : f32 to vector<16xf32>
    %scan3A_10 = arith.constant 0 : i32
    %scan3A_11 = arith.constant 0 : i32
    %scan3A_12 = arith.constant 128 : i32
    %scan3A_13 = arith.addi %scan3A_11, %scan3A_12 : i32
    %scan3A_14 = arith.constant 1 : i32
    %scan3A_15 = scf.for %scan3A_37 = %scan3A_11 to %scan3A_13 step %scan3A_14 iter_args(%scan3A_38 = %scan3A_10) -> (i32)  : i32 {
      %swap3A = arith.index_cast %scan3A_37 : i32 to index
      %swap3A_39 = arith.constant 0 : index
      %swap3A_40 = tpu.vector_load %arg6[%swap3A, %swap3A_39] {strides = array<i32>} : memref<128x128xf32, #tpu.memory_space<vmem>>, vector<1x16xf32>,
      %swap3A_41 = vector.shape_cast %swap3A_40 : vector<1x16xf32> to vector<16xf32>
      %swap3A_42 = vector.shape_cast %broadcast_in_dim3A_9 : vector<16xf32> to vector<1x16xf32>
      tpu.vector_store %arg6[%swap3A, %swap3A_39], %swap3A_42 {strides = array<i32>} : memref<128x128xf32, #tpu.memory_space<vmem>>, vector<1x16xf32>,
      %swap3A_43 = arith.index_cast %scan3A_37 : i32 to index
      %swap3A_44 = arith.constant 16 : index
      %swap3A_45 = tpu.vector_load %arg6[%swap3A_43, %swap3A_44] {strides = array<i32>} : memref<128x128xf32, #tpu.memory_space<vmem>>, vector<1x16xf32>,
      %swap3A_46 = vector.shape_cast %swap3A_45 : vector<1x16xf32> to vector<16xf32>
      %swap3A_47 = vector.shape_cast %broadcast_in_dim3A_9 : vector<16xf32> to vector<1x16xf32>
      tpu.vector_store %arg6[%swap3A_43, %swap3A_44], %swap3A_47 {strides = array<i32>} : memref<128x128xf32, #tpu.memory_space<vmem>>, vector<1x16xf32>,
      %swap3A_48 = arith.index_cast %scan3A_37 : i32 to index
      %swap3A_49 = arith.constant 32 : index
      %swap3A_50 = tpu.vector_load %arg6[%swap3A_48, %swap3A_49] {strides = array<i32>} : memref<128x128xf32, #tpu.memory_space<vmem>>, vector<1x16xf32>,
      %swap3A_51 = vector.shape_cast %swap3A_50 : vector<1x16xf32> to vector<16xf32>
      %swap3A_52 = vector.shape_cast %broadcast_in_dim3A_9 : vector<16xf32> to vector<1x16xf32>
      tpu.vector_store %arg6[%swap3A_48, %swap3A_49], %swap3A_52 {strides = array<i32>} : memref<128x128xf32, #tpu.memory_space<vmem>>, vector<1x16xf32>,
      %swap3A_53 = arith.index_cast %scan3A_37 : i32 to index
      %swap3A_54 = arith.constant 48 : index
      %swap3A_55 = tpu.vector_load %arg6[%swap3A_53, %swap3A_54] {strides = array<i32>} : memref<128x128xf32, #tpu.memory_space<vmem>>, vector<1x16xf32>,
      %swap3A_56 = vector.shape_cast %swap3A_55 : vector<1x16xf32> to vector<16xf32>
      %swap3A_57 = vector.shape_cast %broadcast_in_dim3A_9 : vector<16xf32> to vector<1x16xf32>
      tpu.vector_store %arg6[%swap3A_53, %swap3A_54], %swap3A_57 {strides = array<i32>} : memref<128x128xf32, #tpu.memory_space<vmem>>, vector<1x16xf32>,
      %swap3A_58 = arith.index_cast %scan3A_37 : i32 to index
      %swap3A_59 = arith.constant 64 : index
      %swap3A_60 = tpu.vector_load %arg6[%swap3A_58, %swap3A_59] {strides = array<i32>} : memref<128x128xf32, #tpu.memory_space<vmem>>, vector<1x16xf32>,
      %swap3A_61 = vector.shape_cast %swap3A_60 : vector<1x16xf32> to vector<16xf32>
      %swap3A_62 = vector.shape_cast %broadcast_in_dim3A_9 : vector<16xf32> to vector<1x16xf32>
      tpu.vector_store %arg6[%swap3A_58, %swap3A_59], %swap3A_62 {strides = array<i32>} : memref<128x128xf32, #tpu.memory_space<vmem>>, vector<1x16xf32>,
      %swap3A_63 = arith.index_cast %scan3A_37 : i32 to index
      %swap3A_64 = arith.constant 80 : index
      %swap3A_65 = tpu.vector_load %arg6[%swap3A_63, %swap3A_64] {strides = array<i32>} : memref<128x128xf32, #tpu.memory_space<vmem>>, vector<1x16xf32>,
      %swap3A_66 = vector.shape_cast %swap3A_65 : vector<1x16xf32> to vector<16xf32>
      %swap3A_67 = vector.shape_cast %broadcast_in_dim3A_9 : vector<16xf32> to vector<1x16xf32>
      tpu.vector_store %arg6[%swap3A_63, %swap3A_64], %swap3A_67 {strides = array<i32>} : memref<128x128xf32, #tpu.memory_space<vmem>>, vector<1x16xf32>,
      %swap3A_68 = arith.index_cast %scan3A_37 : i32 to index
      %swap3A_69 = arith.constant 96 : index
      %swap3A_70 = tpu.vector_load %arg6[%swap3A_68, %swap3A_69] {strides = array<i32>} : memref<128x128xf32, #tpu.memory_space<vmem>>, vector<1x16xf32>,
      %swap3A_71 = vector.shape_cast %swap3A_70 : vector<1x16xf32> to vector<16xf32>
      %swap3A_72 = vector.shape_cast %broadcast_in_dim3A_9 : vector<16xf32> to vector<1x16xf32>
      tpu.vector_store %arg6[%swap3A_68, %swap3A_69], %swap3A_72 {strides = array<i32>} : memref<128x128xf32, #tpu.memory_space<vmem>>, vector<1x16xf32>,
      %swap3A_73 = arith.index_cast %scan3A_37 : i32 to index
      %swap3A_74 = arith.constant 112 : index
      %swap3A_75 = tpu.vector_load %arg6[%swap3A_73, %swap3A_74] {strides = array<i32>} : memref<128x128xf32, #tpu.memory_space<vmem>>, vector<1x16xf32>,
      %swap3A_76 = vector.shape_cast %swap3A_75 : vector<1x16xf32> to vector<16xf32>
      %swap3A_77 = vector.shape_cast %broadcast_in_dim3A_9 : vector<16xf32> to vector<1x16xf32>
      tpu.vector_store %arg6[%swap3A_73, %swap3A_74], %swap3A_77 {strides = array<i32>} : memref<128x128xf32, #tpu.memory_space<vmem>>, vector<1x16xf32>,
      %scan3A_78 = arith.constant 0 : i32
      scf.yield %scan3A_78 : i32
    }
    %scan3A_16 = arith.constant 128 : i32
    %mul3A_17 = arith.constant 632 : i32
    %mul3A_18 = arith.muli %arg1, %mul3A_17 : i32
    %add3A_19 = arith.constant 0 : i32
    %add3A_20 = arith.addi %mul3A_18, %add3A_19 : i32
    "tpu.region"() ({
      %run_scoped3A = tpu.sem_alloc : memref<!tpu.dma_semaphore, #tpu.memory_space<semaphore_mem>>
      %dma_start3A = arith.constant 0 : i32
      %dma_start3A_37 = arith.constant 0 : i32
      %dma_start3A_38 = tpu.memref_slice %arg5[%dma_start3A, %dma_start3A_37] : memref<128x128xf32, #tpu.memory_space<vmem>> -> memref<128x128xf32, #tpu.memory_space<vmem>>
      %dma_start3A_39 = arith.constant 0 : i32
      %dma_start3A_40 = tpu.memref_slice %arg7[%add3A_20, %dma_start3A_39] : memref<10112x128xf32, #tpu.memory_space<vmem_shared>> -> memref<128x128xf32, #tpu.memory_space<vmem_shared>>
      %dma_start3A_41 = arith.constant 0 : i32
      %dma_start3A_42 = tpu.memref_slice %arg7[%add3A_20, %dma_start3A_41] : memref<10112x128xf32, #tpu.memory_space<vmem_shared>> -> memref<128x128xf32, #tpu.memory_space<vmem_shared>>
      %dma_start3A_43 = arith.constant 0 : i32
      %dma_start3A_44 = arith.constant 0 : i32
      %dma_start3A_45 = tpu.memref_slice %arg5[%dma_start3A_43, %dma_start3A_44] : memref<128x128xf32, #tpu.memory_space<vmem>> -> memref<128x128xf32, #tpu.memory_space<vmem>>
      tpu.enqueue_dma source(%dma_start3A_45 : memref<128x128xf32, #tpu.memory_space<vmem>>) target(%dma_start3A_42 : memref<128x128xf32, #tpu.memory_space<vmem_shared>>) target_semaphore(%run_scoped3A : memref<!tpu.dma_semaphore, #tpu.memory_space<semaphore_mem>>)
      %dma_wait3A = arith.constant 0 : i32
      %dma_wait3A_46 = arith.constant 0 : i32
      %dma_wait3A_47 = tpu.memref_slice %arg5[%dma_wait3A, %dma_wait3A_46] : memref<128x128xf32, #tpu.memory_space<vmem>> -> memref<128x128xf32, #tpu.memory_space<vmem>>
      %dma_wait3A_48 = arith.constant 0 : i32
      %dma_wait3A_49 = tpu.memref_slice %arg7[%add3A_20, %dma_wait3A_48] : memref<10112x128xf32, #tpu.memory_space<vmem_shared>> -> memref<128x128xf32, #tpu.memory_space<vmem_shared>>
      %dma_wait3A_50 = arith.constant 0 : i32
      %dma_wait3A_51 = tpu.memref_slice %arg7[%add3A_20, %dma_wait3A_50] : memref<10112x128xf32, #tpu.memory_space<vmem_shared>> -> memref<128x128xf32, #tpu.memory_space<vmem_shared>>
      %dma_wait3A_52 = arith.constant 0 : i32
      %dma_wait3A_53 = arith.constant 0 : i32
      %dma_wait3A_54 = tpu.memref_slice %arg5[%dma_wait3A_52, %dma_wait3A_53] : memref<128x128xf32, #tpu.memory_space<vmem>> -> memref<128x128xf32, #tpu.memory_space<vmem>>
      tpu.wait_dma2 semaphore(%run_scoped3A : memref<!tpu.dma_semaphore, #tpu.memory_space<semaphore_mem>>) src(%dma_wait3A_54 : memref<128x128xf32, #tpu.memory_space<vmem>>) dst(%dma_wait3A_51 : memref<128x128xf32, #tpu.memory_space<vmem_shared>>)
      tpu.yield
    }) : () -> ()
    %add3A_21 = arith.constant 128 : i32
    %add3A_22 = arith.addi %mul3A_18, %add3A_21 : i32
    "tpu.region"() ({
      %run_scoped3A = tpu.sem_alloc : memref<!tpu.dma_semaphore, #tpu.memory_space<semaphore_mem>>
      %dma_start3A = arith.constant 0 : i32
      %dma_start3A_37 = arith.constant 0 : i32
      %dma_start3A_38 = tpu.memref_slice %arg5[%dma_start3A, %dma_start3A_37] : memref<128x128xf32, #tpu.memory_space<vmem>> -> memref<128x128xf32, #tpu.memory_space<vmem>>
      %dma_start3A_39 = arith.constant 0 : i32
      %dma_start3A_40 = tpu.memref_slice %arg7[%add3A_22, %dma_start3A_39] : memref<10112x128xf32, #tpu.memory_space<vmem_shared>> -> memref<128x128xf32, #tpu.memory_space<vmem_shared>>
      %dma_start3A_41 = arith.constant 0 : i32
      %dma_start3A_42 = tpu.memref_slice %arg7[%add3A_22, %dma_start3A_41] : memref<10112x128xf32, #tpu.memory_space<vmem_shared>> -> memref<128x128xf32, #tpu.memory_space<vmem_shared>>
      %dma_start3A_43 = arith.constant 0 : i32
      %dma_start3A_44 = arith.constant 0 : i32
      %dma_start3A_45 = tpu.memref_slice %arg5[%dma_start3A_43, %dma_start3A_44] : memref<128x128xf32, #tpu.memory_space<vmem>> -> memref<128x128xf32, #tpu.memory_space<vmem>>
      tpu.enqueue_dma source(%dma_start3A_45 : memref<128x128xf32, #tpu.memory_space<vmem>>) target(%dma_start3A_42 : memref<128x128xf32, #tpu.memory_space<vmem_shared>>) target_semaphore(%run_scoped3A : memref<!tpu.dma_semaphore, #tpu.memory_space<semaphore_mem>>)
      %dma_wait3A = arith.constant 0 : i32
      %dma_wait3A_46 = arith.constant 0 : i32
      %dma_wait3A_47 = tpu.memref_slice %arg5[%dma_wait3A, %dma_wait3A_46] : memref<128x128xf32, #tpu.memory_space<vmem>> -> memref<128x128xf32, #tpu.memory_space<vmem>>
      %dma_wait3A_48 = arith.constant 0 : i32
      %dma_wait3A_49 = tpu.memref_slice %arg7[%add3A_22, %dma_wait3A_48] : memref<10112x128xf32, #tpu.memory_space<vmem_shared>> -> memref<128x128xf32, #tpu.memory_space<vmem_shared>>
      %dma_wait3A_50 = arith.constant 0 : i32
      %dma_wait3A_51 = tpu.memref_slice %arg7[%add3A_22, %dma_wait3A_50] : memref<10112x128xf32, #tpu.memory_space<vmem_shared>> -> memref<128x128xf32, #tpu.memory_space<vmem_shared>>
      %dma_wait3A_52 = arith.constant 0 : i32
      %dma_wait3A_53 = arith.constant 0 : i32
      %dma_wait3A_54 = tpu.memref_slice %arg5[%dma_wait3A_52, %dma_wait3A_53] : memref<128x128xf32, #tpu.memory_space<vmem>> -> memref<128x128xf32, #tpu.memory_space<vmem>>
      tpu.wait_dma2 semaphore(%run_scoped3A : memref<!tpu.dma_semaphore, #tpu.memory_space<semaphore_mem>>) src(%dma_wait3A_54 : memref<128x128xf32, #tpu.memory_space<vmem>>) dst(%dma_wait3A_51 : memref<128x128xf32, #tpu.memory_space<vmem_shared>>)
      tpu.yield
    }) : () -> ()
    %add3A_23 = arith.constant 256 : i32
    %add3A_24 = arith.addi %mul3A_18, %add3A_23 : i32
    "tpu.region"() ({
      %run_scoped3A = tpu.sem_alloc : memref<!tpu.dma_semaphore, #tpu.memory_space<semaphore_mem>>
      %dma_start3A = arith.constant 0 : i32
      %dma_start3A_37 = arith.constant 0 : i32
      %dma_start3A_38 = tpu.memref_slice %arg5[%dma_start3A, %dma_start3A_37] : memref<128x128xf32, #tpu.memory_space<vmem>> -> memref<128x128xf32, #tpu.memory_space<vmem>>
      %dma_start3A_39 = arith.constant 0 : i32
      %dma_start3A_40 = tpu.memref_slice %arg7[%add3A_24, %dma_start3A_39] : memref<10112x128xf32, #tpu.memory_space<vmem_shared>> -> memref<128x128xf32, #tpu.memory_space<vmem_shared>>
      %dma_start3A_41 = arith.constant 0 : i32
      %dma_start3A_42 = tpu.memref_slice %arg7[%add3A_24, %dma_start3A_41] : memref<10112x128xf32, #tpu.memory_space<vmem_shared>> -> memref<128x128xf32, #tpu.memory_space<vmem_shared>>
      %dma_start3A_43 = arith.constant 0 : i32
      %dma_start3A_44 = arith.constant 0 : i32
      %dma_start3A_45 = tpu.memref_slice %arg5[%dma_start3A_43, %dma_start3A_44] : memref<128x128xf32, #tpu.memory_space<vmem>> -> memref<128x128xf32, #tpu.memory_space<vmem>>
      tpu.enqueue_dma source(%dma_start3A_45 : memref<128x128xf32, #tpu.memory_space<vmem>>) target(%dma_start3A_42 : memref<128x128xf32, #tpu.memory_space<vmem_shared>>) target_semaphore(%run_scoped3A : memref<!tpu.dma_semaphore, #tpu.memory_space<semaphore_mem>>)
      %dma_wait3A = arith.constant 0 : i32
      %dma_wait3A_46 = arith.constant 0 : i32
      %dma_wait3A_47 = tpu.memref_slice %arg5[%dma_wait3A, %dma_wait3A_46] : memref<128x128xf32, #tpu.memory_space<vmem>> -> memref<128x128xf32, #tpu.memory_space<vmem>>
      %dma_wait3A_48 = arith.constant 0 : i32
      %dma_wait3A_49 = tpu.memref_slice %arg7[%add3A_24, %dma_wait3A_48] : memref<10112x128xf32, #tpu.memory_space<vmem_shared>> -> memref<128x128xf32, #tpu.memory_space<vmem_shared>>
      %dma_wait3A_50 = arith.constant 0 : i32
      %dma_wait3A_51 = tpu.memref_slice %arg7[%add3A_24, %dma_wait3A_50] : memref<10112x128xf32, #tpu.memory_space<vmem_shared>> -> memref<128x128xf32, #tpu.memory_space<vmem_shared>>
      %dma_wait3A_52 = arith.constant 0 : i32
      %dma_wait3A_53 = arith.constant 0 : i32
      %dma_wait3A_54 = tpu.memref_slice %arg5[%dma_wait3A_52, %dma_wait3A_53] : memref<128x128xf32, #tpu.memory_space<vmem>> -> memref<128x128xf32, #tpu.memory_space<vmem>>
      tpu.wait_dma2 semaphore(%run_scoped3A : memref<!tpu.dma_semaphore, #tpu.memory_space<semaphore_mem>>) src(%dma_wait3A_54 : memref<128x128xf32, #tpu.memory_space<vmem>>) dst(%dma_wait3A_51 : memref<128x128xf32, #tpu.memory_space<vmem_shared>>)
      tpu.yield
    }) : () -> ()
    %add3A_25 = arith.constant 384 : i32
    %add3A_26 = arith.addi %mul3A_18, %add3A_25 : i32
    "tpu.region"() ({
      %run_scoped3A = tpu.sem_alloc : memref<!tpu.dma_semaphore, #tpu.memory_space<semaphore_mem>>
      %dma_start3A = arith.constant 0 : i32
      %dma_start3A_37 = arith.constant 0 : i32
      %dma_start3A_38 = tpu.memref_slice %arg5[%dma_start3A, %dma_start3A_37] : memref<128x128xf32, #tpu.memory_space<vmem>> -> memref<128x128xf32, #tpu.memory_space<vmem>>
      %dma_start3A_39 = arith.constant 0 : i32
      %dma_start3A_40 = tpu.memref_slice %arg7[%add3A_26, %dma_start3A_39] : memref<10112x128xf32, #tpu.memory_space<vmem_shared>> -> memref<128x128xf32, #tpu.memory_space<vmem_shared>>
      %dma_start3A_41 = arith.constant 0 : i32
      %dma_start3A_42 = tpu.memref_slice %arg7[%add3A_26, %dma_start3A_41] : memref<10112x128xf32, #tpu.memory_space<vmem_shared>> -> memref<128x128xf32, #tpu.memory_space<vmem_shared>>
      %dma_start3A_43 = arith.constant 0 : i32
      %dma_start3A_44 = arith.constant 0 : i32
      %dma_start3A_45 = tpu.memref_slice %arg5[%dma_start3A_43, %dma_start3A_44] : memref<128x128xf32, #tpu.memory_space<vmem>> -> memref<128x128xf32, #tpu.memory_space<vmem>>
      tpu.enqueue_dma source(%dma_start3A_45 : memref<128x128xf32, #tpu.memory_space<vmem>>) target(%dma_start3A_42 : memref<128x128xf32, #tpu.memory_space<vmem_shared>>) target_semaphore(%run_scoped3A : memref<!tpu.dma_semaphore, #tpu.memory_space<semaphore_mem>>)
      %dma_wait3A = arith.constant 0 : i32
      %dma_wait3A_46 = arith.constant 0 : i32
      %dma_wait3A_47 = tpu.memref_slice %arg5[%dma_wait3A, %dma_wait3A_46] : memref<128x128xf32, #tpu.memory_space<vmem>> -> memref<128x128xf32, #tpu.memory_space<vmem>>
      %dma_wait3A_48 = arith.constant 0 : i32
      %dma_wait3A_49 = tpu.memref_slice %arg7[%add3A_26, %dma_wait3A_48] : memref<10112x128xf32, #tpu.memory_space<vmem_shared>> -> memref<128x128xf32, #tpu.memory_space<vmem_shared>>
      %dma_wait3A_50 = arith.constant 0 : i32
      %dma_wait3A_51 = tpu.memref_slice %arg7[%add3A_26, %dma_wait3A_50] : memref<10112x128xf32, #tpu.memory_space<vmem_shared>> -> memref<128x128xf32, #tpu.memory_space<vmem_shared>>
      %dma_wait3A_52 = arith.constant 0 : i32
      %dma_wait3A_53 = arith.constant 0 : i32
      %dma_wait3A_54 = tpu.memref_slice %arg5[%dma_wait3A_52, %dma_wait3A_53] : memref<128x128xf32, #tpu.memory_space<vmem>> -> memref<128x128xf32, #tpu.memory_space<vmem>>
      tpu.wait_dma2 semaphore(%run_scoped3A : memref<!tpu.dma_semaphore, #tpu.memory_space<semaphore_mem>>) src(%dma_wait3A_54 : memref<128x128xf32, #tpu.memory_space<vmem>>) dst(%dma_wait3A_51 : memref<128x128xf32, #tpu.memory_space<vmem_shared>>)
      tpu.yield
    }) : () -> ()
    %add3A_27 = arith.constant 512 : i32
    %add3A_28 = arith.addi %mul3A_18, %add3A_27 : i32
    "tpu.region"() ({
      %run_scoped3A = tpu.sem_alloc : memref<!tpu.dma_semaphore, #tpu.memory_space<semaphore_mem>>
      %dma_start3A = arith.constant 0 : i32
      %dma_start3A_37 = arith.constant 0 : i32
      %dma_start3A_38 = tpu.memref_slice %arg5[%dma_start3A, %dma_start3A_37] : memref<128x128xf32, #tpu.memory_space<vmem>> -> memref<120x128xf32, #tpu.memory_space<vmem>>
      %dma_start3A_39 = arith.constant 0 : i32
      %dma_start3A_40 = tpu.memref_slice %arg7[%add3A_28, %dma_start3A_39] : memref<10112x128xf32, #tpu.memory_space<vmem_shared>> -> memref<120x128xf32, #tpu.memory_space<vmem_shared>>
      %dma_start3A_41 = arith.constant 0 : i32
      %dma_start3A_42 = tpu.memref_slice %arg7[%add3A_28, %dma_start3A_41] : memref<10112x128xf32, #tpu.memory_space<vmem_shared>> -> memref<120x128xf32, #tpu.memory_space<vmem_shared>>
      %dma_start3A_43 = arith.constant 0 : i32
      %dma_start3A_44 = arith.constant 0 : i32
      %dma_start3A_45 = tpu.memref_slice %arg5[%dma_start3A_43, %dma_start3A_44] : memref<128x128xf32, #tpu.memory_space<vmem>> -> memref<120x128xf32, #tpu.memory_space<vmem>>
      tpu.enqueue_dma source(%dma_start3A_45 : memref<120x128xf32, #tpu.memory_space<vmem>>) target(%dma_start3A_42 : memref<120x128xf32, #tpu.memory_space<vmem_shared>>) target_semaphore(%run_scoped3A : memref<!tpu.dma_semaphore, #tpu.memory_space<semaphore_mem>>)
      %dma_wait3A = arith.constant 0 : i32
      %dma_wait3A_46 = arith.constant 0 : i32
      %dma_wait3A_47 = tpu.memref_slice %arg5[%dma_wait3A, %dma_wait3A_46] : memref<128x128xf32, #tpu.memory_space<vmem>> -> memref<120x128xf32, #tpu.memory_space<vmem>>
      %dma_wait3A_48 = arith.constant 0 : i32
      %dma_wait3A_49 = tpu.memref_slice %arg7[%add3A_28, %dma_wait3A_48] : memref<10112x128xf32, #tpu.memory_space<vmem_shared>> -> memref<120x128xf32, #tpu.memory_space<vmem_shared>>
      %dma_wait3A_50 = arith.constant 0 : i32
      %dma_wait3A_51 = tpu.memref_slice %arg7[%add3A_28, %dma_wait3A_50] : memref<10112x128xf32, #tpu.memory_space<vmem_shared>> -> memref<120x128xf32, #tpu.memory_space<vmem_shared>>
      %dma_wait3A_52 = arith.constant 0 : i32
      %dma_wait3A_53 = arith.constant 0 : i32
      %dma_wait3A_54 = tpu.memref_slice %arg5[%dma_wait3A_52, %dma_wait3A_53] : memref<128x128xf32, #tpu.memory_space<vmem>> -> memref<120x128xf32, #tpu.memory_space<vmem>>
      tpu.wait_dma2 semaphore(%run_scoped3A : memref<!tpu.dma_semaphore, #tpu.memory_space<semaphore_mem>>) src(%dma_wait3A_54 : memref<120x128xf32, #tpu.memory_space<vmem>>) dst(%dma_wait3A_51 : memref<120x128xf32, #tpu.memory_space<vmem_shared>>)
      tpu.yield
    }) : () -> ()
    %barrier3A = arith.constant 0 : index
    tpu.barrier barrier_id(%barrier3A)
    %scan3A_29 = arith.constant 0 : i32
    %scan3A_30 = arith.constant 0 : i32
    %scan3A_31 = arith.constant 79 : i32
    %scan3A_32 = arith.addi %scan3A_30, %scan3A_31 : i32
    %scan3A_33 = arith.constant 1 : i32
    %scan3A_34 = scf.for %scan3A_37 = %scan3A_30 to %scan3A_32 step %scan3A_33 iter_args(%scan3A_38 = %scan3A_29) -> (i32)  : i32 {
      %mul3A_39 = arith.constant 79 : i32
      %mul3A_40 = arith.muli %add3A, %mul3A_39 : i32
      %add3A_41 = arith.addi %mul3A_40, %scan3A_37 : i32
      %mul3A_42 = arith.constant 128 : i32
      %mul3A_43 = arith.muli %add3A_41, %mul3A_42 : i32
      "tpu.region"() ({
        %run_scoped3A = tpu.sem_alloc : memref<!tpu.dma_semaphore, #tpu.memory_space<semaphore_mem>>
        %dma_start3A = tpu.memref_slice %arg2[%mul3A_43] : memref<323584xi32, #tpu.memory_space<hbm>> -> memref<128xi32, #tpu.memory_space<hbm>>
        %dma_start3A_45 = tpu.memref_slice %arg2[%mul3A_43] : memref<323584xi32, #tpu.memory_space<hbm>> -> memref<128xi32, #tpu.memory_space<hbm>>
        tpu.enqueue_dma source(%dma_start3A_45 : memref<128xi32, #tpu.memory_space<hbm>>) target(%arg4 : memref<128xi32, #tpu.memory_space<vmem>>) target_semaphore(%run_scoped3A : memref<!tpu.dma_semaphore, #tpu.memory_space<semaphore_mem>>)
        %dma_wait3A = tpu.memref_slice %arg2[%mul3A_43] : memref<323584xi32, #tpu.memory_space<hbm>> -> memref<128xi32, #tpu.memory_space<hbm>>
        %dma_wait3A_46 = tpu.memref_slice %arg2[%mul3A_43] : memref<323584xi32, #tpu.memory_space<hbm>> -> memref<128xi32, #tpu.memory_space<hbm>>
        tpu.wait_dma2 semaphore(%run_scoped3A : memref<!tpu.dma_semaphore, #tpu.memory_space<semaphore_mem>>) src(%dma_wait3A_46 : memref<128xi32, #tpu.memory_space<hbm>>) dst(%arg4 : memref<128xi32, #tpu.memory_space<vmem>>)
        tpu.yield
      }) : () -> ()
      "tpu.region"() ({
        %run_scoped3A = tpu.sem_alloc : memref<!tpu.dma_semaphore, #tpu.memory_space<semaphore_mem>>
        %dma_start3A = arith.constant 0 : i32
        %dma_start3A_45 = arith.constant 0 : i32
        %dma_start3A_46 = tpu.memref_slice %arg7[%dma_start3A, %dma_start3A_45] : memref<10112x128xf32, #tpu.memory_space<vmem_shared>> -> memref<10112x128xf32, #tpu.memory_space<vmem_shared>>
        tpu.enqueue_indirect_dma source(%arg6 : memref<128x128xf32, #tpu.memory_space<vmem>>) target(%dma_start3A_46 : memref<10112x128xf32, #tpu.memory_space<vmem_shared>>) offsets(%arg4 : memref<128xi32, #tpu.memory_space<vmem>>) semaphore(%run_scoped3A : memref<!tpu.dma_semaphore, #tpu.memory_space<semaphore_mem>>) {add = true}
        %dma_wait3A = arith.constant 0 : i32
        %dma_wait3A_47 = arith.constant 0 : i32
        %dma_wait3A_48 = tpu.memref_slice %arg7[%dma_wait3A, %dma_wait3A_47] : memref<10112x128xf32, #tpu.memory_space<vmem_shared>> -> memref<10112x128xf32, #tpu.memory_space<vmem_shared>>
        tpu.wait_indirect_dma semaphore(%run_scoped3A : memref<!tpu.dma_semaphore, #tpu.memory_space<semaphore_mem>>) src(%arg6 : memref<128x128xf32, #tpu.memory_space<vmem>>) dst(%dma_wait3A_48 : memref<10112x128xf32, #tpu.memory_space<vmem_shared>>)
        tpu.yield
      }) : () -> ()
      %scan3A_44 = arith.constant 0 : i32
      scf.yield %scan3A_44 : i32
    }
    %scan3A_35 = arith.constant 79 : i32
    %barrier3A_36 = arith.constant 0 : index
    tpu.barrier barrier_id(%barrier3A_36)
    "tpu.region"() ({
      %run_scoped3A = tpu.sem_alloc : memref<!tpu.dma_semaphore, #tpu.memory_space<semaphore_mem>>
      %dma_start3A = arith.constant 0 : i32
      %dma_start3A_37 = tpu.memref_slice %arg3[%arg0, %mul3A_18, %dma_start3A] : memref<2x10112x128xf32, #tpu.memory_space<hbm>> -> memref<1x632x128xf32, #tpu.memory_space<hbm>>
      %dma_start3A_38 = tpu.memref_squeeze %dma_start3A_37 : memref<1x632x128xf32, #tpu.memory_space<hbm>> -> memref<632x128xf32, #tpu.memory_space<hbm>>
      %dma_start3A_39 = arith.constant 0 : i32
      %dma_start3A_40 = tpu.memref_slice %arg7[%mul3A_18, %dma_start3A_39] : memref<10112x128xf32, #tpu.memory_space<vmem_shared>> -> memref<632x128xf32, #tpu.memory_space<vmem_shared>>
      tpu.enqueue_dma source(%dma_start3A_40 : memref<632x128xf32, #tpu.memory_space<vmem_shared>>) target(%dma_start3A_38 : memref<632x128xf32, #tpu.memory_space<hbm>>) target_semaphore(%run_scoped3A : memref<!tpu.dma_semaphore, #tpu.memory_space<semaphore_mem>>)
      %dma_wait3A = arith.constant 0 : i32
      %dma_wait3A_41 = tpu.memref_slice %arg3[%arg0, %mul3A_18, %dma_wait3A] : memref<2x10112x128xf32, #tpu.memory_space<hbm>> -> memref<1x632x128xf32, #tpu.memory_space<hbm>>
      %dma_wait3A_42 = tpu.memref_squeeze %dma_wait3A_41 : memref<1x632x128xf32, #tpu.memory_space<hbm>> -> memref<632x128xf32, #tpu.memory_space<hbm>>
      %dma_wait3A_43 = arith.constant 0 : i32
      %dma_wait3A_44 = tpu.memref_slice %arg7[%mul3A_18, %dma_wait3A_43] : memref<10112x128xf32, #tpu.memory_space<vmem_shared>> -> memref<632x128xf32, #tpu.memory_space<vmem_shared>>
      tpu.wait_dma2 semaphore(%run_scoped3A : memref<!tpu.dma_semaphore, #tpu.memory_space<semaphore_mem>>) src(%dma_wait3A_44 : memref<632x128xf32, #tpu.memory_space<vmem_shared>>) dst(%dma_wait3A_42 : memref<632x128xf32, #tpu.memory_space<hbm>>)
      tpu.yield
    }) : () -> ()
    return
  }
}

module attributes {stable_mosaic.version = 14 : i64} {
  func.func @_k1_body(%arg0: i32, %arg1: memref<632x128xf32, #tpu.memory_space<vmem>>, %arg2: memref<128x128xf32, #tpu.memory_space<vmem>>, %arg3: memref<632x128xf32, #tpu.memory_space<vmem>>) attributes {dimension_semantics = [#tpu.dimension_semantics<arbitrary>], iteration_bounds = array<i64: 16>, scalar_prefetch = 0 : i64, scratch_operands = 0 : i64, tpu.core_type = #tpu.core_type<tc>, window_params = [{transform_indices = @transform_0, window_bounds = array<i64: 632, 128>}, {pipeline_mode = #tpu.pipeline_mode<synchronous>, transform_indices = @transform_1, window_bounds = array<i64: 128, 128>}, {transform_indices = @transform_2, window_bounds = array<i64: 632, 128>}]} {
    %get3A = arith.constant 0 : index
    %get3A_0 = arith.constant 0 : index
    %get3A_1 = vector.load %arg1[%get3A, %get3A_0] : memref<632x128xf32, #tpu.memory_space<vmem>>, vector<632x128xf32>
    %get3A_2 = arith.constant 0 : index
    %get3A_3 = arith.constant 0 : index
    %get3A_4 = vector.load %arg2[%get3A_2, %get3A_3] : memref<128x128xf32, #tpu.memory_space<vmem>>, vector<128x128xf32>
    %dot_general3A = arith.constant dense<0.000000e+00> : vector<632x128xf32>
    %dot_general3A_5 = tpu.matmul %get3A_1, %get3A_4, %dot_general3A {dimension_numbers = #tpu.dot_dimension_numbers<[1], [0], [0], [1], [0, 0, 1, 1], [], []>, transpose_lhs_hint = false} : vector<632x128xf32>, vector<128x128xf32>, vector<632x128xf32> -> vector<632x128xf32>
    %swap3A = arith.constant 0 : index
    %swap3A_6 = arith.constant 0 : index
    %swap3A_7 = vector.load %arg3[%swap3A, %swap3A_6] : memref<632x128xf32, #tpu.memory_space<vmem>>, vector<632x128xf32>
    tpu.vector_store %arg3[%swap3A, %swap3A_6], %dot_general3A_5 {strides = array<i32>} : memref<632x128xf32, #tpu.memory_space<vmem>>, vector<632x128xf32>,
    return
  }
  func.func @transform_0(%arg0: i32) -> (i32, i32) {
    %c0_i32 = arith.constant 0 : i32
    %c0_i32_0 = arith.constant 0 : i32
    return %arg0, %c0_i32 : i32, i32
  }
  func.func @transform_1(%arg0: i32) -> (i32, i32) {
    %c0_i32 = arith.constant 0 : i32
    %c0_i32_0 = arith.constant 0 : i32
    %c0_i32_1 = arith.constant 0 : i32
    return %c0_i32, %c0_i32_0 : i32, i32
  }
  func.func @transform_2(%arg0: i32) -> (i32, i32) {
    %c0_i32 = arith.constant 0 : i32
    %c0_i32_0 = arith.constant 0 : i32
    return %arg0, %c0_i32 : i32, i32
  }
}

module attributes {stable_mosaic.version = 14 : i64} {
  func.func @_k2_body(%arg0: i32, %arg1: memref<2x632x128xf32, #tpu.memory_space<vmem>>, %arg2: memref<2x632x128xf32, #tpu.memory_space<vmem>>, %arg3: memref<2x632x128xf32, #tpu.memory_space<vmem>>, %arg4: memref<16x128xf32, #tpu.memory_space<vmem>>, %arg5: memref<1x128xf32, #tpu.memory_space<vmem>>, %arg6: memref<128x128xf32, #tpu.memory_space<vmem>>, %arg7: memref<632x128xf32, #tpu.memory_space<vmem>>) attributes {dimension_semantics = [#tpu.dimension_semantics<arbitrary>], iteration_bounds = array<i64: 16>, scalar_prefetch = 0 : i64, scratch_operands = 0 : i64, tpu.core_type = #tpu.core_type<tc>, window_params = [{transform_indices = @transform_0, window_bounds = array<i64: 2, 632, 128>}, {transform_indices = @transform_1, window_bounds = array<i64: 2, 632, 128>}, {transform_indices = @transform_2, window_bounds = array<i64: 2, 632, 128>}, {pipeline_mode = #tpu.pipeline_mode<synchronous>, transform_indices = @transform_3, window_bounds = array<i64: 16, 128>}, {pipeline_mode = #tpu.pipeline_mode<synchronous>, transform_indices = @transform_4, window_bounds = array<i64: 1, 128>}, {pipeline_mode = #tpu.pipeline_mode<synchronous>, transform_indices = @transform_5, window_bounds = array<i64: 128, 128>}, {transform_indices = @transform_6, window_bounds = array<i64: 632, 128>}]} {
    %get3A = arith.constant 0 : index
    %get3A_0 = arith.constant 0 : index
    %get3A_1 = arith.constant 0 : index
    %get3A_2 = vector.load %arg1[%get3A, %get3A_0, %get3A_1] : memref<2x632x128xf32, #tpu.memory_space<vmem>>, vector<1x632x128xf32>
    %get3A_3 = vector.shape_cast %get3A_2 : vector<1x632x128xf32> to vector<632x128xf32>
    %get3A_4 = arith.constant 1 : index
    %get3A_5 = arith.constant 0 : index
    %get3A_6 = arith.constant 0 : index
    %get3A_7 = vector.load %arg1[%get3A_4, %get3A_5, %get3A_6] : memref<2x632x128xf32, #tpu.memory_space<vmem>>, vector<1x632x128xf32>
    %get3A_8 = vector.shape_cast %get3A_7 : vector<1x632x128xf32> to vector<632x128xf32>
    %add3A = arith.addf %get3A_3, %get3A_8 : vector<632x128xf32>
    %get3A_9 = arith.constant 0 : index
    %get3A_10 = arith.constant 0 : index
    %get3A_11 = arith.constant 0 : index
    %get3A_12 = vector.load %arg2[%get3A_9, %get3A_10, %get3A_11] : memref<2x632x128xf32, #tpu.memory_space<vmem>>, vector<1x632x16xf32>
    %get3A_13 = vector.shape_cast %get3A_12 : vector<1x632x16xf32> to vector<632x16xf32>
    %get3A_14 = arith.constant 1 : index
    %get3A_15 = arith.constant 0 : index
    %get3A_16 = arith.constant 0 : index
    %get3A_17 = vector.load %arg2[%get3A_14, %get3A_15, %get3A_16] : memref<2x632x128xf32, #tpu.memory_space<vmem>>, vector<1x632x16xf32>
    %get3A_18 = vector.shape_cast %get3A_17 : vector<1x632x16xf32> to vector<632x16xf32>
    %add3A_19 = arith.addf %get3A_13, %get3A_18 : vector<632x16xf32>
    %get3A_20 = arith.constant 0 : index
    %get3A_21 = arith.constant 0 : index
    %get3A_22 = vector.load %arg4[%get3A_20, %get3A_21] : memref<16x128xf32, #tpu.memory_space<vmem>>, vector<16x128xf32>
    %dot_general3A = arith.constant dense<0.000000e+00> : vector<632x128xf32>
    %dot_general3A_23 = tpu.matmul %add3A_19, %get3A_22, %dot_general3A {dimension_numbers = #tpu.dot_dimension_numbers<[1], [0], [0], [1], [0, 0, 1, 1], [], []>, transpose_lhs_hint = false} : vector<632x16xf32>, vector<16x128xf32>, vector<632x128xf32> -> vector<632x128xf32>
    %add3A_24 = arith.addf %add3A, %dot_general3A_23 : vector<632x128xf32>
    %get3A_25 = arith.constant 0 : index
    %get3A_26 = arith.constant 0 : index
    %get3A_27 = vector.load %arg5[%get3A_25, %get3A_26] : memref<1x128xf32, #tpu.memory_space<vmem>>, vector<1x128xf32>
    %add3A_28 = vector.broadcast %get3A_27 : vector<1x128xf32> to vector<632x128xf32>
    %add3A_29 = arith.addf %add3A_24, %add3A_28 : vector<632x128xf32>
    %max3A = arith.constant 0.000000e+00 : f32
    %max3A_30 = vector.broadcast %max3A : f32 to vector<632x128xf32>
    %max3A_31 = arith.maximumf %add3A_29, %max3A_30 : vector<632x128xf32>
    %get3A_32 = arith.constant 0 : index
    %get3A_33 = arith.constant 0 : index
    %get3A_34 = arith.constant 0 : index
    %get3A_35 = vector.load %arg3[%get3A_32, %get3A_33, %get3A_34] : memref<2x632x128xf32, #tpu.memory_space<vmem>>, vector<1x632x1xf32>
    %get3A_36 = vector.shape_cast %get3A_35 : vector<1x632x1xf32> to vector<632x1xf32>
    %get3A_37 = arith.constant 1 : index
    %get3A_38 = arith.constant 0 : index
    %get3A_39 = arith.constant 0 : index
    %get3A_40 = vector.load %arg3[%get3A_37, %get3A_38, %get3A_39] : memref<2x632x128xf32, #tpu.memory_space<vmem>>, vector<1x632x1xf32>
    %get3A_41 = vector.shape_cast %get3A_40 : vector<1x632x1xf32> to vector<632x1xf32>
    %add3A_42 = arith.addf %get3A_36, %get3A_41 : vector<632x1xf32>
    %max3A_43 = arith.constant 1.000000e+00 : f32
    %max3A_44 = vector.broadcast %max3A_43 : f32 to vector<632x1xf32>
    %max3A_45 = arith.maximumf %add3A_42, %max3A_44 : vector<632x1xf32>
    %rsqrt3A = math.rsqrt %max3A_45 : vector<632x1xf32>
    %get3A_46 = arith.constant 0 : index
    %get3A_47 = arith.constant 0 : index
    %get3A_48 = vector.load %arg6[%get3A_46, %get3A_47] : memref<128x128xf32, #tpu.memory_space<vmem>>, vector<128x128xf32>
    %dot_general3A_49 = arith.constant dense<0.000000e+00> : vector<632x128xf32>
    %dot_general3A_50 = tpu.matmul %max3A_31, %get3A_48, %dot_general3A_49 {dimension_numbers = #tpu.dot_dimension_numbers<[1], [0], [0], [1], [0, 0, 1, 1], [], []>, transpose_lhs_hint = false} : vector<632x128xf32>, vector<128x128xf32>, vector<632x128xf32> -> vector<632x128xf32>
    %mul3A = vector.broadcast %rsqrt3A : vector<632x1xf32> to vector<632x128xf32>
    %mul3A_51 = arith.mulf %dot_general3A_50, %mul3A : vector<632x128xf32>
    %swap3A = arith.constant 0 : index
    %swap3A_52 = arith.constant 0 : index
    %swap3A_53 = vector.load %arg7[%swap3A, %swap3A_52] : memref<632x128xf32, #tpu.memory_space<vmem>>, vector<632x128xf32>
    tpu.vector_store %arg7[%swap3A, %swap3A_52], %mul3A_51 {strides = array<i32>} : memref<632x128xf32, #tpu.memory_space<vmem>>, vector<632x128xf32>,
    return
  }
  func.func @transform_0(%arg0: i32) -> (i32, i32, i32) {
    %c0_i32 = arith.constant 0 : i32
    %c0_i32_0 = arith.constant 0 : i32
    %c0_i32_1 = arith.constant 0 : i32
    return %c0_i32, %arg0, %c0_i32_0 : i32, i32, i32
  }
  func.func @transform_1(%arg0: i32) -> (i32, i32, i32) {
    %c0_i32 = arith.constant 0 : i32
    %c0_i32_0 = arith.constant 0 : i32
    %c0_i32_1 = arith.constant 0 : i32
    return %c0_i32, %arg0, %c0_i32_0 : i32, i32, i32
  }
  func.func @transform_2(%arg0: i32) -> (i32, i32, i32) {
    %c0_i32 = arith.constant 0 : i32
    %c0_i32_0 = arith.constant 0 : i32
    %c0_i32_1 = arith.constant 0 : i32
    return %c0_i32, %arg0, %c0_i32_0 : i32, i32, i32
  }
  func.func @transform_3(%arg0: i32) -> (i32, i32) {
    %c0_i32 = arith.constant 0 : i32
    %c0_i32_0 = arith.constant 0 : i32
    %c0_i32_1 = arith.constant 0 : i32
    return %c0_i32, %c0_i32_0 : i32, i32
  }
  func.func @transform_4(%arg0: i32) -> (i32, i32) {
    %c0_i32 = arith.constant 0 : i32
    %c0_i32_0 = arith.constant 0 : i32
    %c0_i32_1 = arith.constant 0 : i32
    return %c0_i32, %c0_i32_0 : i32, i32
  }
  func.func @transform_5(%arg0: i32) -> (i32, i32) {
    %c0_i32 = arith.constant 0 : i32
    %c0_i32_0 = arith.constant 0 : i32
    %c0_i32_1 = arith.constant 0 : i32
    return %c0_i32, %c0_i32_0 : i32, i32
  }
  func.func @transform_6(%arg0: i32) -> (i32, i32) {
    %c0_i32 = arith.constant 0 : i32
    %c0_i32_0 = arith.constant 0 : i32
    return %arg0, %c0_i32 : i32, i32
  }
}

module attributes {stable_mosaic.version = 14 : i64} {
  func.func @_k3_body(%arg0: i32, %arg1: memref<2x1000x128xf32, #tpu.memory_space<vmem>>, %arg2: memref<2x1000x128xf32, #tpu.memory_space<vmem>>, %arg3: memref<1x128xf32, #tpu.memory_space<vmem>>, %arg4: memref<1x128xf32, #tpu.memory_space<vmem>>, %arg5: memref<1x1xf32, #tpu.memory_space<vmem>>, %arg6: memref<1x1xf32, #tpu.memory_space<vmem>>, %arg7: memref<1x128xf32, #tpu.memory_space<vmem>>) attributes {dimension_semantics = [#tpu.dimension_semantics<arbitrary>], iteration_bounds = array<i64: 10>, scalar_prefetch = 0 : i64, scratch_operands = 1 : i64, tpu.core_type = #tpu.core_type<tc>, window_params = [{transform_indices = @transform_0, window_bounds = array<i64: 2, 1000, 128>}, {transform_indices = @transform_1, window_bounds = array<i64: 2, 1000, 128>}, {pipeline_mode = #tpu.pipeline_mode<synchronous>, transform_indices = @transform_2, window_bounds = array<i64: 1, 128>}, {pipeline_mode = #tpu.pipeline_mode<synchronous>, transform_indices = @transform_3, window_bounds = array<i64: 1, 128>}, {pipeline_mode = #tpu.pipeline_mode<synchronous>, transform_indices = @transform_4, window_bounds = array<i64: 1, 1>}, {pipeline_mode = #tpu.pipeline_mode<synchronous>, transform_indices = @transform_5, window_bounds = array<i64: 1, 1>}]} {
    %eq3A = arith.constant 0 : i32
    %eq3A_0 = arith.cmpi eq, %arg0, %eq3A : i32
    %convert_element_type3A = arith.extui %eq3A_0 : i1 to i32
    %cond3A = arith.constant 0 : i32
    %cond3A_1 = arith.cmpi ne, %convert_element_type3A, %cond3A : i32
    scf.if %cond3A_1 {
      %broadcast_in_dim3A_45 = arith.constant 0.000000e+00 : f32
      %broadcast_in_dim3A_46 = vector.broadcast %broadcast_in_dim3A_45 : f32 to vector<1x128xf32>
      %swap3A_47 = arith.constant 0 : index
      %swap3A_48 = arith.constant 0 : index
      %swap3A_49 = vector.load %arg7[%swap3A_47, %swap3A_48] : memref<1x128xf32, #tpu.memory_space<vmem>>, vector<1x128xf32>
      tpu.vector_store %arg7[%swap3A_47, %swap3A_48], %broadcast_in_dim3A_46 {strides = array<i32>} : memref<1x128xf32, #tpu.memory_space<vmem>>, vector<1x128xf32>,
    } else {
    }
    %get3A = arith.constant 0 : index
    %get3A_2 = arith.constant 0 : index
    %get3A_3 = arith.constant 0 : index
    %get3A_4 = vector.load %arg1[%get3A, %get3A_2, %get3A_3] : memref<2x1000x128xf32, #tpu.memory_space<vmem>>, vector<1x1000x128xf32>
    %get3A_5 = vector.shape_cast %get3A_4 : vector<1x1000x128xf32> to vector<1000x128xf32>
    %get3A_6 = arith.constant 1 : index
    %get3A_7 = arith.constant 0 : index
    %get3A_8 = arith.constant 0 : index
    %get3A_9 = vector.load %arg1[%get3A_6, %get3A_7, %get3A_8] : memref<2x1000x128xf32, #tpu.memory_space<vmem>>, vector<1x1000x128xf32>
    %get3A_10 = vector.shape_cast %get3A_9 : vector<1x1000x128xf32> to vector<1000x128xf32>
    %add3A = arith.addf %get3A_5, %get3A_10 : vector<1000x128xf32>
    %get3A_11 = arith.constant 0 : index
    %get3A_12 = arith.constant 0 : index
    %get3A_13 = arith.constant 16 : index
    %get3A_14 = vector.load %arg2[%get3A_11, %get3A_12, %get3A_13] : memref<2x1000x128xf32, #tpu.memory_space<vmem>>, vector<1x1000x1xf32>
    %get3A_15 = vector.shape_cast %get3A_14 : vector<1x1000x1xf32> to vector<1000x1xf32>
    %get3A_16 = arith.constant 1 : index
    %get3A_17 = arith.constant 0 : index
    %get3A_18 = arith.constant 16 : index
    %get3A_19 = vector.load %arg2[%get3A_16, %get3A_17, %get3A_18] : memref<2x1000x128xf32, #tpu.memory_space<vmem>>, vector<1x1000x1xf32>
    %get3A_20 = vector.shape_cast %get3A_19 : vector<1x1000x1xf32> to vector<1000x1xf32>
    %add3A_21 = arith.addf %get3A_15, %get3A_20 : vector<1000x1xf32>
    %max3A = arith.constant 1.000000e+00 : f32
    %max3A_22 = vector.broadcast %max3A : f32 to vector<1000x1xf32>
    %max3A_23 = arith.maximumf %add3A_21, %max3A_22 : vector<1000x1xf32>
    %rsqrt3A = math.rsqrt %max3A_23 : vector<1000x1xf32>
    %mul3A = vector.broadcast %rsqrt3A : vector<1000x1xf32> to vector<1000x128xf32>
    %mul3A_24 = arith.mulf %add3A, %mul3A : vector<1000x128xf32>
    %get3A_25 = arith.constant 0 : index
    %get3A_26 = arith.constant 0 : index
    %get3A_27 = vector.load %arg3[%get3A_25, %get3A_26] : memref<1x128xf32, #tpu.memory_space<vmem>>, vector<1x128xf32>
    %add3A_28 = vector.broadcast %get3A_27 : vector<1x128xf32> to vector<1000x128xf32>
    %add3A_29 = arith.addf %mul3A_24, %add3A_28 : vector<1000x128xf32>
    %max3A_30 = arith.constant 0.000000e+00 : f32
    %max3A_31 = vector.broadcast %max3A_30 : f32 to vector<1000x128xf32>
    %max3A_32 = arith.maximumf %add3A_29, %max3A_31 : vector<1000x128xf32>
    %get3A_33 = arith.constant 0 : index
    %get3A_34 = arith.constant 0 : index
    %get3A_35 = vector.load %arg7[%get3A_33, %get3A_34] : memref<1x128xf32, #tpu.memory_space<vmem>>, vector<1x128xf32>
    %reduce_sum3A = arith.constant dense<0.000000e+00> : vector<128xf32>
    %reduce_sum3A_36 = vector.multi_reduction <add>, %max3A_32, %reduce_sum3A [0] : vector<1000x128xf32> to vector<128xf32>
    %broadcast_in_dim3A = vector.shape_cast %reduce_sum3A_36 : vector<128xf32> to vector<1x128xf32>
    %add3A_37 = arith.addf %get3A_35, %broadcast_in_dim3A : vector<1x128xf32>
    %swap3A = arith.constant 0 : index
    %swap3A_38 = arith.constant 0 : index
    %swap3A_39 = vector.load %arg7[%swap3A, %swap3A_38] : memref<1x128xf32, #tpu.memory_space<vmem>>, vector<1x128xf32>
    tpu.vector_store %arg7[%swap3A, %swap3A_38], %add3A_37 {strides = array<i32>} : memref<1x128xf32, #tpu.memory_space<vmem>>, vector<1x128xf32>,
    %eq3A_40 = arith.constant 9 : i32
    %eq3A_41 = arith.cmpi eq, %arg0, %eq3A_40 : i32
    %convert_element_type3A_42 = arith.extui %eq3A_41 : i1 to i32
    %cond3A_43 = arith.constant 0 : i32
    %cond3A_44 = arith.cmpi ne, %convert_element_type3A_42, %cond3A_43 : i32
    scf.if %cond3A_44 {
      %get3A_45 = arith.constant 0 : index
      %get3A_46 = arith.constant 0 : index
      %get3A_47 = vector.load %arg7[%get3A_45, %get3A_46] : memref<1x128xf32, #tpu.memory_space<vmem>>, vector<1x128xf32>
      %mul3A_48 = arith.constant 9.99999974E-5 : f32
      %mul3A_49 = vector.broadcast %mul3A_48 : f32 to vector<1x128xf32>
      %mul3A_50 = arith.mulf %get3A_47, %mul3A_49 : vector<1x128xf32>
      %get3A_51 = arith.constant 0 : index
      %get3A_52 = arith.constant 0 : index
      %get3A_53 = vector.load %arg4[%get3A_51, %get3A_52] : memref<1x128xf32, #tpu.memory_space<vmem>>, vector<1x128xf32>
      %mul3A_54 = arith.mulf %mul3A_50, %get3A_53 : vector<1x128xf32>
      %reduce_sum3A_55 = arith.constant dense<0.000000e+00> : vector<1xf32>
      %reduce_sum3A_56 = vector.multi_reduction <add>, %mul3A_54, %reduce_sum3A_55 [1] : vector<1x128xf32> to vector<1xf32>
      %broadcast_in_dim3A_57 = vector.shape_cast %reduce_sum3A_56 : vector<1xf32> to vector<1x1xf32>
      %get3A_58 = arith.constant 0 : index
      %get3A_59 = arith.constant 0 : index
      %get3A_60 = vector.load %arg5[%get3A_58, %get3A_59] : memref<1x1xf32, #tpu.memory_space<vmem>>, vector<1x1xf32>
      %add3A_61 = arith.addf %broadcast_in_dim3A_57, %get3A_60 : vector<1x1xf32>
      %swap3A_62 = arith.constant 0 : index
      %swap3A_63 = arith.constant 0 : index
      %swap3A_64 = vector.load %arg6[%swap3A_62, %swap3A_63] : memref<1x1xf32, #tpu.memory_space<vmem>>, vector<1x1xf32>
      tpu.vector_store %arg6[%swap3A_62, %swap3A_63], %add3A_61 {strides = array<i32>} : memref<1x1xf32, #tpu.memory_space<vmem>>, vector<1x1xf32>,
    } else {
    }
    return
  }
  func.func @transform_0(%arg0: i32) -> (i32, i32, i32) {
    %c0_i32 = arith.constant 0 : i32
    %c0_i32_0 = arith.constant 0 : i32
    %c0_i32_1 = arith.constant 0 : i32
    return %c0_i32, %arg0, %c0_i32_0 : i32, i32, i32
  }
  func.func @transform_1(%arg0: i32) -> (i32, i32, i32) {
    %c0_i32 = arith.constant 0 : i32
    %c0_i32_0 = arith.constant 0 : i32
    %c0_i32_1 = arith.constant 0 : i32
    return %c0_i32, %arg0, %c0_i32_0 : i32, i32, i32
  }
  func.func @transform_2(%arg0: i32) -> (i32, i32) {
    %c0_i32 = arith.constant 0 : i32
    %c0_i32_0 = arith.constant 0 : i32
    %c0_i32_1 = arith.constant 0 : i32
    return %c0_i32, %c0_i32_0 : i32, i32
  }
  func.func @transform_3(%arg0: i32) -> (i32, i32) {
    %c0_i32 = arith.constant 0 : i32
    %c0_i32_0 = arith.constant 0 : i32
    %c0_i32_1 = arith.constant 0 : i32
    return %c0_i32, %c0_i32_0 : i32, i32
  }
  func.func @transform_4(%arg0: i32) -> (i32, i32) {
    %c0_i32 = arith.constant 0 : i32
    %c0_i32_0 = arith.constant 0 : i32
    %c0_i32_1 = arith.constant 0 : i32
    return %c0_i32, %c0_i32_0 : i32, i32
  }
  func.func @transform_5(%arg0: i32) -> (i32, i32) {
    %c0_i32 = arith.constant 0 : i32
    %c0_i32_0 = arith.constant 0 : i32
    %c0_i32_1 = arith.constant 0 : i32
    return %c0_i32, %c0_i32_0 : i32, i32
  }
}

</mosaic_0001>

<sc_bundles>
// kernel: kernel.12.cloned.1.call-start
scs
__scs_entry_jumppad:
0x0: {  	(pc) =	sbr.rel $0x88, $3  }
0x1: {  	(tag) =	ssettag $0x0;
	lr =	simm.s32 $0x1  }
0x2: {  	[smem:$0x3F97] =	sst lr;
	_ =	strace $0xD0000000  }
0x3: {  	_ = 	snop  }
0x4: {  	_ = 	snop  }
0x5: {  	_ = 	snop  }
0x6: {  	_ = 	snop  }
0x7: {  	_ = 	snop  }
__scs_overlays_trampoline_lowered:
0x8: {  	[smem:$0x3FA6] =	sst s0  }
0x9: {  	[smem:$0x3FA7] =	sst s1  }
0xa: {  	[smem:$0x3FA8] =	sst s2  }
0xb: {  	[smem:$0x3FA9] =	sst s3  }
0xc: {  	[smem:$0x3FAA] =	sst s4  }
0xd: {  	[smem:$0x3FAB] =	sst s5  }
0xe: {  	[smem:$0x3FAC] =	sst s6  }
0xf: {  	[smem:$0x3FAD] =	sst s7  }
0x10: {  	[smem:$0x3FAE] =	sst s8  }
0x11: {  	[smem:$0x3FAF] =	sst s9;
	s0 =	simm.s32 @!p0 $0x0  }
0x12: {  	s1 =	sld [smem:$0x3F95];
	s0 =	simm.s32 @p0 $0x1  }
0x13: {  	[smem:$0x3FB0] =	sst s0;
	s0 =	simm.s32 @!p1 $0x0  }
0x14: {  	s2 =	sld [smem:$0x3F94];
	s0 =	simm.s32 @p1 $0x1  }
0x15: {  	[smem:$0x3FB1] =	sst s0;
	s0 =	simm.s32 @!p2 $0x0  }
0x16: {  	s3 =	sld [smem:$0x3FDB];
	s0 =	simm.s32 @p2 $0x1  }
0x17: {  	s4 =	simm.s32 $0x1BF5;
	[smem:$0x3FB3] =	sst s0  }
0x18: {  	s0 =	sld [smem:$0x3F96];
	_ =	swait.ge [sflag:s4], $0x0  }
0x19: {  	s7 =	sld [smem:$0x3F97]  }
0x1a: {  	s8 =	sadd.s32 $0xFFFFE003, lr  }
0x1b: {  	s9 =	sadd.s32 $0xFFFFFEF7, lr;
	s5 =	simm.s32 $0xFFFFFFFF;
	p2 =	slt.u32 s8, $0xFFFFF086  }
0x1c: {  	p1 =	slt.u32 s9, $0xF7A;
	s5 =	simm.s32 @!p2 $0x0  }
0x1d: {  	s5 =	simm.s32 @p1 $0x1;
	p0 =	seq.s32 s7, s2  }
0x1e: {  	s7 =	smul.u32 @!p0 $0xF7A, s2;
	p2 =	seq.s32 @!p0 s5, $0x0  }
0x1f: {  	s9 =	smul.u32 $0xF7A, s1;
	s8 =	simm.s32 @!p0 $0x1BF5;
	p2 =	por !p2, p0  }
0x20: {  	[sflag:s8] =	ssyncset.s32 @!p0 $0xFFFFF086;
	s6 =	sadd.s32 @!p0 s3, s7;
	s7 =	simm.s32 @!p0 $0x108  }
0x21: {  	s3 =	sadd.s32 s3, s9;
	s6 =	sadd.s32 @!p0 $0x88, s6;
	s7 =	simm.s32 @p2 $0x1082  }
0x22: {  	[simem:s7], [sflag:s8] =	dma.local @!p0 [hbm:s6], $0xF7A  }
0x23: {  	s9 =	sor.u32 $0xD0000000, s2;
	s6 =	simm.s32 $0x108;
	_ =	swait.ge @!p0 [sflag:s8], $0x0  }
0x24: {  	s3 =	sadd.s32 $0x88, s3;
	s6 =	simm.s32 @!p1 $0x1082;
	[sflag:s4] =	ssyncset.s32 $0xFFFFF086  }
0x25: {  	[simem:s6], [sflag:s4] =	dma.local [hbm:s3], $0xF7A  }
0x26: {  	[smem:$0x3F97] =	sst s1;
	(tag) =	ssettag s2;
	_ =	strace s9  }
0x27: {  	s1 =	sld [smem:$0x3FA7]  }
0x28: {  	s2 =	sld [smem:$0x3FA8]  }
0x29: {  	s4 =	sld [smem:$0x3FAA]  }
0x2a: {  	p0 =	seq.s32 s5, $0x0;
	s5 =	sld [smem:$0x3FAB]  }
0x2b: {  	s6 =	sld [smem:$0x3FAC]  }
0x2c: {  	s7 =	sld [smem:$0x3FAD]  }
0x2d: {  	s3 =	simm.s32 $0x108;
	s8 =	sld [smem:$0x3FAE]  }
0x2e: {  	s3 =	simm.s32 @!p0 $0x1082;
	s9 =	sld [smem:$0x3FAF]  }
0x2f: {  	lr =	sadd.s32 s0, s3;
	s0 =	sld [smem:$0x3FA6]  }
0x30: {  	s3 =	sld [smem:$0x3FA9]  }
0x31: {  	[smem:$0x3FB2] =	sst s10  }
0x32: {  	s10 =	sld [smem:$0x3FB0];
	_ =	sdelay $0x3  }
0x33: {  	p0 =	seq.s32 s10, $0x1;
	s10 =	sld [smem:$0x3FB2];
	_ =	sdelay $0x3  }
0x34: {  	[smem:$0x3FB2] =	sst s10  }
0x35: {  	s10 =	sld [smem:$0x3FB1];
	_ =	sdelay $0x3  }
0x36: {  	p1 =	seq.s32 s10, $0x1;
	s10 =	sld [smem:$0x3FB2];
	_ =	sdelay $0x3  }
0x37: {  	[smem:$0x3FB2] =	sst s10  }
0x38: {  	s10 =	sld [smem:$0x3FB3]  }
0x39: {  	_ = 	snop;
	(pc) =	sbr.ind lr, $3  }
0x3a: {  	_ = 	snop  }
0x3b: {  	_ = 	snop  }
0x3c: {  	p2 =	seq.s32 s10, $0x1;
	s10 =	sld [smem:$0x3FB2]  }
0x3d: {  	_ =	shalt  }
0x3e: {  	_ =	shalt  }
0x3f: {  	_ =	shalt  }
0x40: {  	_ =	shalt  }
0x41: {  	_ =	shalt  }
0x42: {  	_ =	shalt  }
0x43: {  	_ =	shalt  }
0x44: {  	_ =	shalt  }
0x45: {  	_ =	shalt  }
0x46: {  	_ =	shalt  }
0x47: {  	_ =	shalt  }
0x48: {  	_ =	shalt  }
0x49: {  	_ =	shalt  }
0x4a: {  	_ =	shalt  }
0x4b: {  	_ =	shalt  }
0x4c: {  	_ =	shalt  }
0x4d: {  	_ =	shalt  }
0x4e: {  	_ =	shalt  }
0x4f: {  	_ =	shalt  }
0x50: {  	_ =	shalt  }
0x51: {  	_ =	shalt  }
0x52: {  	_ =	shalt  }
0x53: {  	_ =	shalt  }
0x54: {  	_ =	shalt  }
0x55: {  	_ =	shalt  }
0x56: {  	_ =	shalt  }
0x57: {  	_ =	shalt  }
0x58: {  	_ =	shalt  }
0x59: {  	_ =	shalt  }
0x5a: {  	_ =	shalt  }
0x5b: {  	_ =	shalt  }
0x5c: {  	_ =	shalt  }
0x5d: {  	_ =	shalt  }
0x5e: {  	_ =	shalt  }
0x5f: {  	_ =	shalt  }
0x60: {  	_ =	shalt  }
0x61: {  	_ =	shalt  }
0x62: {  	_ =	shalt  }
0x63: {  	_ =	shalt  }
0x64: {  	_ =	shalt  }
0x65: {  	_ =	shalt  }
0x66: {  	_ =	shalt  }
0x67: {  	_ =	shalt  }
0x68: {  	_ =	shalt  }
0x69: {  	_ =	shalt  }
0x6a: {  	_ =	shalt  }
0x6b: {  	_ =	shalt  }
0x6c: {  	_ =	shalt  }
0x6d: {  	_ =	shalt  }
0x6e: {  	_ =	shalt  }
0x6f: {  	_ =	shalt  }
0x70: {  	_ =	shalt  }
0x71: {  	_ =	shalt  }
0x72: {  	_ =	shalt  }
0x73: {  	_ =	shalt  }
0x74: {  	_ =	shalt  }
0x75: {  	_ =	shalt  }
0x76: {  	_ =	shalt  }
0x77: {  	_ =	shalt  }
0x78: {  	_ =	shalt  }
0x79: {  	_ =	shalt  }
0x7a: {  	_ =	shalt  }
0x7b: {  	_ =	shalt  }
0x7c: {  	_ =	shalt  }
0x7d: {  	_ =	shalt  }
0x7e: {  	_ =	shalt  }
0x7f: {  	_ =	shalt  }
0x80: {  	_ =	shalt  }
0x81: {  	_ =	shalt  }
0x82: {  	_ =	shalt  }
0x83: {  	_ =	shalt  }
0x84: {  	_ =	shalt  }
0x85: {  	_ =	shalt  }
0x86: {  	_ =	shalt  }
0x87: {  	_ =	shalt  }
.Lfunc_end0:
.L_simem_size_0:
called_computation.1_lowered:
.L_overlay_start_0:
0x88: {  	s2 =	sld [smem:$0x3FD9]  }
0x89: {  	s3 =	sld [smem:$0x3FFE];
	_ =	sdelay $0x1  }
0x8a: {  	s1 =	srdreg.scid  }
0x8b: {  	s0 =	sand.u32 $0x1, s1  }
0x8c: {  	s17 =	sshll.u32 s0, $0xA;
	s2 =	sadd.s32 s3, s2  }
0x8d: {  	s2 =	sadd.s32 s2, s17  }
0x8e: {  	[smem:$0x3FBE] =	sst s2  }
0x8f: {  	_ = 	snop  }
0x90: {  	(tm) =	ssettm $0x1  }
0x91: {  	s18 =	sld [smem:$0x3FFB];
	_ =	sdelay $0x3  }
0x92: {  	_ =	strace s18  }
0x93: {  	s2 =	sld [smem:$0x3FFC];
	_ =	sdelay $0x3  }
0x94: {  	_ =	strace s2  }
0x95: {  	s2 =	sld [smem:$0x3FFD];
	_ =	sdelay $0x3  }
0x96: {  	_ =	strace s2  }
0x97: {  	_ =	strace $0x8FFFFFFF  }
0x98: {  	s19 =	sld [smem:$0x3FDB];
	_ =	sdelay $0x1  }
0x99: {  	s20 =	simm.s32 $_scs_section_size  }
0x9a: {  	s4 =	simm.s32 $_size__tile_overlayer_lowered;
	s5 =	simm.s32 $_tile_overlayer_lowered  }
0x9b: {  	s6 =	simm.s32 $0x1BFF;
	s21 =	sshll.u32 s5, $0x1;
	s3 =	sadd.s32 s20, s19  }
0x9c: {  	s22 =	simm.s32 $0x0;
	s4 =	sshll.u32 s4, $0x1;
	s5 =	sadd.s32 s21, s3  }
0x9d: {  	[timem:s22], [sflag:s6] =	dma.local [hbm:s5], s4  }
0x9e: {  	_ =	swait.ge [sflag:s6], s4  }
0x9f: {  	s4 =	ssub.s32 $0x0, s4;
	[sflag:s6] =	ssyncset.done $0x0  }
0xa0: {  	[sflag:s6] =	ssyncadd.s32 s4;
	_ =	sdelay $0x1  }
0xa1: {  	s23 =	simm.s32 $0x1B8B  }
0xa2: {  	_ =	swait.ge [sflag:s23], $0x1  }
0xa3: {  	[sflag:s23] =	ssyncset.done $0x0  }
0xa4: {  	[sflag:s23] =	ssyncadd.s32 $0xFFFFFFFF  }
0xa5: {  	s4 =	sld [smem:$0x0]  }
0xa6: {  	s5 =	sand.u32 $0xFFFFFFFE, s1  }
0xa7: {  	p0 =	sne.s32 s1, s5  }
0xa8: {  	s5 =	sshll.u32 @p0 s5, $0xE  }
0xa9: {  	s5 =	sadd.s32 @p0 $0x11B8D, s5;
	s6 =	sshll.u32 @p0 s4, $0x11  }
0xaa: {  	s5 =	sor.u32 @p0 s6, s5  }
0xab: {  	[sflag:s5] =	ssyncadd.remote.s32 @p0 $0x1;
	_ =	sdelay $0x1  }
0xac: {  	s5 =	simm.s32 @p0 $0x1B8D  }
0xad: {  	_ =	swait.eq @p0 [sflag:s5], $0x1  }
0xae: {  	[sflag:s5] =	ssyncadd.s32 @p0 $0xFFFFFFFF  }
0xaf: {  	s6 =	sshll.u32 @!p0 s1, $0xE  }
0xb0: {  	s6 =	sor.u32 @!p0 $0x4000, s6;
	s5 =	simm.s32 @!p0 $0x1B8D  }
0xb1: {  	s4 =	sshll.u32 @!p0 s4, $0x11;
	s6 =	sadd.s32 @!p0 $0x11B8D, s6;
	_ =	swait.eq @!p0 [sflag:s5], $0x1  }
0xb2: {  	s4 =	sor.u32 @!p0 s4, s6;
	[sflag:s5] =	ssyncadd.s32 @!p0 $0xFFFFFFFF  }
0xb3: {  	s25 =	simm.s32 $0x1B8E;
	s24 =	sld [smem:$0x3FFE];
	[sflag:s4] =	ssyncadd.remote.s32 @!p0 $0x1  }
0xb4: {  	s26 =	simm.s32 $execute0_lowered;
	[smem:$0x3FD2] =	sst s25  }
0xb5: {  	s5 =	sshll.u32 s26, $0x1;
	_ =	strace $0x8000004C;
	[dreg:$0x1] =	wrdreg $0xFFFFFFFF  }
0xb6: {  	s28 =	simm.s32 $_size_execute0_lowered;
	s3 =	sadd.s32 s3, s5;
	[dreg:$0x0] =	wrdreg $0x0  }
0xb7: {  	s5 =	sshll.u32 s28, $0x1;
	[dreg:$0x2] =	wrdreg s3  }
0xb8: {  	[dreg:$0x3] =	wrdreg s5  }
0xb9: {  	[dreg:$0x4] =	wrdreg $0xC0  }
0xba: {  	_ =	task [dreg:s22], $0x5FFFF  }
0xbb: {  	[dreg:$0x1] =	wrdreg $0xFFFFFFFF  }
0xbc: {  	[dreg:$0x0] =	wrdreg $0x60  }
0xbd: {  	[dreg:$0x2] =	wrdreg s24  }
0xbe: {  	[dreg:$0x3] =	wrdreg $0x80800  }
0xbf: {  	[dreg:$0x4] =	wrdreg $0xA  }
0xc0: {  	_ =	task.clear_ibuf [dreg:s22], $0x5FFFF;
	_ =	strace $0x9000004C  }
0xc1: {  	s29 =	simm.s32 $0xA;
	_ =	strace $0x8000004E  }
0xc2: {  	_ =	swait.ge [sflag:s29], $0x1  }
0xc3: {  	[sflag:s29] =	ssyncadd.s32 $0xFFFFFFFF  }
0xc4: {  	_ =	strace $0x9000004E  }
0xc5: {  	_ =	sfence  }
0xc6: {  	s30 =	sld [smem:$0x0];
	_ =	sdelay $0x2  }
0xc7: {  	s31 =	sshll.u32 s1, $0xD;
	s1 =	sshrl.u32 s1, $0x2  }
0xc8: {  	s4 =	sand.u32 $0x4000, s31;
	s1 =	sadd.s32 s1, s30  }
0xc9: {  	s0 =	sor.u32 s4, s0;
	s1 =	sshll.u32 s1, $0x11  }
0xca: {  	s0 =	sor.u32 s1, s0  }
0xcb: {  	s0 =	sadd.s32 $0x8F2B, s0  }
0xcc: {  	[sflag:s0] =	ssyncadd.remote.s32 $0x1  }
0xcd: {  	_ =	sfence.sel $0xFFFF  }
0xce: {  	[dreg:$0x0] =	wrdreg $0xFFFFFFFF;
	(pc) =	sbr.abs _section_cstart, $3  }
0xcf: {  	[dreg:$0x1] =	wrdreg $0xFFFFFFFF  }
0xd0: {  	_ =	task.clear_ibuf [dreg:s22], $0x2FFFF;
	_ =	strace $0x9FFFFFFF  }
0xd1: {  	(tm) =	ssettm $0x7FFFFFFF  }
tec
execute0_lowered:
.L_overlay_start_1:
0x0: {  	(tag) =	ssettag $0x1  }
0x1: {  	s4 =	rddreg [dreg:$0x0];
	s0 =	srdreg.scid  }
0x2: {  	s2 =	rddreg [dreg:$0x1];
	s1 =	stileid.u32;
	s3 =	simm.s32 $0x0  }
0x3: {  	s13 =	simm.s32 $0x1;
	s14 =	simm.s32 $0x4080;
	s7 =	smul.u32 $0x13C00, s1  }
0x4: {  	s5 =	sand.u32 $0x1, s0;
	s0 =	rddreg [dreg:$0x2];
	s8 =	smul.u32 $0x9E0, s1  }
0x5: {  	s17 =	simm.s32 $0x0;
	[smem:$0x7FF] =	sst s3;
	s28 =	smul.u32 $0x4F000, s1  }
0x6: {  	s15 =	sshll.u32 s1, $0x6;
	s6 =	smul.u32 $0x13C000, s5;
	_ =	strace $0x8000004D  }
0x7: {  	s29 =	ssub.s32 $0x2, s5;
	s12 =	smul.u32 $0x4F0, s5;
	s15 =	sor.u32 $0x1C01, s15  }
0x8: {  	s10 =	sadd.s32 s8, s4;
	s30 =	sshrl.u32 s29, $0x1;
	s31 =	sshrl.u32 s28, $0x2  }
0x9: {  	s6 =	sadd.s32 s7, s6;
	s11 =	ssub.s32 s29, s30;
	s12 =	sadd.s32 s12, s10  }
0xa: {  	s6 =	sshrl.u32 s6, $0x3;
	s10 =	smax.u32 s11, $0x1;
	s11 =	sadd.s32 $0x5BC00, s12  }
0xb: {  	s12 =	simm.s32 $0x80;
	s9 =	sadd.s32 s6, s4;
	s4 =	sadd.s32 s31, s2  }
0xc: {  	s5 =	sadd.s32 $0x4000, s4;
	s6 =	sadd.s32 $0x8000, s4;
	s7 =	sadd.s32 $0xC000, s4  }
0xd: {  	v0 =	vimm.f32 $0.0e+00;
	v1 =	vimm.f32 $1.000000000e+00;
	s8 =	sadd.s32 $0x10000, s4;
	s9 =	sadd.s32 $0xDC200, s9;
	s16 =	sshrl.u32 s4, $0x3  }
.LBB2_1:
0xe: {  	s18 =	simm.s32 $0x0;
	s19 =	simm.s32 $0x200  }
.LBB2_2:
0xf: {  	p0 =	sne.s32 s19, $0xFE00;
	[tilespmem:s18+$0xF0] =	vst v0  }
0x10: {  	[tilespmem:s18+$0x80] =	vst v0  }
0x11: {  	[tilespmem:s18+$0x90] =	vst v0  }
.Ltmp0:
0x12: {  	[tilespmem:s18+$0xA0] =	vst v0;
	(pc) =	sbr.rel @p0 .LBB2_2-.Ltmp0, $4  }
0x13: {  	[tilespmem:s18+$0xB0] =	vst v0  }
0x14: {  	[tilespmem:s18+$0xC0] =	vst v0  }
0x15: {  	[tilespmem:s18+$0xD0] =	vst v0  }
0x16: {  	[tilespmem:s18+$0xE0] =	vst v0;
	s18 =	sshra.s32 s19, $0x2;
	s19 =	sadd.s32 $0x200, s19  }
0x17: {  	[tilespmem:s18+$0xF0] =	vst v0  }
0x18: {  	[tilespmem:s18+$0x80] =	vst v0  }
0x19: {  	[tilespmem:s18+$0x90] =	vst v0  }
0x1a: {  	[tilespmem:s18+$0xA0] =	vst v0  }
0x1b: {  	[tilespmem:s18+$0xB0] =	vst v0  }
0x1c: {  	[tilespmem:s18+$0xC0] =	vst v0  }
0x1d: {  	[tilespmem:s18+$0xD0] =	vst v0  }
0x1e: {  	[tilespmem:s18+$0xE0] =	vst v0;
	s18 =	simm.s32 $0x0;
	s19 =	simm.s32 $0x200  }
.LBB2_4:
0x1f: {  	p0 =	sne.s32 s19, $0xFE00;
	[tilespmem:s18+$0x40F0] =	vst v1  }
0x20: {  	[tilespmem:s18+$0x4080] =	vst v1  }
0x21: {  	[tilespmem:s18+$0x4090] =	vst v1  }
.Ltmp1:
0x22: {  	[tilespmem:s18+$0x40A0] =	vst v1;
	(pc) =	sbr.rel @p0 .LBB2_4-.Ltmp1, $4  }
0x23: {  	[tilespmem:s18+$0x40B0] =	vst v1  }
0x24: {  	[tilespmem:s18+$0x40C0] =	vst v1  }
0x25: {  	[tilespmem:s18+$0x40D0] =	vst v1  }
0x26: {  	[tilespmem:s18+$0x40E0] =	vst v1;
	s18 =	sshra.s32 s19, $0x2;
	s19 =	sadd.s32 $0x200, s19  }
0x27: {  	[tilespmem:s18+$0x40F0] =	vst v1  }
0x28: {  	[tilespmem:s18+$0x4080] =	vst v1  }
0x29: {  	[tilespmem:s18+$0x4090] =	vst v1  }
0x2a: {  	[tilespmem:s18+$0x40A0] =	vst v1  }
0x2b: {  	[tilespmem:s18+$0x40B0] =	vst v1  }
0x2c: {  	[tilespmem:s18+$0x40C0] =	vst v1  }
0x2d: {  	[tilespmem:s18+$0x40D0] =	vst v1  }
0x2e: {  	[tilespmem:s18+$0x40E0] =	vst v1  }
0x2f: {  	[spmem:s4] =	stream.linear.scatter [tilespmem:s12], [sflag:$0x1], $0x4000, $0x38;
	[tilespmem:$0x1BC80] =	vst v63  }
0x30: {  	_ =	swait.ge [sflag:s13], $0x4000  }
0x31: {  	[sflag:s13] =	ssyncset.done $0x0  }
0x32: {  	[sflag:s13] =	ssyncadd.s32 $0xFFFFC000  }
0x33: {  	[spmem:s5] =	stream.linear.scatter [tilespmem:s12], [sflag:$0x1], $0x4000, $0x38;
	[tilespmem:$0x1BC80] =	vst v63  }
0x34: {  	_ =	swait.ge [sflag:s13], $0x4000  }
0x35: {  	[sflag:s13] =	ssyncset.done $0x0  }
0x36: {  	[sflag:s13] =	ssyncadd.s32 $0xFFFFC000  }
0x37: {  	[spmem:s6] =	stream.linear.scatter [tilespmem:s12], [sflag:$0x1], $0x4000, $0x38;
	[tilespmem:$0x1BC80] =	vst v63  }
0x38: {  	_ =	swait.ge [sflag:s13], $0x4000  }
0x39: {  	[sflag:s13] =	ssyncset.done $0x0  }
0x3a: {  	[sflag:s13] =	ssyncadd.s32 $0xFFFFC000  }
0x3b: {  	[spmem:s7] =	stream.linear.scatter [tilespmem:s12], [sflag:$0x1], $0x4000, $0x38;
	[tilespmem:$0x1BC80] =	vst v63  }
0x3c: {  	_ =	swait.ge [sflag:s13], $0x4000  }
0x3d: {  	[sflag:s13] =	ssyncset.done $0x0  }
0x3e: {  	[sflag:s13] =	ssyncadd.s32 $0xFFFFC000  }
0x3f: {  	[spmem:s8] =	stream.linear.scatter [tilespmem:s12], [sflag:$0x1], $0x3C00, $0x38;
	[tilespmem:$0x1BC80] =	vst v63  }
0x40: {  	_ =	swait.ge [sflag:s13], $0x3C00  }
0x41: {  	[sflag:s13] =	ssyncset.done $0x0  }
0x42: {  	[sflag:s13] =	ssyncadd.s32 $0xFFFFC400  }
0x43: {  	s31 =	sadd.s32 $0x0, s11;
	[bflag:$0x0] =	sbarrier.arrive $0xFFFF  }
0x44: {  	[tilespmem:s3], [sflag:$0x1] =	stream.linear.gather [hbm4b:s31+s3], $0x80, $0x38;
	[tilespmem:$0x1BC80] =	vst v63  }
0x45: {  	_ =	swait.ge [sflag:s13], $0x80  }
0x46: {  	[sflag:s13] =	ssyncset.done $0x0  }
0x47: {  	[sflag:s13] =	ssyncadd.s32 $0xFFFFFF80  }
0x48: {  	[spmem:s2] =	stream.indirect.scatter.add.f32 [tilespmem:s14], [sflag:$0x1], $0x80, s3, s12, $0xb8;
	[tilespmem:$0x1BC80] =	vst v63  }
0x49: {  	_ =	swait.ge [sflag:s13], $0x4000  }
0x4a: {  	s18 =	simm.s32 $0x10;
	s19 =	simm.s32 $0x20;
	[sflag:s13] =	ssyncset.done $0x0  }
.LBB2_6:
0x4b: {  	s20 =	sadd.s32 s18, s11  }
0x4c: {  	[sflag:s13] =	ssyncadd.s32 $0xFFFFC000;
	s18 =	smov.u32 s19;
	s21 =	sadd.s32 $0x10, s19  }
0x4d: {  	[tilespmem:s3], [sflag:$0x1] =	stream.linear.gather [hbm4b:s20+s3], $0x80, $0x38;
	[tilespmem:$0x1BC80] =	vst v63  }
0x4e: {  	p0 =	sne.s32 s19, $0x4E0;
	_ =	swait.ge [sflag:s13], $0x80  }
.Ltmp2:
0x4f: {  	[sflag:s13] =	ssyncset.done $0x0;
	(pc) =	sbr.rel @p0 .LBB2_6-.Ltmp2, $4  }
0x50: {  	[sflag:s13] =	ssyncadd.s32 $0xFFFFFF80  }
0x51: {  	[spmem:s2] =	stream.indirect.scatter.add.f32 [tilespmem:s14], [sflag:$0x1], $0x80, s3, s12, $0xb8;
	[tilespmem:$0x1BC80] =	vst v63  }
0x52: {  	_ =	swait.ge [sflag:s13], $0x4000  }
0x53: {  	s19 =	smov.u32 s21;
	[sflag:s13] =	ssyncset.done $0x0  }
0x54: {  	s18 =	sadd.s32 s18, s11;
	[sflag:s13] =	ssyncadd.s32 $0xFFFFC000  }
0x55: {  	[tilespmem:s3], [sflag:$0x1] =	stream.linear.gather [hbm4b:s18+s3], $0x80, $0x38;
	[tilespmem:$0x1BC80] =	vst v63  }
0x56: {  	_ =	swait.ge [sflag:s13], $0x80  }
0x57: {  	[sflag:s13] =	ssyncset.done $0x0  }
0x58: {  	[sflag:s13] =	ssyncadd.s32 $0xFFFFFF80  }
0x59: {  	[spmem:s2] =	stream.indirect.scatter.add.f32 [tilespmem:s14], [sflag:$0x1], $0x80, s3, s12, $0xb8;
	[tilespmem:$0x1BC80] =	vst v63  }
0x5a: {  	_ =	swait.ge [sflag:s13], $0x4000  }
0x5b: {  	s17 =	sadd.s32 $0x1, s17;
	[sflag:s13] =	ssyncset.done $0x0  }
0x5c: {  	p0 =	sne.s32 s17, s10;
	[sflag:s13] =	ssyncadd.s32 $0xFFFFC000  }
.Ltmp3:
0x5d: {  	[bflag:$0x0] =	sbarrier.arrive $0xFFFF;
	(pc) =	sbr.rel @p0 .LBB2_1-.Ltmp3, $4  }
0x5e: {  	[hbm:s9], [sflag:s15] =	dma.local [spmem:s16], $0x2780  }
0x5f: {  	_ =	swait.ge [sflag:s13], $0x2780  }
0x60: {  	[sflag:s13] =	ssyncset.done $0x0  }
0x61: {  	[sflag:s13] =	ssyncadd.s32 $0xFFFFD880  }
0x62: {  	_ =	sfence.sel $0x180000  }
0x63: {  	[bflag:$0x0] =	sbarrier.arrive $0xFFFF  }
0x64: {  	p0 =	sne.s32 s1, $0x0;
	_ =	strace $0x9000004D  }
0x65: {  	s0 =	sadd.s32 @!p0 $0x100000, s0;
	[bflag:$0x2] =	sbarrier.arrive $0xFFFF  }
0x66: {  	[sflag:s0] =	ssyncadd.tile.s32 @!p0 $0x1;
	_ =	shalt  }
.Lfunc_end2:
_tile_overlayer_lowered:
.L_overlay_start_2:
0x67: {  	(tag) =	ssettag $0x2  }
0x68: {  	s0 =	rddreg [dreg:$0x0];
	s2 =	stileid.u32  }
0x69: {  	s1 =	rddreg [dreg:$0x1];
	p0 =	sne.s32 s2, $0x0  }
0x6a: {  	s3 =	rddreg [dreg:$0x2];
	[bflag:$0x3] =	sbarrier.arrive $0xFFFF;
	s2 =	simm.s32 @!p0 $0x1C01  }
0x6b: {  	[timem:s3], [sflag:s2] =	dma.local @!p0 [hbm:s0], s1  }
0x6c: {  	s0 =	simm.s32 @!p0 $0x1  }
0x6d: {  	_ =	swait.ge @!p0 [sflag:s0], s1  }
0x6e: {  	s1 =	ssub.s32 @!p0 $0x0, s1;
	[sflag:s0] =	ssyncset.done @!p0 $0x0  }
0x6f: {  	[sflag:s0] =	ssyncadd.s32 @!p0 s1  }
0x70: {  	[bflag:$0x3] =	sbarrier.arrive $0xFFFF  }
0x71: {  	_ =	shalt  }

// kernel: kernel.15.cloned.1.call-start
scs
__scs_entry_jumppad:
0x0: {  	(pc) =	sbr.rel $0x88, $3  }
0x1: {  	(tag) =	ssettag $0x0;
	lr =	simm.s32 $0x1  }
0x2: {  	[smem:$0x3F97] =	sst lr;
	_ =	strace $0xD0000000  }
0x3: {  	_ = 	snop  }
0x4: {  	_ = 	snop  }
0x5: {  	_ = 	snop  }
0x6: {  	_ = 	snop  }
0x7: {  	_ = 	snop  }
__scs_overlays_trampoline_lowered:
0x8: {  	[smem:$0x3FA6] =	sst s0  }
0x9: {  	[smem:$0x3FA7] =	sst s1  }
0xa: {  	[smem:$0x3FA8] =	sst s2  }
0xb: {  	[smem:$0x3FA9] =	sst s3  }
0xc: {  	[smem:$0x3FAA] =	sst s4  }
0xd: {  	[smem:$0x3FAB] =	sst s5  }
0xe: {  	[smem:$0x3FAC] =	sst s6  }
0xf: {  	[smem:$0x3FAD] =	sst s7  }
0x10: {  	[smem:$0x3FAE] =	sst s8  }
0x11: {  	[smem:$0x3FAF] =	sst s9;
	s0 =	simm.s32 @!p0 $0x0  }
0x12: {  	s1 =	sld [smem:$0x3F95];
	s0 =	simm.s32 @p0 $0x1  }
0x13: {  	[smem:$0x3FB0] =	sst s0;
	s0 =	simm.s32 @!p1 $0x0  }
0x14: {  	s2 =	sld [smem:$0x3F94];
	s0 =	simm.s32 @p1 $0x1  }
0x15: {  	[smem:$0x3FB1] =	sst s0;
	s0 =	simm.s32 @!p2 $0x0  }
0x16: {  	s3 =	sld [smem:$0x3FDB];
	s0 =	simm.s32 @p2 $0x1  }
0x17: {  	s4 =	simm.s32 $0x1BF5;
	[smem:$0x3FB3] =	sst s0  }
0x18: {  	s0 =	sld [smem:$0x3F96];
	_ =	swait.ge [sflag:s4], $0x0  }
0x19: {  	s7 =	sld [smem:$0x3F97]  }
0x1a: {  	s8 =	sadd.s32 $0xFFFFE003, lr  }
0x1b: {  	s9 =	sadd.s32 $0xFFFFFEF7, lr;
	s5 =	simm.s32 $0xFFFFFFFF;
	p2 =	slt.u32 s8, $0xFFFFF086  }
0x1c: {  	p1 =	slt.u32 s9, $0xF7A;
	s5 =	simm.s32 @!p2 $0x0  }
0x1d: {  	s5 =	simm.s32 @p1 $0x1;
	p0 =	seq.s32 s7, s2  }
0x1e: {  	s7 =	smul.u32 @!p0 $0xF7A, s2;
	p2 =	seq.s32 @!p0 s5, $0x0  }
0x1f: {  	s9 =	smul.u32 $0xF7A, s1;
	s8 =	simm.s32 @!p0 $0x1BF5;
	p2 =	por !p2, p0  }
0x20: {  	[sflag:s8] =	ssyncset.s32 @!p0 $0xFFFFF086;
	s6 =	sadd.s32 @!p0 s3, s7;
	s7 =	simm.s32 @!p0 $0x108  }
0x21: {  	s3 =	sadd.s32 s3, s9;
	s6 =	sadd.s32 @!p0 $0x88, s6;
	s7 =	simm.s32 @p2 $0x1082  }
0x22: {  	[simem:s7], [sflag:s8] =	dma.local @!p0 [hbm:s6], $0xF7A  }
0x23: {  	s9 =	sor.u32 $0xD0000000, s2;
	s6 =	simm.s32 $0x108;
	_ =	swait.ge @!p0 [sflag:s8], $0x0  }
0x24: {  	s3 =	sadd.s32 $0x88, s3;
	s6 =	simm.s32 @!p1 $0x1082;
	[sflag:s4] =	ssyncset.s32 $0xFFFFF086  }
0x25: {  	[simem:s6], [sflag:s4] =	dma.local [hbm:s3], $0xF7A  }
0x26: {  	[smem:$0x3F97] =	sst s1;
	(tag) =	ssettag s2;
	_ =	strace s9  }
0x27: {  	s1 =	sld [smem:$0x3FA7]  }
0x28: {  	s2 =	sld [smem:$0x3FA8]  }
0x29: {  	s4 =	sld [smem:$0x3FAA]  }
0x2a: {  	p0 =	seq.s32 s5, $0x0;
	s5 =	sld [smem:$0x3FAB]  }
0x2b: {  	s6 =	sld [smem:$0x3FAC]  }
0x2c: {  	s7 =	sld [smem:$0x3FAD]  }
0x2d: {  	s3 =	simm.s32 $0x108;
	s8 =	sld [smem:$0x3FAE]  }
0x2e: {  	s3 =	simm.s32 @!p0 $0x1082;
	s9 =	sld [smem:$0x3FAF]  }
0x2f: {  	lr =	sadd.s32 s0, s3;
	s0 =	sld [smem:$0x3FA6]  }
0x30: {  	s3 =	sld [smem:$0x3FA9]  }
0x31: {  	[smem:$0x3FB2] =	sst s10  }
0x32: {  	s10 =	sld [smem:$0x3FB0];
	_ =	sdelay $0x3  }
0x33: {  	p0 =	seq.s32 s10, $0x1;
	s10 =	sld [smem:$0x3FB2];
	_ =	sdelay $0x3  }
0x34: {  	[smem:$0x3FB2] =	sst s10  }
0x35: {  	s10 =	sld [smem:$0x3FB1];
	_ =	sdelay $0x3  }
0x36: {  	p1 =	seq.s32 s10, $0x1;
	s10 =	sld [smem:$0x3FB2];
	_ =	sdelay $0x3  }
0x37: {  	[smem:$0x3FB2] =	sst s10  }
0x38: {  	s10 =	sld [smem:$0x3FB3]  }
0x39: {  	_ = 	snop;
	(pc) =	sbr.ind lr, $3  }
0x3a: {  	_ = 	snop  }
0x3b: {  	_ = 	snop  }
0x3c: {  	p2 =	seq.s32 s10, $0x1;
	s10 =	sld [smem:$0x3FB2]  }
0x3d: {  	_ =	shalt  }
0x3e: {  	_ =	shalt  }
0x3f: {  	_ =	shalt  }
0x40: {  	_ =	shalt  }
0x41: {  	_ =	shalt  }
0x42: {  	_ =	shalt  }
0x43: {  	_ =	shalt  }
0x44: {  	_ =	shalt  }
0x45: {  	_ =	shalt  }
0x46: {  	_ =	shalt  }
0x47: {  	_ =	shalt  }
0x48: {  	_ =	shalt  }
0x49: {  	_ =	shalt  }
0x4a: {  	_ =	shalt  }
0x4b: {  	_ =	shalt  }
0x4c: {  	_ =	shalt  }
0x4d: {  	_ =	shalt  }
0x4e: {  	_ =	shalt  }
0x4f: {  	_ =	shalt  }
0x50: {  	_ =	shalt  }
0x51: {  	_ =	shalt  }
0x52: {  	_ =	shalt  }
0x53: {  	_ =	shalt  }
0x54: {  	_ =	shalt  }
0x55: {  	_ =	shalt  }
0x56: {  	_ =	shalt  }
0x57: {  	_ =	shalt  }
0x58: {  	_ =	shalt  }
0x59: {  	_ =	shalt  }
0x5a: {  	_ =	shalt  }
0x5b: {  	_ =	shalt  }
0x5c: {  	_ =	shalt  }
0x5d: {  	_ =	shalt  }
0x5e: {  	_ =	shalt  }
0x5f: {  	_ =	shalt  }
0x60: {  	_ =	shalt  }
0x61: {  	_ =	shalt  }
0x62: {  	_ =	shalt  }
0x63: {  	_ =	shalt  }
0x64: {  	_ =	shalt  }
0x65: {  	_ =	shalt  }
0x66: {  	_ =	shalt  }
0x67: {  	_ =	shalt  }
0x68: {  	_ =	shalt  }
0x69: {  	_ =	shalt  }
0x6a: {  	_ =	shalt  }
0x6b: {  	_ =	shalt  }
0x6c: {  	_ =	shalt  }
0x6d: {  	_ =	shalt  }
0x6e: {  	_ =	shalt  }
0x6f: {  	_ =	shalt  }
0x70: {  	_ =	shalt  }
0x71: {  	_ =	shalt  }
0x72: {  	_ =	shalt  }
0x73: {  	_ =	shalt  }
0x74: {  	_ =	shalt  }
0x75: {  	_ =	shalt  }
0x76: {  	_ =	shalt  }
0x77: {  	_ =	shalt  }
0x78: {  	_ =	shalt  }
0x79: {  	_ =	shalt  }
0x7a: {  	_ =	shalt  }
0x7b: {  	_ =	shalt  }
0x7c: {  	_ =	shalt  }
0x7d: {  	_ =	shalt  }
0x7e: {  	_ =	shalt  }
0x7f: {  	_ =	shalt  }
0x80: {  	_ =	shalt  }
0x81: {  	_ =	shalt  }
0x82: {  	_ =	shalt  }
0x83: {  	_ =	shalt  }
0x84: {  	_ =	shalt  }
0x85: {  	_ =	shalt  }
0x86: {  	_ =	shalt  }
0x87: {  	_ =	shalt  }
.Lfunc_end0:
.L_simem_size_0:
called_computation.2_lowered:
.L_overlay_start_0:
0x88: {  	s2 =	sld [smem:$0x3FD9]  }
0x89: {  	s3 =	sld [smem:$0x3FFE];
	_ =	sdelay $0x1  }
0x8a: {  	s1 =	srdreg.scid  }
0x8b: {  	s0 =	sand.u32 $0x1, s1  }
0x8c: {  	s17 =	sshll.u32 s0, $0xA;
	s2 =	sadd.s32 s3, s2  }
0x8d: {  	s2 =	sadd.s32 s2, s17  }
0x8e: {  	[smem:$0x3FBE] =	sst s2  }
0x8f: {  	_ = 	snop  }
0x90: {  	(tm) =	ssettm $0x1  }
0x91: {  	s18 =	sld [smem:$0x3FFB];
	_ =	sdelay $0x3  }
0x92: {  	_ =	strace s18  }
0x93: {  	s2 =	sld [smem:$0x3FFC];
	_ =	sdelay $0x3  }
0x94: {  	_ =	strace s2  }
0x95: {  	s2 =	sld [smem:$0x3FFD];
	_ =	sdelay $0x3  }
0x96: {  	_ =	strace s2  }
0x97: {  	_ =	strace $0x8FFFFFFF  }
0x98: {  	s19 =	sld [smem:$0x3FDB];
	_ =	sdelay $0x1  }
0x99: {  	s20 =	simm.s32 $_scs_section_size  }
0x9a: {  	s4 =	simm.s32 $_size__tile_overlayer_lowered;
	s5 =	simm.s32 $_tile_overlayer_lowered  }
0x9b: {  	s6 =	simm.s32 $0x1BFF;
	s21 =	sshll.u32 s5, $0x1;
	s3 =	sadd.s32 s20, s19  }
0x9c: {  	s22 =	simm.s32 $0x0;
	s4 =	sshll.u32 s4, $0x1;
	s5 =	sadd.s32 s21, s3  }
0x9d: {  	[timem:s22], [sflag:s6] =	dma.local [hbm:s5], s4  }
0x9e: {  	_ =	swait.ge [sflag:s6], s4  }
0x9f: {  	s4 =	ssub.s32 $0x0, s4;
	[sflag:s6] =	ssyncset.done $0x0  }
0xa0: {  	[sflag:s6] =	ssyncadd.s32 s4;
	_ =	sdelay $0x1  }
0xa1: {  	s23 =	simm.s32 $0x1B8B  }
0xa2: {  	_ =	swait.ge [sflag:s23], $0x1  }
0xa3: {  	[sflag:s23] =	ssyncset.done $0x0  }
0xa4: {  	[sflag:s23] =	ssyncadd.s32 $0xFFFFFFFF  }
0xa5: {  	s4 =	sld [smem:$0x0]  }
0xa6: {  	s5 =	sand.u32 $0xFFFFFFFE, s1  }
0xa7: {  	p0 =	sne.s32 s1, s5  }
0xa8: {  	s5 =	sshll.u32 @p0 s5, $0xE  }
0xa9: {  	s5 =	sadd.s32 @p0 $0x11B8D, s5;
	s6 =	sshll.u32 @p0 s4, $0x11  }
0xaa: {  	s5 =	sor.u32 @p0 s6, s5  }
0xab: {  	[sflag:s5] =	ssyncadd.remote.s32 @p0 $0x1;
	_ =	sdelay $0x1  }
0xac: {  	s5 =	simm.s32 @p0 $0x1B8D  }
0xad: {  	_ =	swait.eq @p0 [sflag:s5], $0x1  }
0xae: {  	[sflag:s5] =	ssyncadd.s32 @p0 $0xFFFFFFFF  }
0xaf: {  	s6 =	sshll.u32 @!p0 s1, $0xE  }
0xb0: {  	s6 =	sor.u32 @!p0 $0x4000, s6;
	s5 =	simm.s32 @!p0 $0x1B8D  }
0xb1: {  	s4 =	sshll.u32 @!p0 s4, $0x11;
	s6 =	sadd.s32 @!p0 $0x11B8D, s6;
	_ =	swait.eq @!p0 [sflag:s5], $0x1  }
0xb2: {  	s4 =	sor.u32 @!p0 s4, s6;
	[sflag:s5] =	ssyncadd.s32 @!p0 $0xFFFFFFFF  }
0xb3: {  	s25 =	simm.s32 $0x1B8E;
	s24 =	sld [smem:$0x3FFE];
	[sflag:s4] =	ssyncadd.remote.s32 @!p0 $0x1  }
0xb4: {  	s26 =	simm.s32 $execute0_lowered;
	[smem:$0x3FD2] =	sst s25  }
0xb5: {  	s5 =	sshll.u32 s26, $0x1;
	_ =	strace $0x80000049;
	[dreg:$0x1] =	wrdreg $0xFFFFFFFF  }
0xb6: {  	s28 =	simm.s32 $_size_execute0_lowered;
	s3 =	sadd.s32 s3, s5;
	[dreg:$0x0] =	wrdreg $0x0  }
0xb7: {  	s5 =	sshll.u32 s28, $0x1;
	[dreg:$0x2] =	wrdreg s3  }
0xb8: {  	[dreg:$0x3] =	wrdreg s5  }
0xb9: {  	[dreg:$0x4] =	wrdreg $0xC0  }
0xba: {  	_ =	task [dreg:s22], $0x5FFFF  }
0xbb: {  	[dreg:$0x1] =	wrdreg $0xFFFFFFFF  }
0xbc: {  	[dreg:$0x0] =	wrdreg $0x60  }
0xbd: {  	[dreg:$0x2] =	wrdreg s24  }
0xbe: {  	[dreg:$0x3] =	wrdreg $0x41000  }
0xbf: {  	[dreg:$0x4] =	wrdreg $0xB  }
0xc0: {  	_ =	task.clear_ibuf [dreg:s22], $0x5FFFF;
	_ =	strace $0x90000049  }
0xc1: {  	s29 =	simm.s32 $0xB;
	_ =	strace $0x8000004B  }
0xc2: {  	_ =	swait.ge [sflag:s29], $0x1  }
0xc3: {  	[sflag:s29] =	ssyncadd.s32 $0xFFFFFFFF  }
0xc4: {  	_ =	strace $0x9000004B  }
0xc5: {  	_ =	sfence  }
0xc6: {  	s30 =	sld [smem:$0x0];
	_ =	sdelay $0x2  }
0xc7: {  	s31 =	sshll.u32 s1, $0xD;
	s1 =	sshrl.u32 s1, $0x2  }
0xc8: {  	s4 =	sand.u32 $0x4000, s31;
	s1 =	sadd.s32 s1, s30  }
0xc9: {  	s0 =	sor.u32 s4, s0;
	s1 =	sshll.u32 s1, $0x11  }
0xca: {  	s0 =	sor.u32 s1, s0  }
0xcb: {  	s0 =	sadd.s32 $0x8F2B, s0  }
0xcc: {  	[sflag:s0] =	ssyncadd.remote.s32 $0x1  }
0xcd: {  	_ =	sfence.sel $0xFFFF  }
0xce: {  	[dreg:$0x0] =	wrdreg $0xFFFFFFFF;
	(pc) =	sbr.abs _section_cstart, $3  }
0xcf: {  	[dreg:$0x1] =	wrdreg $0xFFFFFFFF  }
0xd0: {  	_ =	task.clear_ibuf [dreg:s22], $0x2FFFF;
	_ =	strace $0x9FFFFFFF  }
0xd1: {  	(tm) =	ssettm $0x7FFFFFFF  }
tec
execute0_lowered:
.L_overlay_start_1:
0x0: {  	(tag) =	ssettag $0x1  }
0x1: {  	s5 =	rddreg [dreg:$0x0];
	s0 =	srdreg.scid  }
0x2: {  	s2 =	rddreg [dreg:$0x1];
	s1 =	stileid.u32;
	s3 =	simm.s32 $0x0  }
0x3: {  	s15 =	simm.s32 $0x2;
	s16 =	simm.s32 $0x80;
	s7 =	smul.u32 $0x13C00, s1  }
0x4: {  	s17 =	simm.s32 $0x1;
	s20 =	simm.s32 $0x0;
	s8 =	smul.u32 $0x9E0, s1  }
0x5: {  	s6 =	sand.u32 $0x1, s0;
	s0 =	rddreg [dreg:$0x2];
	s9 =	smul.u32 $0x4F000, s1  }
0x6: {  	[smem:$0x7FF] =	sst s3;
	s18 =	sshll.u32 s1, $0x6;
	s4 =	smul.u32 $0x13C000, s6  }
0x7: {  	_ =	strace $0x8000004A;
	s29 =	ssub.s32 $0x2, s6;
	s12 =	smul.u32 $0x4F0, s6  }
0x8: {  	s18 =	sor.u32 $0x1C02, s18;
	s10 =	sadd.s32 s8, s5;
	s30 =	sshrl.u32 s9, $0x2  }
0x9: {  	s31 =	sshrl.u32 s29, $0x1;
	s7 =	sadd.s32 s7, s4;
	s4 =	sadd.s32 $0x65A00, s5  }
0xa: {  	s13 =	ssub.s32 s29, s31;
	s14 =	sadd.s32 s12, s10;
	s7 =	sshrl.u32 s7, $0x3  }
0xb: {  	s12 =	sadd.s32 $0x2E00, s14;
	s11 =	sadd.s32 s7, s5;
	s5 =	sadd.s32 s30, s2  }
0xc: {  	s6 =	sadd.s32 $0x4000, s5;
	s7 =	sadd.s32 $0x8000, s5;
	s8 =	sadd.s32 $0xC000, s5  }
0xd: {  	s9 =	sadd.s32 $0x10000, s5;
	s10 =	sadd.s32 $0x8D200, s11;
	s11 =	smax.u32 s13, $0x1  }
0xe: {  	v0 =	vimm.f32 $0.0e+00;
	s13 =	sadd.s32 $0x5BC00, s14;
	s14 =	simm.s32 $0x100;
	s19 =	sshrl.u32 s5, $0x3  }
.LBB2_1:
0xf: {  	s21 =	simm.s32 $0x0;
	s22 =	simm.s32 $0x200  }
.LBB2_2:
0x10: {  	p0 =	sne.s32 s22, $0xFE00;
	[tilespmem:s21+$0x170] =	vst v0  }
0x11: {  	[tilespmem:s21+$0x100] =	vst v0  }
0x12: {  	[tilespmem:s21+$0x110] =	vst v0  }
.Ltmp0:
0x13: {  	[tilespmem:s21+$0x120] =	vst v0;
	(pc) =	sbr.rel @p0 .LBB2_2-.Ltmp0, $4  }
0x14: {  	[tilespmem:s21+$0x130] =	vst v0  }
0x15: {  	[tilespmem:s21+$0x140] =	vst v0  }
0x16: {  	[tilespmem:s21+$0x150] =	vst v0  }
0x17: {  	[tilespmem:s21+$0x160] =	vst v0;
	s21 =	sshra.s32 s22, $0x2;
	s22 =	sadd.s32 $0x200, s22  }
0x18: {  	[tilespmem:s21+$0x170] =	vst v0  }
0x19: {  	[tilespmem:s21+$0x100] =	vst v0  }
0x1a: {  	[tilespmem:s21+$0x110] =	vst v0  }
0x1b: {  	[tilespmem:s21+$0x120] =	vst v0  }
0x1c: {  	[tilespmem:s21+$0x130] =	vst v0  }
0x1d: {  	[tilespmem:s21+$0x140] =	vst v0  }
0x1e: {  	[tilespmem:s21+$0x150] =	vst v0  }
0x1f: {  	[tilespmem:s21+$0x160] =	vst v0  }
0x20: {  	[spmem:s5] =	stream.linear.scatter [tilespmem:s14], [sflag:$0x2], $0x4000, $0x38;
	[tilespmem:$0x17D00] =	vst v63  }
0x21: {  	_ =	swait.ge [sflag:s15], $0x4000  }
0x22: {  	[sflag:s15] =	ssyncset.done $0x0  }
0x23: {  	[sflag:s15] =	ssyncadd.s32 $0xFFFFC000  }
0x24: {  	[spmem:s6] =	stream.linear.scatter [tilespmem:s14], [sflag:$0x2], $0x4000, $0x38;
	[tilespmem:$0x17D00] =	vst v63  }
0x25: {  	_ =	swait.ge [sflag:s15], $0x4000  }
0x26: {  	[sflag:s15] =	ssyncset.done $0x0  }
0x27: {  	[sflag:s15] =	ssyncadd.s32 $0xFFFFC000  }
0x28: {  	[spmem:s7] =	stream.linear.scatter [tilespmem:s14], [sflag:$0x2], $0x4000, $0x38;
	[tilespmem:$0x17D00] =	vst v63  }
0x29: {  	_ =	swait.ge [sflag:s15], $0x4000  }
0x2a: {  	[sflag:s15] =	ssyncset.done $0x0  }
0x2b: {  	[sflag:s15] =	ssyncadd.s32 $0xFFFFC000  }
0x2c: {  	[spmem:s8] =	stream.linear.scatter [tilespmem:s14], [sflag:$0x2], $0x4000, $0x38;
	[tilespmem:$0x17D00] =	vst v63  }
0x2d: {  	_ =	swait.ge [sflag:s15], $0x4000  }
0x2e: {  	[sflag:s15] =	ssyncset.done $0x0  }
0x2f: {  	[sflag:s15] =	ssyncadd.s32 $0xFFFFC000  }
0x30: {  	[spmem:s9] =	stream.linear.scatter [tilespmem:s14], [sflag:$0x2], $0x3C00, $0x38;
	[tilespmem:$0x17D00] =	vst v63  }
0x31: {  	_ =	swait.ge [sflag:s15], $0x3C00  }
0x32: {  	[sflag:s15] =	ssyncset.done $0x0  }
0x33: {  	[sflag:s15] =	ssyncadd.s32 $0xFFFFC400  }
0x34: {  	s30 =	sadd.s32 $0x0, s13;
	[bflag:$0x0] =	sbarrier.arrive $0xFFFF  }
0x35: {  	[tilespmem:s3], [sflag:$0x2] =	stream.linear.gather [hbm4b:s30+s3], $0x80, $0x38;
	[tilespmem:$0x17D00] =	vst v63  }
0x36: {  	_ =	swait.ge [sflag:s15], $0x80  }
0x37: {  	[sflag:s15] =	ssyncset.done $0x0  }
0x38: {  	s31 =	sadd.s32 $0x0, s12;
	[sflag:s15] =	ssyncadd.s32 $0xFFFFFF80  }
0x39: {  	[tilespmem:s16], [sflag:$0x2] =	stream.linear.gather [hbm4b:s31+s3], $0x80, $0x38;
	[tilespmem:$0x17D00] =	vst v63  }
0x3a: {  	_ =	swait.ge [sflag:s15], $0x80  }
0x3b: {  	[sflag:s15] =	ssyncset.done $0x0  }
0x3c: {  	[sflag:s15] =	ssyncadd.s32 $0xFFFFFF80  }
0x3d: {  	[tilespmem:s14], [sflag:$0x1] =	stream.indirect.gather [hbm4b:s4+s16], $0x80, s3, s16, $0xb8;
	[tilespmem:$0x17D00] =	vst v63  }
0x3e: {  	_ =	swait.ge [sflag:s17], $0x4000  }
0x3f: {  	[sflag:s17] =	ssyncset.done $0x0  }
0x40: {  	[sflag:s17] =	ssyncadd.s32 $0xFFFFC000  }
0x41: {  	[spmem:s2] =	stream.indirect.scatter.add.f32 [tilespmem:s14], [sflag:$0x2], $0x80, s16, s16, $0xb8;
	[tilespmem:$0x17D00] =	vst v63  }
0x42: {  	_ =	swait.ge [sflag:s15], $0x4000  }
0x43: {  	s21 =	simm.s32 $0x10;
	s22 =	simm.s32 $0x20;
	[sflag:s15] =	ssyncset.done $0x0  }
.LBB2_4:
0x44: {  	s23 =	sadd.s32 s21, s13  }
0x45: {  	[sflag:s15] =	ssyncadd.s32 $0xFFFFC000;
	s24 =	smov.u32 s22;
	s25 =	sadd.s32 $0x10, s22  }
0x46: {  	[tilespmem:s3], [sflag:$0x2] =	stream.linear.gather [hbm4b:s23+s3], $0x80, $0x38;
	[tilespmem:$0x17D00] =	vst v63  }
0x47: {  	p0 =	sne.s32 s22, $0x4E0;
	_ =	swait.ge [sflag:s15], $0x80  }
0x48: {  	[sflag:s15] =	ssyncset.done $0x0  }
0x49: {  	s22 =	sadd.s32 s21, s12;
	s21 =	smov.u32 s24;
	[sflag:s15] =	ssyncadd.s32 $0xFFFFFF80  }
0x4a: {  	[tilespmem:s16], [sflag:$0x2] =	stream.linear.gather [hbm4b:s22+s3], $0x80, $0x38;
	[tilespmem:$0x17D00] =	vst v63  }
0x4b: {  	_ =	swait.ge [sflag:s15], $0x80  }
0x4c: {  	[sflag:s15] =	ssyncset.done $0x0  }
0x4d: {  	[sflag:s15] =	ssyncadd.s32 $0xFFFFFF80  }
0x4e: {  	[tilespmem:s14], [sflag:$0x1] =	stream.indirect.gather [hbm4b:s4+s16], $0x80, s3, s16, $0xb8;
	[tilespmem:$0x17D00] =	vst v63  }
0x4f: {  	_ =	swait.ge [sflag:s17], $0x4000  }
.Ltmp1:
0x50: {  	[sflag:s17] =	ssyncset.done $0x0;
	(pc) =	sbr.rel @p0 .LBB2_4-.Ltmp1, $4  }
0x51: {  	[sflag:s17] =	ssyncadd.s32 $0xFFFFC000  }
0x52: {  	[spmem:s2] =	stream.indirect.scatter.add.f32 [tilespmem:s14], [sflag:$0x2], $0x80, s16, s16, $0xb8;
	[tilespmem:$0x17D00] =	vst v63  }
0x53: {  	_ =	swait.ge [sflag:s15], $0x4000  }
0x54: {  	s22 =	smov.u32 s25;
	[sflag:s15] =	ssyncset.done $0x0  }
0x55: {  	s22 =	sadd.s32 s21, s13;
	[sflag:s15] =	ssyncadd.s32 $0xFFFFC000  }
0x56: {  	[tilespmem:s3], [sflag:$0x2] =	stream.linear.gather [hbm4b:s22+s3], $0x80, $0x38;
	[tilespmem:$0x17D00] =	vst v63  }
0x57: {  	_ =	swait.ge [sflag:s15], $0x80  }
0x58: {  	[sflag:s15] =	ssyncset.done $0x0  }
0x59: {  	s31 =	sadd.s32 s21, s12;
	[sflag:s15] =	ssyncadd.s32 $0xFFFFFF80  }
0x5a: {  	[tilespmem:s16], [sflag:$0x2] =	stream.linear.gather [hbm4b:s31+s3], $0x80, $0x38;
	[tilespmem:$0x17D00] =	vst v63  }
0x5b: {  	_ =	swait.ge [sflag:s15], $0x80  }
0x5c: {  	[sflag:s15] =	ssyncset.done $0x0  }
0x5d: {  	[sflag:s15] =	ssyncadd.s32 $0xFFFFFF80  }
0x5e: {  	[tilespmem:s14], [sflag:$0x1] =	stream.indirect.gather [hbm4b:s4+s16], $0x80, s3, s16, $0xb8;
	[tilespmem:$0x17D00] =	vst v63  }
0x5f: {  	_ =	swait.ge [sflag:s17], $0x4000  }
0x60: {  	[sflag:s17] =	ssyncset.done $0x0  }
0x61: {  	[sflag:s17] =	ssyncadd.s32 $0xFFFFC000  }
0x62: {  	[spmem:s2] =	stream.indirect.scatter.add.f32 [tilespmem:s14], [sflag:$0x2], $0x80, s16, s16, $0xb8;
	[tilespmem:$0x17D00] =	vst v63  }
0x63: {  	_ =	swait.ge [sflag:s15], $0x4000  }
0x64: {  	s20 =	sadd.s32 $0x1, s20;
	[sflag:s15] =	ssyncset.done $0x0  }
0x65: {  	p0 =	sne.s32 s20, s11;
	[sflag:s15] =	ssyncadd.s32 $0xFFFFC000  }
.Ltmp2:
0x66: {  	[bflag:$0x0] =	sbarrier.arrive $0xFFFF;
	(pc) =	sbr.rel @p0 .LBB2_1-.Ltmp2, $4  }
0x67: {  	[hbm:s10], [sflag:s18] =	dma.local [spmem:s19], $0x2780  }
0x68: {  	_ =	swait.ge [sflag:s15], $0x2780  }
0x69: {  	[sflag:s15] =	ssyncset.done $0x0  }
0x6a: {  	[sflag:s15] =	ssyncadd.s32 $0xFFFFD880  }
0x6b: {  	_ =	sfence.sel $0x180000  }
0x6c: {  	[bflag:$0x0] =	sbarrier.arrive $0xFFFF  }
0x6d: {  	p0 =	sne.s32 s1, $0x0;
	_ =	strace $0x9000004A  }
0x6e: {  	s0 =	sadd.s32 @!p0 $0x100000, s0;
	[bflag:$0x2] =	sbarrier.arrive $0xFFFF  }
0x6f: {  	[sflag:s0] =	ssyncadd.tile.s32 @!p0 $0x1;
	_ =	shalt  }
.Lfunc_end2:
_tile_overlayer_lowered:
.L_overlay_start_2:
0x70: {  	(tag) =	ssettag $0x2  }
0x71: {  	s0 =	rddreg [dreg:$0x0];
	s2 =	stileid.u32  }
0x72: {  	s1 =	rddreg [dreg:$0x1];
	p0 =	sne.s32 s2, $0x0  }
0x73: {  	s3 =	rddreg [dreg:$0x2];
	[bflag:$0x3] =	sbarrier.arrive $0xFFFF;
	s2 =	simm.s32 @!p0 $0x1C02  }
0x74: {  	[timem:s3], [sflag:s2] =	dma.local @!p0 [hbm:s0], s1  }
0x75: {  	s0 =	simm.s32 @!p0 $0x2  }
0x76: {  	_ =	swait.ge @!p0 [sflag:s0], s1  }
0x77: {  	s1 =	ssub.s32 @!p0 $0x0, s1;
	[sflag:s0] =	ssyncset.done @!p0 $0x0  }
0x78: {  	[sflag:s0] =	ssyncadd.s32 @!p0 s1  }
0x79: {  	[bflag:$0x3] =	sbarrier.arrive $0xFFFF  }
0x7a: {  	_ =	shalt  }

// kernel: kernel.18.cloned.1.call-start
scs
__scs_entry_jumppad:
0x0: {  	(pc) =	sbr.rel $0x88, $3  }
0x1: {  	(tag) =	ssettag $0x0;
	lr =	simm.s32 $0x1  }
0x2: {  	[smem:$0x3F97] =	sst lr;
	_ =	strace $0xD0000000  }
0x3: {  	_ = 	snop  }
0x4: {  	_ = 	snop  }
0x5: {  	_ = 	snop  }
0x6: {  	_ = 	snop  }
0x7: {  	_ = 	snop  }
__scs_overlays_trampoline_lowered:
0x8: {  	[smem:$0x3FA6] =	sst s0  }
0x9: {  	[smem:$0x3FA7] =	sst s1  }
0xa: {  	[smem:$0x3FA8] =	sst s2  }
0xb: {  	[smem:$0x3FA9] =	sst s3  }
0xc: {  	[smem:$0x3FAA] =	sst s4  }
0xd: {  	[smem:$0x3FAB] =	sst s5  }
0xe: {  	[smem:$0x3FAC] =	sst s6  }
0xf: {  	[smem:$0x3FAD] =	sst s7  }
0x10: {  	[smem:$0x3FAE] =	sst s8  }
0x11: {  	[smem:$0x3FAF] =	sst s9;
	s0 =	simm.s32 @!p0 $0x0  }
0x12: {  	s1 =	sld [smem:$0x3F95];
	s0 =	simm.s32 @p0 $0x1  }
0x13: {  	[smem:$0x3FB0] =	sst s0;
	s0 =	simm.s32 @!p1 $0x0  }
0x14: {  	s2 =	sld [smem:$0x3F94];
	s0 =	simm.s32 @p1 $0x1  }
0x15: {  	[smem:$0x3FB1] =	sst s0;
	s0 =	simm.s32 @!p2 $0x0  }
0x16: {  	s3 =	sld [smem:$0x3FDB];
	s0 =	simm.s32 @p2 $0x1  }
0x17: {  	s4 =	simm.s32 $0x1BF5;
	[smem:$0x3FB3] =	sst s0  }
0x18: {  	s0 =	sld [smem:$0x3F96];
	_ =	swait.ge [sflag:s4], $0x0  }
0x19: {  	s7 =	sld [smem:$0x3F97]  }
0x1a: {  	s8 =	sadd.s32 $0xFFFFE003, lr  }
0x1b: {  	s9 =	sadd.s32 $0xFFFFFEF7, lr;
	s5 =	simm.s32 $0xFFFFFFFF;
	p2 =	slt.u32 s8, $0xFFFFF086  }
0x1c: {  	p1 =	slt.u32 s9, $0xF7A;
	s5 =	simm.s32 @!p2 $0x0  }
0x1d: {  	s5 =	simm.s32 @p1 $0x1;
	p0 =	seq.s32 s7, s2  }
0x1e: {  	s7 =	smul.u32 @!p0 $0xF7A, s2;
	p2 =	seq.s32 @!p0 s5, $0x0  }
0x1f: {  	s9 =	smul.u32 $0xF7A, s1;
	s8 =	simm.s32 @!p0 $0x1BF5;
	p2 =	por !p2, p0  }
0x20: {  	[sflag:s8] =	ssyncset.s32 @!p0 $0xFFFFF086;
	s6 =	sadd.s32 @!p0 s3, s7;
	s7 =	simm.s32 @!p0 $0x108  }
0x21: {  	s3 =	sadd.s32 s3, s9;
	s6 =	sadd.s32 @!p0 $0x88, s6;
	s7 =	simm.s32 @p2 $0x1082  }
0x22: {  	[simem:s7], [sflag:s8] =	dma.local @!p0 [hbm:s6], $0xF7A  }
0x23: {  	s9 =	sor.u32 $0xD0000000, s2;
	s6 =	simm.s32 $0x108;
	_ =	swait.ge @!p0 [sflag:s8], $0x0  }
0x24: {  	s3 =	sadd.s32 $0x88, s3;
	s6 =	simm.s32 @!p1 $0x1082;
	[sflag:s4] =	ssyncset.s32 $0xFFFFF086  }
0x25: {  	[simem:s6], [sflag:s4] =	dma.local [hbm:s3], $0xF7A  }
0x26: {  	[smem:$0x3F97] =	sst s1;
	(tag) =	ssettag s2;
	_ =	strace s9  }
0x27: {  	s1 =	sld [smem:$0x3FA7]  }
0x28: {  	s2 =	sld [smem:$0x3FA8]  }
0x29: {  	s4 =	sld [smem:$0x3FAA]  }
0x2a: {  	p0 =	seq.s32 s5, $0x0;
	s5 =	sld [smem:$0x3FAB]  }
0x2b: {  	s6 =	sld [smem:$0x3FAC]  }
0x2c: {  	s7 =	sld [smem:$0x3FAD]  }
0x2d: {  	s3 =	simm.s32 $0x108;
	s8 =	sld [smem:$0x3FAE]  }
0x2e: {  	s3 =	simm.s32 @!p0 $0x1082;
	s9 =	sld [smem:$0x3FAF]  }
0x2f: {  	lr =	sadd.s32 s0, s3;
	s0 =	sld [smem:$0x3FA6]  }
0x30: {  	s3 =	sld [smem:$0x3FA9]  }
0x31: {  	[smem:$0x3FB2] =	sst s10  }
0x32: {  	s10 =	sld [smem:$0x3FB0];
	_ =	sdelay $0x3  }
0x33: {  	p0 =	seq.s32 s10, $0x1;
	s10 =	sld [smem:$0x3FB2];
	_ =	sdelay $0x3  }
0x34: {  	[smem:$0x3FB2] =	sst s10  }
0x35: {  	s10 =	sld [smem:$0x3FB1];
	_ =	sdelay $0x3  }
0x36: {  	p1 =	seq.s32 s10, $0x1;
	s10 =	sld [smem:$0x3FB2];
	_ =	sdelay $0x3  }
0x37: {  	[smem:$0x3FB2] =	sst s10  }
0x38: {  	s10 =	sld [smem:$0x3FB3]  }
0x39: {  	_ = 	snop;
	(pc) =	sbr.ind lr, $3  }
0x3a: {  	_ = 	snop  }
0x3b: {  	_ = 	snop  }
0x3c: {  	p2 =	seq.s32 s10, $0x1;
	s10 =	sld [smem:$0x3FB2]  }
0x3d: {  	_ =	shalt  }
0x3e: {  	_ =	shalt  }
0x3f: {  	_ =	shalt  }
0x40: {  	_ =	shalt  }
0x41: {  	_ =	shalt  }
0x42: {  	_ =	shalt  }
0x43: {  	_ =	shalt  }
0x44: {  	_ =	shalt  }
0x45: {  	_ =	shalt  }
0x46: {  	_ =	shalt  }
0x47: {  	_ =	shalt  }
0x48: {  	_ =	shalt  }
0x49: {  	_ =	shalt  }
0x4a: {  	_ =	shalt  }
0x4b: {  	_ =	shalt  }
0x4c: {  	_ =	shalt  }
0x4d: {  	_ =	shalt  }
0x4e: {  	_ =	shalt  }
0x4f: {  	_ =	shalt  }
0x50: {  	_ =	shalt  }
0x51: {  	_ =	shalt  }
0x52: {  	_ =	shalt  }
0x53: {  	_ =	shalt  }
0x54: {  	_ =	shalt  }
0x55: {  	_ =	shalt  }
0x56: {  	_ =	shalt  }
0x57: {  	_ =	shalt  }
0x58: {  	_ =	shalt  }
0x59: {  	_ =	shalt  }
0x5a: {  	_ =	shalt  }
0x5b: {  	_ =	shalt  }
0x5c: {  	_ =	shalt  }
0x5d: {  	_ =	shalt  }
0x5e: {  	_ =	shalt  }
0x5f: {  	_ =	shalt  }
0x60: {  	_ =	shalt  }
0x61: {  	_ =	shalt  }
0x62: {  	_ =	shalt  }
0x63: {  	_ =	shalt  }
0x64: {  	_ =	shalt  }
0x65: {  	_ =	shalt  }
0x66: {  	_ =	shalt  }
0x67: {  	_ =	shalt  }
0x68: {  	_ =	shalt  }
0x69: {  	_ =	shalt  }
0x6a: {  	_ =	shalt  }
0x6b: {  	_ =	shalt  }
0x6c: {  	_ =	shalt  }
0x6d: {  	_ =	shalt  }
0x6e: {  	_ =	shalt  }
0x6f: {  	_ =	shalt  }
0x70: {  	_ =	shalt  }
0x71: {  	_ =	shalt  }
0x72: {  	_ =	shalt  }
0x73: {  	_ =	shalt  }
0x74: {  	_ =	shalt  }
0x75: {  	_ =	shalt  }
0x76: {  	_ =	shalt  }
0x77: {  	_ =	shalt  }
0x78: {  	_ =	shalt  }
0x79: {  	_ =	shalt  }
0x7a: {  	_ =	shalt  }
0x7b: {  	_ =	shalt  }
0x7c: {  	_ =	shalt  }
0x7d: {  	_ =	shalt  }
0x7e: {  	_ =	shalt  }
0x7f: {  	_ =	shalt  }
0x80: {  	_ =	shalt  }
0x81: {  	_ =	shalt  }
0x82: {  	_ =	shalt  }
0x83: {  	_ =	shalt  }
0x84: {  	_ =	shalt  }
0x85: {  	_ =	shalt  }
0x86: {  	_ =	shalt  }
0x87: {  	_ =	shalt  }
.Lfunc_end0:
.L_simem_size_0:
called_computation.3_lowered:
.L_overlay_start_0:
0x88: {  	s2 =	sld [smem:$0x3FD9]  }
0x89: {  	s3 =	sld [smem:$0x3FFE];
	_ =	sdelay $0x1  }
0x8a: {  	s1 =	srdreg.scid  }
0x8b: {  	s0 =	sand.u32 $0x1, s1  }
0x8c: {  	s16 =	sshll.u32 s0, $0xA;
	s2 =	sadd.s32 s3, s2  }
0x8d: {  	s2 =	sadd.s32 s2, s16  }
0x8e: {  	[smem:$0x3FBE] =	sst s2  }
0x8f: {  	_ = 	snop  }
0x90: {  	(tm) =	ssettm $0x1  }
0x91: {  	s17 =	sld [smem:$0x3FFB];
	_ =	sdelay $0x3  }
0x92: {  	_ =	strace s17  }
0x93: {  	s2 =	sld [smem:$0x3FFC];
	_ =	sdelay $0x3  }
0x94: {  	_ =	strace s2  }
0x95: {  	s2 =	sld [smem:$0x3FFD];
	_ =	sdelay $0x3  }
0x96: {  	_ =	strace s2  }
0x97: {  	_ =	strace $0x8FFFFFFF  }
0x98: {  	s18 =	sld [smem:$0x3FDB];
	_ =	sdelay $0x1  }
0x99: {  	s19 =	simm.s32 $_scs_section_size  }
0x9a: {  	s4 =	simm.s32 $_size__tile_overlayer_lowered;
	s5 =	simm.s32 $_tile_overlayer_lowered  }
0x9b: {  	s22 =	simm.s32 $0x1BFF;
	s21 =	sshll.u32 s5, $0x1;
	s2 =	sadd.s32 s19, s18  }
0x9c: {  	s6 =	simm.s32 $0x0;
	s20 =	sshll.u32 s4, $0x1;
	s4 =	sadd.s32 s21, s2  }
0x9d: {  	[timem:s6], [sflag:s22] =	dma.local [hbm:s4], s20  }
0x9e: {  	_ =	swait.ge [sflag:s22], s20  }
0x9f: {  	s3 =	ssub.s32 $0x0, s20;
	[sflag:s22] =	ssyncset.done $0x0  }
0xa0: {  	[sflag:s22] =	ssyncadd.s32 s3;
	_ =	sdelay $0x1  }
0xa1: {  	s23 =	simm.s32 $0x1B8B  }
0xa2: {  	_ =	swait.ge [sflag:s23], $0x1  }
0xa3: {  	[sflag:s23] =	ssyncset.done $0x0  }
0xa4: {  	s25 =	simm.s32 $0x1B8E;
	s24 =	sld [smem:$0x3FFE];
	[sflag:s23] =	ssyncadd.s32 $0xFFFFFFFF  }
0xa5: {  	s26 =	simm.s32 $execute0_lowered;
	[smem:$0x3FD2] =	sst s25  }
0xa6: {  	s4 =	sshll.u32 s26, $0x1;
	_ =	strace $0x8000004F;
	[dreg:$0x1] =	wrdreg $0xFFFFFFFF  }
0xa7: {  	s28 =	simm.s32 $_size_execute0_lowered;
	s2 =	sadd.s32 s2, s4;
	[dreg:$0x0] =	wrdreg $0x0  }
0xa8: {  	s4 =	sshll.u32 s28, $0x1;
	[dreg:$0x2] =	wrdreg s2  }
0xa9: {  	[dreg:$0x3] =	wrdreg s4  }
0xaa: {  	[dreg:$0x4] =	wrdreg $0xC0  }
0xab: {  	_ =	task [dreg:s6], $0x5FFFF  }
0xac: {  	[dreg:$0x1] =	wrdreg $0xFFFFFFFF  }
0xad: {  	[dreg:$0x0] =	wrdreg $0x60  }
0xae: {  	[dreg:$0x2] =	wrdreg s24  }
0xaf: {  	[dreg:$0x3] =	wrdreg $0x41000  }
0xb0: {  	[dreg:$0x4] =	wrdreg $0x9  }
0xb1: {  	_ =	task.clear_ibuf [dreg:s6], $0x5FFFF;
	_ =	strace $0x9000004F  }
0xb2: {  	s29 =	simm.s32 $0x9;
	_ =	strace $0x80000051  }
0xb3: {  	_ =	swait.ge [sflag:s29], $0x1  }
0xb4: {  	[sflag:s29] =	ssyncadd.s32 $0xFFFFFFFF  }
0xb5: {  	_ =	strace $0x90000051  }
0xb6: {  	_ =	sfence  }
0xb7: {  	s30 =	sld [smem:$0x0];
	_ =	sdelay $0x2  }
0xb8: {  	s31 =	sshll.u32 s1, $0xD;
	s1 =	sshrl.u32 s1, $0x2  }
0xb9: {  	s3 =	sand.u32 $0x4000, s31;
	s1 =	sadd.s32 s1, s30  }
0xba: {  	s0 =	sor.u32 s3, s0;
	s1 =	sshll.u32 s1, $0x11  }
0xbb: {  	s0 =	sor.u32 s1, s0  }
0xbc: {  	s0 =	sadd.s32 $0x8F2B, s0  }
0xbd: {  	[sflag:s0] =	ssyncadd.remote.s32 $0x1  }
0xbe: {  	_ =	sfence.sel $0xFFFF  }
0xbf: {  	[dreg:$0x0] =	wrdreg $0xFFFFFFFF;
	(pc) =	sbr.abs _section_cstart, $3  }
0xc0: {  	[dreg:$0x1] =	wrdreg $0xFFFFFFFF  }
0xc1: {  	_ =	task.clear_ibuf [dreg:s6], $0x2FFFF;
	_ =	strace $0x9FFFFFFF  }
0xc2: {  	(tm) =	ssettm $0x7FFFFFFF  }
0xc3: {  	_ =	shalt  }
tec
execute0_lowered:
.L_overlay_start_1:
0x0: {  	(tag) =	ssettag $0x1  }
0x1: {  	s5 =	rddreg [dreg:$0x0];
	s0 =	srdreg.scid  }
0x2: {  	s2 =	rddreg [dreg:$0x1];
	s1 =	stileid.u32;
	s3 =	simm.s32 $0x0  }
0x3: {  	s15 =	simm.s32 $0x2;
	s16 =	simm.s32 $0x80;
	s7 =	smul.u32 $0x13C00, s1  }
0x4: {  	s17 =	simm.s32 $0x1;
	s20 =	simm.s32 $0x0;
	s8 =	smul.u32 $0x9E0, s1  }
0x5: {  	s6 =	sand.u32 $0x1, s0;
	s0 =	rddreg [dreg:$0x2];
	s9 =	smul.u32 $0x4F000, s1  }
0x6: {  	[smem:$0x7FF] =	sst s3;
	s18 =	sshll.u32 s1, $0x6;
	s4 =	smul.u32 $0x13C000, s6  }
0x7: {  	_ =	strace $0x80000050;
	s29 =	ssub.s32 $0x2, s6;
	s12 =	smul.u32 $0x4F0, s6  }
0x8: {  	s18 =	sor.u32 $0x1C02, s18;
	s10 =	sadd.s32 s8, s5;
	s30 =	sshrl.u32 s9, $0x2  }
0x9: {  	s31 =	sshrl.u32 s29, $0x1;
	s7 =	sadd.s32 s7, s4;
	s4 =	sadd.s32 $0x65A00, s5  }
0xa: {  	s13 =	ssub.s32 s29, s31;
	s14 =	sadd.s32 s12, s10;
	s7 =	sshrl.u32 s7, $0x3  }
0xb: {  	s12 =	sadd.s32 $0x2E00, s14;
	s11 =	sadd.s32 s7, s5;
	s5 =	sadd.s32 s30, s2  }
0xc: {  	s6 =	sadd.s32 $0x4000, s5;
	s7 =	sadd.s32 $0x8000, s5;
	s8 =	sadd.s32 $0xC000, s5  }
0xd: {  	s9 =	sadd.s32 $0x10000, s5;
	s10 =	sadd.s32 $0x8D200, s11;
	s11 =	smax.u32 s13, $0x1  }
0xe: {  	v0 =	vimm.f32 $0.0e+00;
	s13 =	sadd.s32 $0x5BC00, s14;
	s14 =	simm.s32 $0x100;
	s19 =	sshrl.u32 s5, $0x3  }
.LBB2_1:
0xf: {  	s21 =	simm.s32 $0x0;
	s22 =	simm.s32 $0x200  }
.LBB2_2:
0x10: {  	p0 =	sne.s32 s22, $0xFE00;
	[tilespmem:s21+$0x170] =	vst v0  }
0x11: {  	[tilespmem:s21+$0x100] =	vst v0  }
0x12: {  	[tilespmem:s21+$0x110] =	vst v0  }
.Ltmp0:
0x13: {  	[tilespmem:s21+$0x120] =	vst v0;
	(pc) =	sbr.rel @p0 .LBB2_2-.Ltmp0, $4  }
0x14: {  	[tilespmem:s21+$0x130] =	vst v0  }
0x15: {  	[tilespmem:s21+$0x140] =	vst v0  }
0x16: {  	[tilespmem:s21+$0x150] =	vst v0  }
0x17: {  	[tilespmem:s21+$0x160] =	vst v0;
	s21 =	sshra.s32 s22, $0x2;
	s22 =	sadd.s32 $0x200, s22  }
0x18: {  	[tilespmem:s21+$0x170] =	vst v0  }
0x19: {  	[tilespmem:s21+$0x100] =	vst v0  }
0x1a: {  	[tilespmem:s21+$0x110] =	vst v0  }
0x1b: {  	[tilespmem:s21+$0x120] =	vst v0  }
0x1c: {  	[tilespmem:s21+$0x130] =	vst v0  }
0x1d: {  	[tilespmem:s21+$0x140] =	vst v0  }
0x1e: {  	[tilespmem:s21+$0x150] =	vst v0  }
0x1f: {  	[tilespmem:s21+$0x160] =	vst v0  }
0x20: {  	[spmem:s5] =	stream.linear.scatter [tilespmem:s14], [sflag:$0x2], $0x4000, $0x38;
	[tilespmem:$0x17D00] =	vst v63  }
0x21: {  	_ =	swait.ge [sflag:s15], $0x4000  }
0x22: {  	[sflag:s15] =	ssyncset.done $0x0  }
0x23: {  	[sflag:s15] =	ssyncadd.s32 $0xFFFFC000  }
0x24: {  	[spmem:s6] =	stream.linear.scatter [tilespmem:s14], [sflag:$0x2], $0x4000, $0x38;
	[tilespmem:$0x17D00] =	vst v63  }
0x25: {  	_ =	swait.ge [sflag:s15], $0x4000  }
0x26: {  	[sflag:s15] =	ssyncset.done $0x0  }
0x27: {  	[sflag:s15] =	ssyncadd.s32 $0xFFFFC000  }
0x28: {  	[spmem:s7] =	stream.linear.scatter [tilespmem:s14], [sflag:$0x2], $0x4000, $0x38;
	[tilespmem:$0x17D00] =	vst v63  }
0x29: {  	_ =	swait.ge [sflag:s15], $0x4000  }
0x2a: {  	[sflag:s15] =	ssyncset.done $0x0  }
0x2b: {  	[sflag:s15] =	ssyncadd.s32 $0xFFFFC000  }
0x2c: {  	[spmem:s8] =	stream.linear.scatter [tilespmem:s14], [sflag:$0x2], $0x4000, $0x38;
	[tilespmem:$0x17D00] =	vst v63  }
0x2d: {  	_ =	swait.ge [sflag:s15], $0x4000  }
0x2e: {  	[sflag:s15] =	ssyncset.done $0x0  }
0x2f: {  	[sflag:s15] =	ssyncadd.s32 $0xFFFFC000  }
0x30: {  	[spmem:s9] =	stream.linear.scatter [tilespmem:s14], [sflag:$0x2], $0x3C00, $0x38;
	[tilespmem:$0x17D00] =	vst v63  }
0x31: {  	_ =	swait.ge [sflag:s15], $0x3C00  }
0x32: {  	[sflag:s15] =	ssyncset.done $0x0  }
0x33: {  	[sflag:s15] =	ssyncadd.s32 $0xFFFFC400  }
0x34: {  	s30 =	sadd.s32 $0x0, s13;
	[bflag:$0x0] =	sbarrier.arrive $0xFFFF  }
0x35: {  	[tilespmem:s3], [sflag:$0x2] =	stream.linear.gather [hbm4b:s30+s3], $0x80, $0x38;
	[tilespmem:$0x17D00] =	vst v63  }
0x36: {  	_ =	swait.ge [sflag:s15], $0x80  }
0x37: {  	[sflag:s15] =	ssyncset.done $0x0  }
0x38: {  	s31 =	sadd.s32 $0x0, s12;
	[sflag:s15] =	ssyncadd.s32 $0xFFFFFF80  }
0x39: {  	[tilespmem:s16], [sflag:$0x2] =	stream.linear.gather [hbm4b:s31+s3], $0x80, $0x38;
	[tilespmem:$0x17D00] =	vst v63  }
0x3a: {  	_ =	swait.ge [sflag:s15], $0x80  }
0x3b: {  	[sflag:s15] =	ssyncset.done $0x0  }
0x3c: {  	[sflag:s15] =	ssyncadd.s32 $0xFFFFFF80  }
0x3d: {  	[tilespmem:s14], [sflag:$0x1] =	stream.indirect.gather [hbm4b:s4+s16], $0x80, s3, s16, $0xb8;
	[tilespmem:$0x17D00] =	vst v63  }
0x3e: {  	_ =	swait.ge [sflag:s17], $0x4000  }
0x3f: {  	[sflag:s17] =	ssyncset.done $0x0  }
0x40: {  	[sflag:s17] =	ssyncadd.s32 $0xFFFFC000  }
0x41: {  	[spmem:s2] =	stream.indirect.scatter.add.f32 [tilespmem:s14], [sflag:$0x2], $0x80, s16, s16, $0xb8;
	[tilespmem:$0x17D00] =	vst v63  }
0x42: {  	_ =	swait.ge [sflag:s15], $0x4000  }
0x43: {  	s21 =	simm.s32 $0x10;
	s22 =	simm.s32 $0x20;
	[sflag:s15] =	ssyncset.done $0x0  }
.LBB2_4:
0x44: {  	s23 =	sadd.s32 s21, s13  }
0x45: {  	[sflag:s15] =	ssyncadd.s32 $0xFFFFC000;
	s24 =	smov.u32 s22;
	s25 =	sadd.s32 $0x10, s22  }
0x46: {  	[tilespmem:s3], [sflag:$0x2] =	stream.linear.gather [hbm4b:s23+s3], $0x80, $0x38;
	[tilespmem:$0x17D00] =	vst v63  }
0x47: {  	p0 =	sne.s32 s22, $0x4E0;
	_ =	swait.ge [sflag:s15], $0x80  }
0x48: {  	[sflag:s15] =	ssyncset.done $0x0  }
0x49: {  	s22 =	sadd.s32 s21, s12;
	s21 =	smov.u32 s24;
	[sflag:s15] =	ssyncadd.s32 $0xFFFFFF80  }
0x4a: {  	[tilespmem:s16], [sflag:$0x2] =	stream.linear.gather [hbm4b:s22+s3], $0x80, $0x38;
	[tilespmem:$0x17D00] =	vst v63  }
0x4b: {  	_ =	swait.ge [sflag:s15], $0x80  }
0x4c: {  	[sflag:s15] =	ssyncset.done $0x0  }
0x4d: {  	[sflag:s15] =	ssyncadd.s32 $0xFFFFFF80  }
0x4e: {  	[tilespmem:s14], [sflag:$0x1] =	stream.indirect.gather [hbm4b:s4+s16], $0x80, s3, s16, $0xb8;
	[tilespmem:$0x17D00] =	vst v63  }
0x4f: {  	_ =	swait.ge [sflag:s17], $0x4000  }
.Ltmp1:
0x50: {  	[sflag:s17] =	ssyncset.done $0x0;
	(pc) =	sbr.rel @p0 .LBB2_4-.Ltmp1, $4  }
0x51: {  	[sflag:s17] =	ssyncadd.s32 $0xFFFFC000  }
0x52: {  	[spmem:s2] =	stream.indirect.scatter.add.f32 [tilespmem:s14], [sflag:$0x2], $0x80, s16, s16, $0xb8;
	[tilespmem:$0x17D00] =	vst v63  }
0x53: {  	_ =	swait.ge [sflag:s15], $0x4000  }
0x54: {  	s22 =	smov.u32 s25;
	[sflag:s15] =	ssyncset.done $0x0  }
0x55: {  	s22 =	sadd.s32 s21, s13;
	[sflag:s15] =	ssyncadd.s32 $0xFFFFC000  }
0x56: {  	[tilespmem:s3], [sflag:$0x2] =	stream.linear.gather [hbm4b:s22+s3], $0x80, $0x38;
	[tilespmem:$0x17D00] =	vst v63  }
0x57: {  	_ =	swait.ge [sflag:s15], $0x80  }
0x58: {  	[sflag:s15] =	ssyncset.done $0x0  }
0x59: {  	s31 =	sadd.s32 s21, s12;
	[sflag:s15] =	ssyncadd.s32 $0xFFFFFF80  }
0x5a: {  	[tilespmem:s16], [sflag:$0x2] =	stream.linear.gather [hbm4b:s31+s3], $0x80, $0x38;
	[tilespmem:$0x17D00] =	vst v63  }
0x5b: {  	_ =	swait.ge [sflag:s15], $0x80  }
0x5c: {  	[sflag:s15] =	ssyncset.done $0x0  }
0x5d: {  	[sflag:s15] =	ssyncadd.s32 $0xFFFFFF80  }
0x5e: {  	[tilespmem:s14], [sflag:$0x1] =	stream.indirect.gather [hbm4b:s4+s16], $0x80, s3, s16, $0xb8;
	[tilespmem:$0x17D00] =	vst v63  }
0x5f: {  	_ =	swait.ge [sflag:s17], $0x4000  }
0x60: {  	[sflag:s17] =	ssyncset.done $0x0  }
0x61: {  	[sflag:s17] =	ssyncadd.s32 $0xFFFFC000  }
0x62: {  	[spmem:s2] =	stream.indirect.scatter.add.f32 [tilespmem:s14], [sflag:$0x2], $0x80, s16, s16, $0xb8;
	[tilespmem:$0x17D00] =	vst v63  }
0x63: {  	_ =	swait.ge [sflag:s15], $0x4000  }
0x64: {  	s20 =	sadd.s32 $0x1, s20;
	[sflag:s15] =	ssyncset.done $0x0  }
0x65: {  	p0 =	sne.s32 s20, s11;
	[sflag:s15] =	ssyncadd.s32 $0xFFFFC000  }
.Ltmp2:
0x66: {  	[bflag:$0x0] =	sbarrier.arrive $0xFFFF;
	(pc) =	sbr.rel @p0 .LBB2_1-.Ltmp2, $4  }
0x67: {  	[hbm:s10], [sflag:s18] =	dma.local [spmem:s19], $0x2780  }
0x68: {  	_ =	swait.ge [sflag:s15], $0x2780  }
0x69: {  	[sflag:s15] =	ssyncset.done $0x0  }
0x6a: {  	[sflag:s15] =	ssyncadd.s32 $0xFFFFD880  }
0x6b: {  	_ =	sfence.sel $0x180000  }
0x6c: {  	[bflag:$0x0] =	sbarrier.arrive $0xFFFF  }
0x6d: {  	p0 =	sne.s32 s1, $0x0;
	_ =	strace $0x90000050  }
0x6e: {  	s0 =	sadd.s32 @!p0 $0x100000, s0;
	[bflag:$0x2] =	sbarrier.arrive $0xFFFF  }
0x6f: {  	[sflag:s0] =	ssyncadd.tile.s32 @!p0 $0x1;
	_ =	shalt  }
.Lfunc_end2:
_tile_overlayer_lowered:
.L_overlay_start_2:
0x70: {  	(tag) =	ssettag $0x2  }
0x71: {  	s0 =	rddreg [dreg:$0x0];
	s2 =	stileid.u32  }
0x72: {  	s1 =	rddreg [dreg:$0x1];
	p0 =	sne.s32 s2, $0x0  }
0x73: {  	s3 =	rddreg [dreg:$0x2];
	[bflag:$0x3] =	sbarrier.arrive $0xFFFF;
	s2 =	simm.s32 @!p0 $0x1C02  }
0x74: {  	[timem:s3], [sflag:s2] =	dma.local @!p0 [hbm:s0], s1  }
0x75: {  	s0 =	simm.s32 @!p0 $0x2  }
0x76: {  	_ =	swait.ge @!p0 [sflag:s0], s1  }
0x77: {  	s1 =	ssub.s32 @!p0 $0x0, s1;
	[sflag:s0] =	ssyncset.done @!p0 $0x0  }
0x78: {  	[sflag:s0] =	ssyncadd.s32 @!p0 s1  }
0x79: {  	[bflag:$0x3] =	sbarrier.arrive $0xFFFF  }
0x7a: {  	_ =	shalt  }

// kernel: kernel.9.cloned.1.call-start
scs
__scs_entry_jumppad:
0x0: {  	(pc) =	sbr.rel $0x88, $3  }
0x1: {  	(tag) =	ssettag $0x0;
	lr =	simm.s32 $0x1  }
0x2: {  	[smem:$0x3F97] =	sst lr;
	_ =	strace $0xD0000000  }
0x3: {  	_ = 	snop  }
0x4: {  	_ = 	snop  }
0x5: {  	_ = 	snop  }
0x6: {  	_ = 	snop  }
0x7: {  	_ = 	snop  }
__scs_overlays_trampoline_lowered:
0x8: {  	[smem:$0x3FA6] =	sst s0  }
0x9: {  	[smem:$0x3FA7] =	sst s1  }
0xa: {  	[smem:$0x3FA8] =	sst s2  }
0xb: {  	[smem:$0x3FA9] =	sst s3  }
0xc: {  	[smem:$0x3FAA] =	sst s4  }
0xd: {  	[smem:$0x3FAB] =	sst s5  }
0xe: {  	[smem:$0x3FAC] =	sst s6  }
0xf: {  	[smem:$0x3FAD] =	sst s7  }
0x10: {  	[smem:$0x3FAE] =	sst s8  }
0x11: {  	[smem:$0x3FAF] =	sst s9;
	s0 =	simm.s32 @!p0 $0x0  }
0x12: {  	s1 =	sld [smem:$0x3F95];
	s0 =	simm.s32 @p0 $0x1  }
0x13: {  	[smem:$0x3FB0] =	sst s0;
	s0 =	simm.s32 @!p1 $0x0  }
0x14: {  	s2 =	sld [smem:$0x3F94];
	s0 =	simm.s32 @p1 $0x1  }
0x15: {  	[smem:$0x3FB1] =	sst s0;
	s0 =	simm.s32 @!p2 $0x0  }
0x16: {  	s3 =	sld [smem:$0x3FDB];
	s0 =	simm.s32 @p2 $0x1  }
0x17: {  	s4 =	simm.s32 $0x1BF5;
	[smem:$0x3FB3] =	sst s0  }
0x18: {  	s0 =	sld [smem:$0x3F96];
	_ =	swait.ge [sflag:s4], $0x0  }
0x19: {  	s7 =	sld [smem:$0x3F97]  }
0x1a: {  	s8 =	sadd.s32 $0xFFFFE003, lr  }
0x1b: {  	s9 =	sadd.s32 $0xFFFFFEF7, lr;
	s5 =	simm.s32 $0xFFFFFFFF;
	p2 =	slt.u32 s8, $0xFFFFF086  }
0x1c: {  	p1 =	slt.u32 s9, $0xF7A;
	s5 =	simm.s32 @!p2 $0x0  }
0x1d: {  	s5 =	simm.s32 @p1 $0x1;
	p0 =	seq.s32 s7, s2  }
0x1e: {  	s7 =	smul.u32 @!p0 $0xF7A, s2;
	p2 =	seq.s32 @!p0 s5, $0x0  }
0x1f: {  	s9 =	smul.u32 $0xF7A, s1;
	s8 =	simm.s32 @!p0 $0x1BF5;
	p2 =	por !p2, p0  }
0x20: {  	[sflag:s8] =	ssyncset.s32 @!p0 $0xFFFFF086;
	s6 =	sadd.s32 @!p0 s3, s7;
	s7 =	simm.s32 @!p0 $0x108  }
0x21: {  	s3 =	sadd.s32 s3, s9;
	s6 =	sadd.s32 @!p0 $0x88, s6;
	s7 =	simm.s32 @p2 $0x1082  }
0x22: {  	[simem:s7], [sflag:s8] =	dma.local @!p0 [hbm:s6], $0xF7A  }
0x23: {  	s9 =	sor.u32 $0xD0000000, s2;
	s6 =	simm.s32 $0x108;
	_ =	swait.ge @!p0 [sflag:s8], $0x0  }
0x24: {  	s3 =	sadd.s32 $0x88, s3;
	s6 =	simm.s32 @!p1 $0x1082;
	[sflag:s4] =	ssyncset.s32 $0xFFFFF086  }
0x25: {  	[simem:s6], [sflag:s4] =	dma.local [hbm:s3], $0xF7A  }
0x26: {  	[smem:$0x3F97] =	sst s1;
	(tag) =	ssettag s2;
	_ =	strace s9  }
0x27: {  	s1 =	sld [smem:$0x3FA7]  }
0x28: {  	s2 =	sld [smem:$0x3FA8]  }
0x29: {  	s4 =	sld [smem:$0x3FAA]  }
0x2a: {  	p0 =	seq.s32 s5, $0x0;
	s5 =	sld [smem:$0x3FAB]  }
0x2b: {  	s6 =	sld [smem:$0x3FAC]  }
0x2c: {  	s7 =	sld [smem:$0x3FAD]  }
0x2d: {  	s3 =	simm.s32 $0x108;
	s8 =	sld [smem:$0x3FAE]  }
0x2e: {  	s3 =	simm.s32 @!p0 $0x1082;
	s9 =	sld [smem:$0x3FAF]  }
0x2f: {  	lr =	sadd.s32 s0, s3;
	s0 =	sld [smem:$0x3FA6]  }
0x30: {  	s3 =	sld [smem:$0x3FA9]  }
0x31: {  	[smem:$0x3FB2] =	sst s10  }
0x32: {  	s10 =	sld [smem:$0x3FB0];
	_ =	sdelay $0x3  }
0x33: {  	p0 =	seq.s32 s10, $0x1;
	s10 =	sld [smem:$0x3FB2];
	_ =	sdelay $0x3  }
0x34: {  	[smem:$0x3FB2] =	sst s10  }
0x35: {  	s10 =	sld [smem:$0x3FB1];
	_ =	sdelay $0x3  }
0x36: {  	p1 =	seq.s32 s10, $0x1;
	s10 =	sld [smem:$0x3FB2];
	_ =	sdelay $0x3  }
0x37: {  	[smem:$0x3FB2] =	sst s10  }
0x38: {  	s10 =	sld [smem:$0x3FB3]  }
0x39: {  	_ = 	snop;
	(pc) =	sbr.ind lr, $3  }
0x3a: {  	_ = 	snop  }
0x3b: {  	_ = 	snop  }
0x3c: {  	p2 =	seq.s32 s10, $0x1;
	s10 =	sld [smem:$0x3FB2]  }
0x3d: {  	_ =	shalt  }
0x3e: {  	_ =	shalt  }
0x3f: {  	_ =	shalt  }
0x40: {  	_ =	shalt  }
0x41: {  	_ =	shalt  }
0x42: {  	_ =	shalt  }
0x43: {  	_ =	shalt  }
0x44: {  	_ =	shalt  }
0x45: {  	_ =	shalt  }
0x46: {  	_ =	shalt  }
0x47: {  	_ =	shalt  }
0x48: {  	_ =	shalt  }
0x49: {  	_ =	shalt  }
0x4a: {  	_ =	shalt  }
0x4b: {  	_ =	shalt  }
0x4c: {  	_ =	shalt  }
0x4d: {  	_ =	shalt  }
0x4e: {  	_ =	shalt  }
0x4f: {  	_ =	shalt  }
0x50: {  	_ =	shalt  }
0x51: {  	_ =	shalt  }
0x52: {  	_ =	shalt  }
0x53: {  	_ =	shalt  }
0x54: {  	_ =	shalt  }
0x55: {  	_ =	shalt  }
0x56: {  	_ =	shalt  }
0x57: {  	_ =	shalt  }
0x58: {  	_ =	shalt  }
0x59: {  	_ =	shalt  }
0x5a: {  	_ =	shalt  }
0x5b: {  	_ =	shalt  }
0x5c: {  	_ =	shalt  }
0x5d: {  	_ =	shalt  }
0x5e: {  	_ =	shalt  }
0x5f: {  	_ =	shalt  }
0x60: {  	_ =	shalt  }
0x61: {  	_ =	shalt  }
0x62: {  	_ =	shalt  }
0x63: {  	_ =	shalt  }
0x64: {  	_ =	shalt  }
0x65: {  	_ =	shalt  }
0x66: {  	_ =	shalt  }
0x67: {  	_ =	shalt  }
0x68: {  	_ =	shalt  }
0x69: {  	_ =	shalt  }
0x6a: {  	_ =	shalt  }
0x6b: {  	_ =	shalt  }
0x6c: {  	_ =	shalt  }
0x6d: {  	_ =	shalt  }
0x6e: {  	_ =	shalt  }
0x6f: {  	_ =	shalt  }
0x70: {  	_ =	shalt  }
0x71: {  	_ =	shalt  }
0x72: {  	_ =	shalt  }
0x73: {  	_ =	shalt  }
0x74: {  	_ =	shalt  }
0x75: {  	_ =	shalt  }
0x76: {  	_ =	shalt  }
0x77: {  	_ =	shalt  }
0x78: {  	_ =	shalt  }
0x79: {  	_ =	shalt  }
0x7a: {  	_ =	shalt  }
0x7b: {  	_ =	shalt  }
0x7c: {  	_ =	shalt  }
0x7d: {  	_ =	shalt  }
0x7e: {  	_ =	shalt  }
0x7f: {  	_ =	shalt  }
0x80: {  	_ =	shalt  }
0x81: {  	_ =	shalt  }
0x82: {  	_ =	shalt  }
0x83: {  	_ =	shalt  }
0x84: {  	_ =	shalt  }
0x85: {  	_ =	shalt  }
0x86: {  	_ =	shalt  }
0x87: {  	_ =	shalt  }
.Lfunc_end0:
.L_simem_size_0:
called_computation_lowered:
.L_overlay_start_0:
0x88: {  	s2 =	sld [smem:$0x3FD9]  }
0x89: {  	s3 =	sld [smem:$0x3FFE];
	_ =	sdelay $0x1  }
0x8a: {  	s1 =	srdreg.scid  }
0x8b: {  	s0 =	sand.u32 $0x1, s1  }
0x8c: {  	s16 =	sshll.u32 s0, $0xA;
	s2 =	sadd.s32 s3, s2  }
0x8d: {  	s2 =	sadd.s32 s2, s16  }
0x8e: {  	[smem:$0x3FBE] =	sst s2  }
0x8f: {  	_ = 	snop  }
0x90: {  	(tm) =	ssettm $0x1  }
0x91: {  	s17 =	sld [smem:$0x3FFB];
	_ =	sdelay $0x3  }
0x92: {  	_ =	strace s17  }
0x93: {  	s2 =	sld [smem:$0x3FFC];
	_ =	sdelay $0x3  }
0x94: {  	_ =	strace s2  }
0x95: {  	s2 =	sld [smem:$0x3FFD];
	_ =	sdelay $0x3  }
0x96: {  	_ =	strace s2  }
0x97: {  	_ =	strace $0x8FFFFFFF  }
0x98: {  	s18 =	sld [smem:$0x3FDB];
	_ =	sdelay $0x1  }
0x99: {  	s19 =	simm.s32 $_scs_section_size  }
0x9a: {  	s4 =	simm.s32 $_size__tile_overlayer_lowered;
	s5 =	simm.s32 $_tile_overlayer_lowered  }
0x9b: {  	s22 =	simm.s32 $0x1BFF;
	s21 =	sshll.u32 s5, $0x1;
	s2 =	sadd.s32 s19, s18  }
0x9c: {  	s6 =	simm.s32 $0x0;
	s20 =	sshll.u32 s4, $0x1;
	s4 =	sadd.s32 s21, s2  }
0x9d: {  	[timem:s6], [sflag:s22] =	dma.local [hbm:s4], s20  }
0x9e: {  	_ =	swait.ge [sflag:s22], s20  }
0x9f: {  	s3 =	ssub.s32 $0x0, s20;
	[sflag:s22] =	ssyncset.done $0x0  }
0xa0: {  	[sflag:s22] =	ssyncadd.s32 s3;
	_ =	sdelay $0x1  }
0xa1: {  	s23 =	simm.s32 $0x1B8B  }
0xa2: {  	_ =	swait.ge [sflag:s23], $0x1  }
0xa3: {  	[sflag:s23] =	ssyncset.done $0x0  }
0xa4: {  	s25 =	simm.s32 $0x1B8E;
	s24 =	sld [smem:$0x3FFE];
	[sflag:s23] =	ssyncadd.s32 $0xFFFFFFFF  }
0xa5: {  	s26 =	simm.s32 $execute0_lowered;
	[smem:$0x3FD2] =	sst s25  }
0xa6: {  	s4 =	sshll.u32 s26, $0x1;
	_ =	strace $0x80000046;
	[dreg:$0x1] =	wrdreg $0xFFFFFFFF  }
0xa7: {  	s28 =	simm.s32 $_size_execute0_lowered;
	s2 =	sadd.s32 s2, s4;
	[dreg:$0x0] =	wrdreg $0x0  }
0xa8: {  	s4 =	sshll.u32 s28, $0x1;
	[dreg:$0x2] =	wrdreg s2  }
0xa9: {  	[dreg:$0x3] =	wrdreg s4  }
0xaa: {  	[dreg:$0x4] =	wrdreg $0xC0  }
0xab: {  	_ =	task [dreg:s6], $0x5FFFF  }
0xac: {  	[dreg:$0x1] =	wrdreg $0xFFFFFFFF  }
0xad: {  	[dreg:$0x0] =	wrdreg $0x60  }
0xae: {  	[dreg:$0x2] =	wrdreg s24  }
0xaf: {  	[dreg:$0x3] =	wrdreg $0x40800  }
0xb0: {  	[dreg:$0x4] =	wrdreg $0x9  }
0xb1: {  	_ =	task.clear_ibuf [dreg:s6], $0x5FFFF;
	_ =	strace $0x90000046  }
0xb2: {  	s29 =	simm.s32 $0x9;
	_ =	strace $0x80000048  }
0xb3: {  	_ =	swait.ge [sflag:s29], $0x1  }
0xb4: {  	[sflag:s29] =	ssyncadd.s32 $0xFFFFFFFF  }
0xb5: {  	_ =	strace $0x90000048  }
0xb6: {  	_ =	sfence  }
0xb7: {  	s30 =	sld [smem:$0x0];
	_ =	sdelay $0x2  }
0xb8: {  	s31 =	sshll.u32 s1, $0xD;
	s1 =	sshrl.u32 s1, $0x2  }
0xb9: {  	s3 =	sand.u32 $0x4000, s31;
	s1 =	sadd.s32 s1, s30  }
0xba: {  	s0 =	sor.u32 s3, s0;
	s1 =	sshll.u32 s1, $0x11  }
0xbb: {  	s0 =	sor.u32 s1, s0  }
0xbc: {  	s0 =	sadd.s32 $0x8F2B, s0  }
0xbd: {  	[sflag:s0] =	ssyncadd.remote.s32 $0x1  }
0xbe: {  	_ =	sfence.sel $0xFFFF  }
0xbf: {  	[dreg:$0x0] =	wrdreg $0xFFFFFFFF;
	(pc) =	sbr.abs _section_cstart, $3  }
0xc0: {  	[dreg:$0x1] =	wrdreg $0xFFFFFFFF  }
0xc1: {  	_ =	task.clear_ibuf [dreg:s6], $0x2FFFF;
	_ =	strace $0x9FFFFFFF  }
0xc2: {  	(tm) =	ssettm $0x7FFFFFFF  }
0xc3: {  	_ =	shalt  }
tec
execute0_lowered:
.L_overlay_start_1:
0x0: {  	(tag) =	ssettag $0x1  }
0x1: {  	s0 =	stileid.u32  }
0x2: {  	s1 =	srdreg.scid;
	s4 =	rddreg [dreg:$0x0]  }
0x3: {  	s2 =	rddreg [dreg:$0x1];
	s5 =	smul.u32 $0x4F000, s0  }
0x4: {  	s3 =	simm.s32 $0x0;
	s17 =	simm.s32 $0x0;
	s8 =	smul.u32 $0x13C00, s0  }
0x5: {  	s6 =	sand.u32 $0x1, s1;
	s1 =	rddreg [dreg:$0x2];
	s9 =	smul.u32 $0x9E0, s0  }
0x6: {  	[smem:$0x7FF] =	sst s3;
	s15 =	sshll.u32 s0, $0x6;
	s7 =	smul.u32 $0x13C000, s6  }
0x7: {  	_ =	strace $0x80000047;
	s29 =	ssub.s32 $0x2, s6;
	s12 =	smul.u32 $0x27800, s6  }
0x8: {  	s14 =	smul.u32 $0x4F0, s6;
	s15 =	sor.u32 $0x1C01, s15;
	s10 =	sadd.s32 s5, s4  }
0x9: {  	s11 =	sadd.s32 s9, s4;
	s30 =	sshrl.u32 s5, $0x2;
	s31 =	sshrl.u32 s29, $0x1  }
0xa: {  	s7 =	sadd.s32 s8, s7;
	s13 =	ssub.s32 s29, s31;
	s12 =	sadd.s32 s12, s10  }
0xb: {  	s14 =	sadd.s32 s14, s11;
	s7 =	sshrl.u32 s7, $0x3;
	s10 =	smax.u32 s13, $0x1  }
0xc: {  	s11 =	sadd.s32 $0x4F8E00, s12;
	s12 =	sadd.s32 $0x2E00, s14;
	s13 =	simm.s32 $0x80  }
0xd: {  	s14 =	simm.s32 $0x1;
	s28 =	sadd.s32 s7, s4;
	s4 =	sadd.s32 s30, s2  }
0xe: {  	s5 =	sadd.s32 $0x4000, s4;
	s6 =	sadd.s32 $0x8000, s4;
	s7 =	sadd.s32 $0xC000, s4  }
0xf: {  	v0 =	vimm.f32 $0.0e+00;
	s8 =	sadd.s32 $0x10000, s4;
	s9 =	sadd.s32 $0xCC00, s28;
	s16 =	sshrl.u32 s4, $0x3  }
.LBB2_1:
0x10: {  	s18 =	simm.s32 $0x0;
	s19 =	simm.s32 $0x200  }
.LBB2_2:
0x11: {  	p0 =	sne.s32 s19, $0xFE00;
	[tilespmem:s18+$0xF0] =	vst v0  }
0x12: {  	[tilespmem:s18+$0x80] =	vst v0  }
0x13: {  	[tilespmem:s18+$0x90] =	vst v0  }
.Ltmp0:
0x14: {  	[tilespmem:s18+$0xA0] =	vst v0;
	(pc) =	sbr.rel @p0 .LBB2_2-.Ltmp0, $4  }
0x15: {  	[tilespmem:s18+$0xB0] =	vst v0  }
0x16: {  	[tilespmem:s18+$0xC0] =	vst v0  }
0x17: {  	[tilespmem:s18+$0xD0] =	vst v0  }
0x18: {  	[tilespmem:s18+$0xE0] =	vst v0;
	s18 =	sshra.s32 s19, $0x2;
	s19 =	sadd.s32 $0x200, s19  }
0x19: {  	[tilespmem:s18+$0xF0] =	vst v0  }
0x1a: {  	[tilespmem:s18+$0x80] =	vst v0  }
0x1b: {  	[tilespmem:s18+$0x90] =	vst v0  }
0x1c: {  	[tilespmem:s18+$0xA0] =	vst v0  }
0x1d: {  	[tilespmem:s18+$0xB0] =	vst v0  }
0x1e: {  	[tilespmem:s18+$0xC0] =	vst v0  }
0x1f: {  	[tilespmem:s18+$0xD0] =	vst v0  }
0x20: {  	[tilespmem:s18+$0xE0] =	vst v0  }
0x21: {  	[spmem:s4] =	stream.linear.scatter [tilespmem:s13], [sflag:$0x1], $0x4000, $0x38;
	[tilespmem:$0x17C80] =	vst v63  }
0x22: {  	_ =	swait.ge [sflag:s14], $0x4000  }
0x23: {  	[sflag:s14] =	ssyncset.done $0x0  }
0x24: {  	[sflag:s14] =	ssyncadd.s32 $0xFFFFC000  }
0x25: {  	[spmem:s5] =	stream.linear.scatter [tilespmem:s13], [sflag:$0x1], $0x4000, $0x38;
	[tilespmem:$0x17C80] =	vst v63  }
0x26: {  	_ =	swait.ge [sflag:s14], $0x4000  }
0x27: {  	[sflag:s14] =	ssyncset.done $0x0  }
0x28: {  	[sflag:s14] =	ssyncadd.s32 $0xFFFFC000  }
0x29: {  	[spmem:s6] =	stream.linear.scatter [tilespmem:s13], [sflag:$0x1], $0x4000, $0x38;
	[tilespmem:$0x17C80] =	vst v63  }
0x2a: {  	_ =	swait.ge [sflag:s14], $0x4000  }
0x2b: {  	[sflag:s14] =	ssyncset.done $0x0  }
0x2c: {  	[sflag:s14] =	ssyncadd.s32 $0xFFFFC000  }
0x2d: {  	[spmem:s7] =	stream.linear.scatter [tilespmem:s13], [sflag:$0x1], $0x4000, $0x38;
	[tilespmem:$0x17C80] =	vst v63  }
0x2e: {  	_ =	swait.ge [sflag:s14], $0x4000  }
0x2f: {  	[sflag:s14] =	ssyncset.done $0x0  }
0x30: {  	[sflag:s14] =	ssyncadd.s32 $0xFFFFC000  }
0x31: {  	[spmem:s8] =	stream.linear.scatter [tilespmem:s13], [sflag:$0x1], $0x3C00, $0x38;
	[tilespmem:$0x17C80] =	vst v63  }
0x32: {  	_ =	swait.ge [sflag:s14], $0x3C00  }
0x33: {  	[sflag:s14] =	ssyncset.done $0x0  }
0x34: {  	[sflag:s14] =	ssyncadd.s32 $0xFFFFC400  }
0x35: {  	s31 =	sadd.s32 $0x0, s12;
	[bflag:$0x0] =	sbarrier.arrive $0xFFFF  }
0x36: {  	[tilespmem:s3], [sflag:$0x1] =	stream.linear.gather [hbm4b:s31+s3], $0x80, $0x38;
	[tilespmem:$0x17C80] =	vst v63  }
0x37: {  	_ =	swait.ge [sflag:s14], $0x80  }
0x38: {  	[sflag:s14] =	ssyncset.done $0x0  }
0x39: {  	[sflag:s14] =	ssyncadd.s32 $0xFFFFFF80  }
0x3a: {  	[tilespmem:s13], [sflag:$0x1] =	stream.linear.gather [hbm4b:s11+s3], $0x4000, $0x38;
	[tilespmem:$0x17C80] =	vst v63  }
0x3b: {  	_ =	swait.ge [sflag:s14], $0x4000  }
0x3c: {  	[sflag:s14] =	ssyncset.done $0x0  }
0x3d: {  	[sflag:s14] =	ssyncadd.s32 $0xFFFFC000  }
0x3e: {  	[spmem:s2] =	stream.indirect.scatter.add.f32 [tilespmem:s13], [sflag:$0x1], $0x80, s3, s13, $0xb8;
	[tilespmem:$0x17C80] =	vst v63  }
0x3f: {  	s19 =	simm.s32 $0x10;
	_ =	swait.ge [sflag:s14], $0x4000  }
0x40: {  	s20 =	simm.s32 $0x20;
	s18 =	sadd.s32 $0x800, s11;
	[sflag:s14] =	ssyncset.done $0x0  }
.LBB2_4:
0x41: {  	s21 =	sadd.s32 s19, s12  }
0x42: {  	[sflag:s14] =	ssyncadd.s32 $0xFFFFC000;
	s19 =	smov.u32 s20;
	s22 =	sadd.s32 $0x10, s20  }
0x43: {  	[tilespmem:s3], [sflag:$0x1] =	stream.linear.gather [hbm4b:s21+s3], $0x80, $0x38;
	[tilespmem:$0x17C80] =	vst v63  }
0x44: {  	p0 =	sne.s32 s20, $0x4E0;
	_ =	swait.ge [sflag:s14], $0x80  }
0x45: {  	[sflag:s14] =	ssyncset.done $0x0  }
0x46: {  	[sflag:s14] =	ssyncadd.s32 $0xFFFFFF80  }
0x47: {  	[tilespmem:s13], [sflag:$0x1] =	stream.linear.gather [hbm4b:s18+s3], $0x4000, $0x38;
	[tilespmem:$0x17C80] =	vst v63  }
0x48: {  	_ =	swait.ge [sflag:s14], $0x4000  }
.Ltmp1:
0x49: {  	[sflag:s14] =	ssyncset.done $0x0;
	(pc) =	sbr.rel @p0 .LBB2_4-.Ltmp1, $4  }
0x4a: {  	[sflag:s14] =	ssyncadd.s32 $0xFFFFC000  }
0x4b: {  	[spmem:s2] =	stream.indirect.scatter.add.f32 [tilespmem:s13], [sflag:$0x1], $0x80, s3, s13, $0xb8;
	[tilespmem:$0x17C80] =	vst v63  }
0x4c: {  	_ =	swait.ge [sflag:s14], $0x4000  }
0x4d: {  	s20 =	smov.u32 s22;
	s18 =	sadd.s32 $0x800, s18;
	[sflag:s14] =	ssyncset.done $0x0  }
0x4e: {  	s19 =	sadd.s32 s19, s12;
	[sflag:s14] =	ssyncadd.s32 $0xFFFFC000  }
0x4f: {  	[tilespmem:s3], [sflag:$0x1] =	stream.linear.gather [hbm4b:s19+s3], $0x80, $0x38;
	[tilespmem:$0x17C80] =	vst v63  }
0x50: {  	_ =	swait.ge [sflag:s14], $0x80  }
0x51: {  	[sflag:s14] =	ssyncset.done $0x0  }
0x52: {  	[sflag:s14] =	ssyncadd.s32 $0xFFFFFF80  }
0x53: {  	[tilespmem:s13], [sflag:$0x1] =	stream.linear.gather [hbm4b:s18+s3], $0x4000, $0x38;
	[tilespmem:$0x17C80] =	vst v63  }
0x54: {  	_ =	swait.ge [sflag:s14], $0x4000  }
0x55: {  	[sflag:s14] =	ssyncset.done $0x0  }
0x56: {  	[sflag:s14] =	ssyncadd.s32 $0xFFFFC000  }
0x57: {  	[spmem:s2] =	stream.indirect.scatter.add.f32 [tilespmem:s13], [sflag:$0x1], $0x80, s3, s13, $0xb8;
	[tilespmem:$0x17C80] =	vst v63  }
0x58: {  	_ =	swait.ge [sflag:s14], $0x4000  }
0x59: {  	s17 =	sadd.s32 $0x1, s17;
	[sflag:s14] =	ssyncset.done $0x0  }
0x5a: {  	p0 =	sne.s32 s17, s10;
	[sflag:s14] =	ssyncadd.s32 $0xFFFFC000  }
.Ltmp2:
0x5b: {  	[bflag:$0x0] =	sbarrier.arrive $0xFFFF;
	(pc) =	sbr.rel @p0 .LBB2_1-.Ltmp2, $4  }
0x5c: {  	[hbm:s9], [sflag:s15] =	dma.local [spmem:s16], $0x2780  }
0x5d: {  	_ =	swait.ge [sflag:s14], $0x2780  }
0x5e: {  	[sflag:s14] =	ssyncset.done $0x0  }
0x5f: {  	[sflag:s14] =	ssyncadd.s32 $0xFFFFD880  }
0x60: {  	_ =	sfence.sel $0x180000  }
0x61: {  	[bflag:$0x0] =	sbarrier.arrive $0xFFFF  }
0x62: {  	p0 =	sne.s32 s0, $0x0;
	_ =	strace $0x90000047  }
0x63: {  	s0 =	sadd.s32 @!p0 $0x100000, s1;
	[bflag:$0x2] =	sbarrier.arrive $0xFFFF  }
0x64: {  	[sflag:s0] =	ssyncadd.tile.s32 @!p0 $0x1;
	_ =	shalt  }
.Lfunc_end2:
_tile_overlayer_lowered:
.L_overlay_start_2:
0x65: {  	(tag) =	ssettag $0x2  }
0x66: {  	s0 =	rddreg [dreg:$0x0];
	s2 =	stileid.u32  }
0x67: {  	s1 =	rddreg [dreg:$0x1];
	p0 =	sne.s32 s2, $0x0  }
0x68: {  	s3 =	rddreg [dreg:$0x2];
	[bflag:$0x3] =	sbarrier.arrive $0xFFFF;
	s2 =	simm.s32 @!p0 $0x1C01  }
0x69: {  	[timem:s3], [sflag:s2] =	dma.local @!p0 [hbm:s0], s1  }
0x6a: {  	s0 =	simm.s32 @!p0 $0x1  }
0x6b: {  	_ =	swait.ge @!p0 [sflag:s0], s1  }
0x6c: {  	s1 =	ssub.s32 @!p0 $0x0, s1;
	[sflag:s0] =	ssyncset.done @!p0 $0x0  }
0x6d: {  	[sflag:s0] =	ssyncadd.s32 @!p0 s1  }
0x6e: {  	[bflag:$0x3] =	sbarrier.arrive $0xFFFF  }
0x6f: {  	_ =	shalt  }

</sc_bundles>
